<compile_context>
chip_gen: v7x
topology: tpu7x:2x2x1
jax: 0.10.2.dev20260603
libtpu: 0.0.44.dev20260713+nightly
codegen_flags: <defaults>
</compile_context>

<pallas_src>
import functools

import jax
import jax.numpy as jnp
from jax import lax
from jax.experimental import pallas as pl
from jax.experimental.pallas import tpu as pltpu
from jax.experimental.pallas import tpu_sc as plsc

N = 10000
E = 320000
D = 128

NC = 2
NS = 16
NW = NC * NS
EPW = E // NW
CH = 80
NCH = EPW // CH
NB = 5
NJ = NCH // NB
NPAD = 10240
NPS = NPAD // NS
CHS = 40
NCHS = EPW // CHS
NJS = NCHS // NB

_mesh = plsc.VectorSubcoreMesh(core_axis_name="c", subcore_axis_name="s")


@functools.partial(
    pl.kernel,
    out_type=jax.ShapeDtypeStruct((E, D), jnp.float32),
    mesh=_mesh,
    scratch_types=[
        pltpu.VMEM((EPW,), jnp.int32),
        pltpu.VMEM((NB, CH, D), jnp.float32),
        pltpu.SemaphoreType.DMA((NB,)),
        pltpu.SemaphoreType.DMA((NB,)),
    ],
)
def _gather_xj(x_hbm, src_hbm, xj_hbm, idx_all, rows_v, gsem, ssem):
    wid = lax.axis_index("s") * NC + lax.axis_index("c")
    base = wid * EPW
    pltpu.sync_copy(src_hbm.at[pl.ds(base, EPW)], idx_all)

    def gath(i, k):
        return pltpu.make_async_copy(
            x_hbm.at[idx_all.at[pl.ds(i * CH, CH)]], rows_v.at[k], gsem.at[k])

    def store(i, k):
        return pltpu.make_async_copy(
            rows_v.at[k], xj_hbm.at[pl.ds(base + i * CH, CH)], ssem.at[k])

    def body(j, carry):
        for k in range(NB):
            i = j * NB + k

            @pl.when(j >= 1)
            def _():
                store(i - NB, k).wait()

            gath(i, k).start()
        for k in range(NB):
            i = j * NB + k
            gath(i, k).wait()
            store(i, k).start()
        return carry

    lax.fori_loop(0, NJ, body, 0)
    for k in range(NB):
        store((NJ - 1) * NB + k, k).wait()


def _msg_body(emb_ref, xj_ref, w_ref, m_ref):
    rw = jnp.dot(emb_ref[...], w_ref[...], preferred_element_type=jnp.float32)
    m_ref[...] = rw * xj_ref[...]


_BE = 2000


def _msg(edge_emb, xj, l_weight):
    return pl.pallas_call(
        _msg_body,
        grid=(E // _BE,),
        in_specs=[
            pl.BlockSpec((_BE, D), lambda i: (i, 0)),
            pl.BlockSpec((_BE, D), lambda i: (i, 0)),
            pl.BlockSpec((D, D), lambda i: (0, 0)),
        ],
        out_specs=pl.BlockSpec((_BE, D), lambda i: (i, 0)),
        out_shape=jax.ShapeDtypeStruct((E, D), jnp.float32),
        compiler_params=pltpu.CompilerParams(
            dimension_semantics=("arbitrary",)),
    )(edge_emb, xj, l_weight)


@functools.partial(
    pl.kernel,
    out_type=jax.ShapeDtypeStruct((NC * NPAD, D), jnp.float32),
    mesh=_mesh,
    scratch_types=[
        pltpu.VMEM((NB, CHS), jnp.int32),
        pltpu.VMEM((NB, CHS, D), jnp.float32),
        pltpu.VMEM_SHARED((NPAD, D), jnp.float32),
        pltpu.SemaphoreType.DMA((NB,)),
        pltpu.SemaphoreType.DMA((NB,)),
        pltpu.SemaphoreType.DMA((NB,)),
    ],
)
def _scatter_sums(m_hbm, dst3_hbm, za_hbm, pa_hbm,
                  idxb, m_v, acc_a, isem, msem, scsem):
    c = lax.axis_index("c")
    s = lax.axis_index("s")
    wid = s * NC + c
    base = wid * EPW

    pltpu.sync_copy(za_hbm.at[pl.ds(s * NPS, NPS)], acc_a.at[pl.ds(s * NPS, NPS)])
    plsc.subcore_barrier()

    def iload(i, k):
        return pltpu.make_async_copy(
            dst3_hbm.at[wid, i], idxb.at[k], isem.at[k])

    def mload(i, k):
        return pltpu.make_async_copy(
            m_hbm.at[pl.ds(base + i * CHS, CHS)], m_v.at[k], msem.at[k])

    def scat(i, k):
        return pltpu.make_async_copy(
            m_v.at[k], acc_a.at[idxb.at[k]], scsem.at[k])

    def body(j, carry):
        for k in range(NB):
            i = j * NB + k

            @pl.when(j >= 1)
            def _():
                scat(i - NB, k).wait()

            iload(i, k).start()
            mload(i, k).start()
        for k in range(NB):
            i = j * NB + k
            iload(i, k).wait()
            mload(i, k).wait()
            pltpu.async_copy(m_v.at[k], acc_a.at[idxb.at[k]],
                             scsem.at[k], add=True)
        return carry

    lax.fori_loop(0, NJS, body, 0)
    for k in range(NB):
        scat((NJS - 1) * NB + k, k).wait()
    plsc.subcore_barrier()

    out_row = c * NPAD + s * NPS
    pltpu.sync_copy(acc_a.at[pl.ds(s * NPS, NPS)], pa_hbm.at[pl.ds(out_row, NPS)])


@functools.partial(
    pl.kernel,
    out_type=jax.ShapeDtypeStruct((NC * NPAD, D), jnp.float32),
    mesh=_mesh,
    scratch_types=[
        pltpu.VMEM((NB, CHS), jnp.int32),
        pltpu.VMEM((CHS, D), jnp.float32),
        pltpu.VMEM_SHARED((NPAD, D), jnp.float32),
        pltpu.SemaphoreType.DMA((NB,)),
        pltpu.SemaphoreType.DMA((NB,)),
    ],
)
def _scatter_counts(dst3_hbm, za_hbm, ones_hbm, pc_hbm,
                    idxb, ones_v, acc_c, isem, csem):
    c = lax.axis_index("c")
    s = lax.axis_index("s")
    wid = s * NC + c

    pltpu.sync_copy(za_hbm.at[pl.ds(s * NPS, NPS)], acc_c.at[pl.ds(s * NPS, NPS)])
    pltpu.sync_copy(ones_hbm, ones_v)
    plsc.subcore_barrier()

    def iload(i, k):
        return pltpu.make_async_copy(
            dst3_hbm.at[wid, i], idxb.at[k], isem.at[k])

    def cscat(i, k):
        return pltpu.make_async_copy(
            ones_v, acc_c.at[idxb.at[k]], csem.at[k])

    def body(j, carry):
        for k in range(NB):
            i = j * NB + k

            @pl.when(j >= 1)
            def _():
                cscat(i - NB, k).wait()

            iload(i, k).start()
        for k in range(NB):
            i = j * NB + k
            iload(i, k).wait()
            pltpu.async_copy(ones_v, acc_c.at[idxb.at[k]],
                             csem.at[k], add=True)
        return carry

    lax.fori_loop(0, NJS, body, 0)
    for k in range(NB):
        cscat((NJS - 1) * NB + k, k).wait()
    plsc.subcore_barrier()

    out_row = c * NPAD + s * NPS
    pltpu.sync_copy(acc_c.at[pl.ds(s * NPS, NPS)], pc_hbm.at[pl.ds(out_row, NPS)])


_BN = 1024


def _combine_body(pa_ref, pc_ref, x_ref, root_ref, bias_ref, out_ref):
    ssum = pa_ref[0] + pa_ref[1]
    cnt = pc_ref[0][:, 0:1] + pc_ref[1][:, 0:1]
    xr = jnp.dot(x_ref[...], root_ref[...], preferred_element_type=jnp.float32)
    out_ref[...] = ssum / jnp.maximum(cnt, 1.0) + xr + bias_ref[...]


def _combine(pa, pc, x, root, bias2d):
    return pl.pallas_call(
        _combine_body,
        grid=(NPAD // _BN,),
        in_specs=[
            pl.BlockSpec((NC, _BN, D), lambda i: (0, i, 0)),
            pl.BlockSpec((NC, _BN, D), lambda i: (0, i, 0)),
            pl.BlockSpec((_BN, D), lambda i: (i, 0)),
            pl.BlockSpec((D, D), lambda i: (0, 0)),
            pl.BlockSpec((1, D), lambda i: (0, 0)),
        ],
        out_specs=pl.BlockSpec((_BN, D), lambda i: (i, 0)),
        out_shape=jax.ShapeDtypeStruct((NPAD, D), jnp.float32),
        compiler_params=pltpu.CompilerParams(
            dimension_semantics=("arbitrary",)),
    )(pa, pc, x, root, bias2d)


def kernel(x, edge_index, edge_emb, l_weight, root, message_bias):
    src = edge_index[0]
    dst3 = edge_index[1].reshape(NW, NCHS, CHS)
    za = jnp.zeros((NPAD, D), jnp.float32)
    ones = jnp.ones((CHS, D), jnp.float32)

    xj = _gather_xj(x, src)
    m = _msg(edge_emb, xj, l_weight)
    pa = _scatter_sums(m, dst3, za)
    pc = _scatter_counts(dst3, za, ones)
    xp = jnp.concatenate([x, jnp.zeros((NPAD - N, D), jnp.float32)], axis=0)
    out = _combine(pa.reshape(NC, NPAD, D), pc.reshape(NC, NPAD, D),
                   xp, root, message_bias.reshape(1, D))
    return out[:N]

# --- scband reference (transcript-rebuilt; emitter-appended) ---
"""Pipeline reference for scband-co-mpile-36249523978270 (READ-ONLY COPY).

The authoritative reference and input builder live on the scoring server;
editing this copy changes nothing except your own understanding.
"""

import jax, jax.numpy as jnp
import numpy as np

N = 10000
E = 320000
D = 128


def _glorot(key, shape):
    limit = (6.0 / (shape[0] + shape[1])) ** 0.5
    return jax.random.uniform(key, shape, minval=-limit, maxval=limit, dtype=jnp.float32)


def setup_inputs(seed: int = 0) -> dict:
    key = jax.random.key(seed)
    k1, k2, k3, k4, k5 = jax.random.split(key, 5)
    x = jax.random.normal(k1, (N, D), dtype=jnp.float32)
    edge_index = jax.random.randint(k2, (2, E), 0, N, dtype=jnp.int32)
    edge_emb = jax.random.normal(k3, (E, D), dtype=jnp.float32)
    l_weight = _glorot(k4, (D, D))
    root = _glorot(k5, (D, D))
    message_bias = jnp.zeros((D,), dtype=jnp.float32)
    return {"x": x, "edge_index": edge_index, "edge_emb": edge_emb,
            "l_weight": l_weight, "root": root, "message_bias": message_bias}


def reference(x, edge_index, edge_emb, l_weight, root, message_bias):
    # CustomRGCNConv forward (aggr='mean')
    src = edge_index[0]
    dst = edge_index[1]
    # message(): per-edge weight = edge_emb @ l_weight (bmm of [E,1,D] x [E,D,D])
    x_j = jnp.take(x, src, axis=0)                      # gather source node feats [E, D]
    r_weight = edge_emb @ l_weight                       # [E, D] (== squeezed bmm)
    mout = r_weight * x_j                                # [E, D]
    # aggregate: scatter-mean over destination nodes
    summed = jax.ops.segment_sum(mout, dst, num_segments=N)          # [N, D]
    counts = jax.ops.segment_sum(jnp.ones((E,), dtype=jnp.float32), dst, num_segments=N)
    out = summed / jnp.maximum(counts, 1.0)[:, None]
    # update: out + x @ root + bias
    out = out + x @ root
    out = out + message_bias
    return out

if __name__ == "__main__":
    import jax
    _d = setup_inputs()
    print(jax.jit(kernel)(*tuple(_d.values())))

</pallas_src>

<mosaic_0001>
#map = affine_map<(d0, d1) -> (0, 0, 0)>
#map1 = affine_map<(d0, d1) -> (0, 0)>
module attributes {stable_mosaic.version = 14 : i64} {
  func.func @_scatter_counts(%arg0: i32, %arg1: i32, %arg2: memref<32x250x40xi32, #tpu.memory_space<hbm>>, %arg3: memref<10240x128xf32, #tpu.memory_space<hbm>>, %arg4: memref<40x128xf32, #tpu.memory_space<hbm>>, %arg5: memref<20480x128xf32, #tpu.memory_space<hbm>>, %arg6: memref<5x40xi32, #tpu.memory_space<vmem>>, %arg7: memref<40x128xf32, #tpu.memory_space<vmem>>, %arg8: memref<10240x128xf32, #tpu.memory_space<vmem_shared>>, %arg9: memref<5x!tpu.dma_semaphore, #tpu.memory_space<semaphore_mem>>, %arg10: memref<5x!tpu.dma_semaphore, #tpu.memory_space<semaphore_mem>>) attributes {dimension_semantics = [#tpu.dimension_semantics<core_parallel>, #tpu.dimension_semantics<subcore_parallel>], iteration_bounds = array<i64: 2, 16>, scalar_prefetch = 0 : i64, scratch_operands = 5 : i64, tpu.core_type = #tpu.core_type<sc_vector_subcore>, window_params = [{transform_indices = #map}, {transform_indices = #map1}, {transform_indices = #map1}, {transform_indices = #map1}]} {
    %mul3A = arith.constant 2 : i32
    %mul3A_0 = arith.muli %arg1, %mul3A : i32
    %add3A = arith.addi %mul3A_0, %arg0 : i32
    %mul3A_1 = arith.constant 640 : i32
    %mul3A_2 = arith.muli %arg1, %mul3A_1 : i32
    %mul3A_3 = arith.constant 640 : i32
    %mul3A_4 = arith.muli %arg1, %mul3A_3 : i32
    "tpu.region"() ({
      %run_scoped3A = tpu.sem_alloc : memref<!tpu.dma_semaphore, #tpu.memory_space<semaphore_mem>>
      %dma_start3A = arith.constant 0 : i32
      %dma_start3A_67 = tpu.memref_slice %arg8[%mul3A_4, %dma_start3A] : memref<10240x128xf32, #tpu.memory_space<vmem_shared>> -> memref<640x128xf32, #tpu.memory_space<vmem_shared>>
      %dma_start3A_68 = arith.constant 0 : i32
      %dma_start3A_69 = tpu.memref_slice %arg3[%mul3A_2, %dma_start3A_68] : memref<10240x128xf32, #tpu.memory_space<hbm>> -> memref<640x128xf32, #tpu.memory_space<hbm>>
      tpu.enqueue_dma source(%dma_start3A_69 : memref<640x128xf32, #tpu.memory_space<hbm>>) target(%dma_start3A_67 : memref<640x128xf32, #tpu.memory_space<vmem_shared>>) target_semaphore(%run_scoped3A : memref<!tpu.dma_semaphore, #tpu.memory_space<semaphore_mem>>)
      %dma_wait3A_70 = arith.constant 0 : i32
      %dma_wait3A_71 = tpu.memref_slice %arg8[%mul3A_4, %dma_wait3A_70] : memref<10240x128xf32, #tpu.memory_space<vmem_shared>> -> memref<640x128xf32, #tpu.memory_space<vmem_shared>>
      %dma_wait3A_72 = arith.constant 0 : i32
      %dma_wait3A_73 = tpu.memref_slice %arg3[%mul3A_2, %dma_wait3A_72] : memref<10240x128xf32, #tpu.memory_space<hbm>> -> memref<640x128xf32, #tpu.memory_space<hbm>>
      tpu.wait_dma2 semaphore(%run_scoped3A : memref<!tpu.dma_semaphore, #tpu.memory_space<semaphore_mem>>) src(%dma_wait3A_73 : memref<640x128xf32, #tpu.memory_space<hbm>>) dst(%dma_wait3A_71 : memref<640x128xf32, #tpu.memory_space<vmem_shared>>)
      tpu.yield
    }) : () -> ()
    "tpu.region"() ({
      %run_scoped3A = tpu.sem_alloc : memref<!tpu.dma_semaphore, #tpu.memory_space<semaphore_mem>>
      tpu.enqueue_dma source(%arg4 : memref<40x128xf32, #tpu.memory_space<hbm>>) target(%arg7 : memref<40x128xf32, #tpu.memory_space<vmem>>) target_semaphore(%run_scoped3A : memref<!tpu.dma_semaphore, #tpu.memory_space<semaphore_mem>>)
      tpu.wait_dma2 semaphore(%run_scoped3A : memref<!tpu.dma_semaphore, #tpu.memory_space<semaphore_mem>>) src(%arg4 : memref<40x128xf32, #tpu.memory_space<hbm>>) dst(%arg7 : memref<40x128xf32, #tpu.memory_space<vmem>>)
      tpu.yield
    }) : () -> ()
    %barrier3A = arith.constant 0 : index
    tpu.barrier barrier_id(%barrier3A)
    %scan3A = arith.constant 0 : i32
    %scan3A_5 = arith.constant 0 : i32
    %scan3A_6 = arith.constant 50 : i32
    %scan3A_7 = arith.addi %scan3A_5, %scan3A_6 : i32
    %scan3A_8 = arith.constant 1 : i32
    scf.for %scan3A_67 = %scan3A_5 to %scan3A_7 step %scan3A_8  : i32 {
      %mul3A_68 = arith.constant 5 : i32
      %mul3A_69 = arith.muli %scan3A_67, %mul3A_68 : i32
      %add3A_70 = arith.constant 0 : i32
      %add3A_71 = arith.addi %mul3A_69, %add3A_70 : i32
      %ge3A = arith.constant 1 : i32
      %ge3A_72 = arith.cmpi sge, %scan3A_67, %ge3A : i32
      %convert_element_type3A = arith.extui %ge3A_72 : i1 to i32
      %cond3A = arith.constant 0 : i32
      %cond3A_73 = arith.cmpi ne, %convert_element_type3A, %cond3A : i32
      scf.if %cond3A_73 {
        %sub3A = arith.constant 5 : i32
        %sub3A_339 = arith.subi %add3A_71, %sub3A : i32
        %dma_wait3A_340 = arith.constant 0 : i32
        %dma_wait3A_341 = arith.constant 0 : i32
        %dma_wait3A_342 = arith.constant 0 : i32
        %dma_wait3A_343 = tpu.memref_slice %arg6[%dma_wait3A_340, %dma_wait3A_342] : memref<5x40xi32, #tpu.memory_space<vmem>> -> memref<1x40xi32, #tpu.memory_space<vmem>>
        %dma_wait3A_344 = tpu.memref_squeeze %dma_wait3A_343 : memref<1x40xi32, #tpu.memory_space<vmem>> -> memref<40xi32, #tpu.memory_space<vmem>>
        %dma_wait3A_345 = arith.constant 0 : i32
        %dma_wait3A_346 = arith.constant 0 : i32
        %dma_wait3A_347 = tpu.memref_slice %arg8[%dma_wait3A_345, %dma_wait3A_346] : memref<10240x128xf32, #tpu.memory_space<vmem_shared>> -> memref<10240x128xf32, #tpu.memory_space<vmem_shared>>
        %dma_wait3A_348 = tpu.memref_slice %arg10[%dma_wait3A_341] : memref<5x!tpu.dma_semaphore, #tpu.memory_space<semaphore_mem>> -> memref<1x!tpu.dma_semaphore, #tpu.memory_space<semaphore_mem>>
        %dma_wait3A_349 = tpu.memref_squeeze %dma_wait3A_348 : memref<1x!tpu.dma_semaphore, #tpu.memory_space<semaphore_mem>> -> memref<!tpu.dma_semaphore, #tpu.memory_space<semaphore_mem>>
        tpu.wait_indirect_dma semaphore(%dma_wait3A_349 : memref<!tpu.dma_semaphore, #tpu.memory_space<semaphore_mem>>) src(%arg7 : memref<40x128xf32, #tpu.memory_space<vmem>>) dst(%dma_wait3A_347 : memref<10240x128xf32, #tpu.memory_space<vmem_shared>>)
      } else {
      }
      %dma_start3A = arith.constant 0 : i32
      %dma_start3A_74 = arith.constant 0 : i32
      %dma_start3A_75 = arith.constant 0 : i32
      %dma_start3A_76 = tpu.memref_slice %arg6[%dma_start3A, %dma_start3A_75] : memref<5x40xi32, #tpu.memory_space<vmem>> -> memref<1x40xi32, #tpu.memory_space<vmem>>
      %dma_start3A_77 = tpu.memref_squeeze %dma_start3A_76 : memref<1x40xi32, #tpu.memory_space<vmem>> -> memref<40xi32, #tpu.memory_space<vmem>>
      %dma_start3A_78 = arith.constant 0 : i32
      %dma_start3A_79 = tpu.memref_slice %arg2[%add3A, %add3A_71, %dma_start3A_78] : memref<32x250x40xi32, #tpu.memory_space<hbm>> -> memref<1x1x40xi32, #tpu.memory_space<hbm>>
      %dma_start3A_80 = tpu.memref_squeeze %dma_start3A_79 : memref<1x1x40xi32, #tpu.memory_space<hbm>> -> memref<40xi32, #tpu.memory_space<hbm>>
      %dma_start3A_81 = tpu.memref_slice %arg9[%dma_start3A_74] : memref<5x!tpu.dma_semaphore, #tpu.memory_space<semaphore_mem>> -> memref<1x!tpu.dma_semaphore, #tpu.memory_space<semaphore_mem>>
      %dma_start3A_82 = tpu.memref_squeeze %dma_start3A_81 : memref<1x!tpu.dma_semaphore, #tpu.memory_space<semaphore_mem>> -> memref<!tpu.dma_semaphore, #tpu.memory_space<semaphore_mem>>
      %dma_start3A_83 = arith.constant 0 : i32
      %dma_start3A_84 = tpu.memref_slice %arg6[%dma_start3A, %dma_start3A_83] : memref<5x40xi32, #tpu.memory_space<vmem>> -> memref<1x40xi32, #tpu.memory_space<vmem>>
      %dma_start3A_85 = tpu.memref_squeeze %dma_start3A_84 : memref<1x40xi32, #tpu.memory_space<vmem>> -> memref<40xi32, #tpu.memory_space<vmem>>
      %dma_start3A_86 = arith.constant 0 : i32
      %dma_start3A_87 = tpu.memref_slice %arg2[%add3A, %add3A_71, %dma_start3A_86] : memref<32x250x40xi32, #tpu.memory_space<hbm>> -> memref<1x1x40xi32, #tpu.memory_space<hbm>>
      %dma_start3A_88 = tpu.memref_squeeze %dma_start3A_87 : memref<1x1x40xi32, #tpu.memory_space<hbm>> -> memref<40xi32, #tpu.memory_space<hbm>>
      tpu.enqueue_dma source(%dma_start3A_88 : memref<40xi32, #tpu.memory_space<hbm>>) target(%dma_start3A_85 : memref<40xi32, #tpu.memory_space<vmem>>) target_semaphore(%dma_start3A_82 : memref<!tpu.dma_semaphore, #tpu.memory_space<semaphore_mem>>)
      %mul3A_89 = arith.constant 5 : i32
      %mul3A_90 = arith.muli %scan3A_67, %mul3A_89 : i32
      %add3A_91 = arith.constant 1 : i32
      %add3A_92 = arith.addi %mul3A_90, %add3A_91 : i32
      %ge3A_93 = arith.constant 1 : i32
      %ge3A_94 = arith.cmpi sge, %scan3A_67, %ge3A_93 : i32
      %convert_element_type3A_95 = arith.extui %ge3A_94 : i1 to i32
      %cond3A_96 = arith.constant 0 : i32
      %cond3A_97 = arith.cmpi ne, %convert_element_type3A_95, %cond3A_96 : i32
      scf.if %cond3A_97 {
        %sub3A = arith.constant 5 : i32
        %sub3A_339 = arith.subi %add3A_92, %sub3A : i32
        %dma_wait3A_340 = arith.constant 1 : i32
        %dma_wait3A_341 = arith.constant 1 : i32
        %dma_wait3A_342 = arith.constant 0 : i32
        %dma_wait3A_343 = tpu.memref_slice %arg6[%dma_wait3A_340, %dma_wait3A_342] : memref<5x40xi32, #tpu.memory_space<vmem>> -> memref<1x40xi32, #tpu.memory_space<vmem>>
        %dma_wait3A_344 = tpu.memref_squeeze %dma_wait3A_343 : memref<1x40xi32, #tpu.memory_space<vmem>> -> memref<40xi32, #tpu.memory_space<vmem>>
        %dma_wait3A_345 = arith.constant 0 : i32
        %dma_wait3A_346 = arith.constant 0 : i32
        %dma_wait3A_347 = tpu.memref_slice %arg8[%dma_wait3A_345, %dma_wait3A_346] : memref<10240x128xf32, #tpu.memory_space<vmem_shared>> -> memref<10240x128xf32, #tpu.memory_space<vmem_shared>>
        %dma_wait3A_348 = tpu.memref_slice %arg10[%dma_wait3A_341] : memref<5x!tpu.dma_semaphore, #tpu.memory_space<semaphore_mem>> -> memref<1x!tpu.dma_semaphore, #tpu.memory_space<semaphore_mem>>
        %dma_wait3A_349 = tpu.memref_squeeze %dma_wait3A_348 : memref<1x!tpu.dma_semaphore, #tpu.memory_space<semaphore_mem>> -> memref<!tpu.dma_semaphore, #tpu.memory_space<semaphore_mem>>
        tpu.wait_indirect_dma semaphore(%dma_wait3A_349 : memref<!tpu.dma_semaphore, #tpu.memory_space<semaphore_mem>>) src(%arg7 : memref<40x128xf32, #tpu.memory_space<vmem>>) dst(%dma_wait3A_347 : memref<10240x128xf32, #tpu.memory_space<vmem_shared>>)
      } else {
      }
      %dma_start3A_98 = arith.constant 1 : i32
      %dma_start3A_99 = arith.constant 1 : i32
      %dma_start3A_100 = arith.constant 0 : i32
      %dma_start3A_101 = tpu.memref_slice %arg6[%dma_start3A_98, %dma_start3A_100] : memref<5x40xi32, #tpu.memory_space<vmem>> -> memref<1x40xi32, #tpu.memory_space<vmem>>
      %dma_start3A_102 = tpu.memref_squeeze %dma_start3A_101 : memref<1x40xi32, #tpu.memory_space<vmem>> -> memref<40xi32, #tpu.memory_space<vmem>>
      %dma_start3A_103 = arith.constant 0 : i32
      %dma_start3A_104 = tpu.memref_slice %arg2[%add3A, %add3A_92, %dma_start3A_103] : memref<32x250x40xi32, #tpu.memory_space<hbm>> -> memref<1x1x40xi32, #tpu.memory_space<hbm>>
      %dma_start3A_105 = tpu.memref_squeeze %dma_start3A_104 : memref<1x1x40xi32, #tpu.memory_space<hbm>> -> memref<40xi32, #tpu.memory_space<hbm>>
      %dma_start3A_106 = tpu.memref_slice %arg9[%dma_start3A_99] : memref<5x!tpu.dma_semaphore, #tpu.memory_space<semaphore_mem>> -> memref<1x!tpu.dma_semaphore, #tpu.memory_space<semaphore_mem>>
      %dma_start3A_107 = tpu.memref_squeeze %dma_start3A_106 : memref<1x!tpu.dma_semaphore, #tpu.memory_space<semaphore_mem>> -> memref<!tpu.dma_semaphore, #tpu.memory_space<semaphore_mem>>
      %dma_start3A_108 = arith.constant 0 : i32
      %dma_start3A_109 = tpu.memref_slice %arg6[%dma_start3A_98, %dma_start3A_108] : memref<5x40xi32, #tpu.memory_space<vmem>> -> memref<1x40xi32, #tpu.memory_space<vmem>>
      %dma_start3A_110 = tpu.memref_squeeze %dma_start3A_109 : memref<1x40xi32, #tpu.memory_space<vmem>> -> memref<40xi32, #tpu.memory_space<vmem>>
      %dma_start3A_111 = arith.constant 0 : i32
      %dma_start3A_112 = tpu.memref_slice %arg2[%add3A, %add3A_92, %dma_start3A_111] : memref<32x250x40xi32, #tpu.memory_space<hbm>> -> memref<1x1x40xi32, #tpu.memory_space<hbm>>
      %dma_start3A_113 = tpu.memref_squeeze %dma_start3A_112 : memref<1x1x40xi32, #tpu.memory_space<hbm>> -> memref<40xi32, #tpu.memory_space<hbm>>
      tpu.enqueue_dma source(%dma_start3A_113 : memref<40xi32, #tpu.memory_space<hbm>>) target(%dma_start3A_110 : memref<40xi32, #tpu.memory_space<vmem>>) target_semaphore(%dma_start3A_107 : memref<!tpu.dma_semaphore, #tpu.memory_space<semaphore_mem>>)
      %mul3A_114 = arith.constant 5 : i32
      %mul3A_115 = arith.muli %scan3A_67, %mul3A_114 : i32
      %add3A_116 = arith.constant 2 : i32
      %add3A_117 = arith.addi %mul3A_115, %add3A_116 : i32
      %ge3A_118 = arith.constant 1 : i32
      %ge3A_119 = arith.cmpi sge, %scan3A_67, %ge3A_118 : i32
      %convert_element_type3A_120 = arith.extui %ge3A_119 : i1 to i32
      %cond3A_121 = arith.constant 0 : i32
      %cond3A_122 = arith.cmpi ne, %convert_element_type3A_120, %cond3A_121 : i32
      scf.if %cond3A_122 {
        %sub3A = arith.constant 5 : i32
        %sub3A_339 = arith.subi %add3A_117, %sub3A : i32
        %dma_wait3A_340 = arith.constant 2 : i32
        %dma_wait3A_341 = arith.constant 2 : i32
        %dma_wait3A_342 = arith.constant 0 : i32
        %dma_wait3A_343 = tpu.memref_slice %arg6[%dma_wait3A_340, %dma_wait3A_342] : memref<5x40xi32, #tpu.memory_space<vmem>> -> memref<1x40xi32, #tpu.memory_space<vmem>>
        %dma_wait3A_344 = tpu.memref_squeeze %dma_wait3A_343 : memref<1x40xi32, #tpu.memory_space<vmem>> -> memref<40xi32, #tpu.memory_space<vmem>>
        %dma_wait3A_345 = arith.constant 0 : i32
        %dma_wait3A_346 = arith.constant 0 : i32
        %dma_wait3A_347 = tpu.memref_slice %arg8[%dma_wait3A_345, %dma_wait3A_346] : memref<10240x128xf32, #tpu.memory_space<vmem_shared>> -> memref<10240x128xf32, #tpu.memory_space<vmem_shared>>
        %dma_wait3A_348 = tpu.memref_slice %arg10[%dma_wait3A_341] : memref<5x!tpu.dma_semaphore, #tpu.memory_space<semaphore_mem>> -> memref<1x!tpu.dma_semaphore, #tpu.memory_space<semaphore_mem>>
        %dma_wait3A_349 = tpu.memref_squeeze %dma_wait3A_348 : memref<1x!tpu.dma_semaphore, #tpu.memory_space<semaphore_mem>> -> memref<!tpu.dma_semaphore, #tpu.memory_space<semaphore_mem>>
        tpu.wait_indirect_dma semaphore(%dma_wait3A_349 : memref<!tpu.dma_semaphore, #tpu.memory_space<semaphore_mem>>) src(%arg7 : memref<40x128xf32, #tpu.memory_space<vmem>>) dst(%dma_wait3A_347 : memref<10240x128xf32, #tpu.memory_space<vmem_shared>>)
      } else {
      }
      %dma_start3A_123 = arith.constant 2 : i32
      %dma_start3A_124 = arith.constant 2 : i32
      %dma_start3A_125 = arith.constant 0 : i32
      %dma_start3A_126 = tpu.memref_slice %arg6[%dma_start3A_123, %dma_start3A_125] : memref<5x40xi32, #tpu.memory_space<vmem>> -> memref<1x40xi32, #tpu.memory_space<vmem>>
      %dma_start3A_127 = tpu.memref_squeeze %dma_start3A_126 : memref<1x40xi32, #tpu.memory_space<vmem>> -> memref<40xi32, #tpu.memory_space<vmem>>
      %dma_start3A_128 = arith.constant 0 : i32
      %dma_start3A_129 = tpu.memref_slice %arg2[%add3A, %add3A_117, %dma_start3A_128] : memref<32x250x40xi32, #tpu.memory_space<hbm>> -> memref<1x1x40xi32, #tpu.memory_space<hbm>>
      %dma_start3A_130 = tpu.memref_squeeze %dma_start3A_129 : memref<1x1x40xi32, #tpu.memory_space<hbm>> -> memref<40xi32, #tpu.memory_space<hbm>>
      %dma_start3A_131 = tpu.memref_slice %arg9[%dma_start3A_124] : memref<5x!tpu.dma_semaphore, #tpu.memory_space<semaphore_mem>> -> memref<1x!tpu.dma_semaphore, #tpu.memory_space<semaphore_mem>>
      %dma_start3A_132 = tpu.memref_squeeze %dma_start3A_131 : memref<1x!tpu.dma_semaphore, #tpu.memory_space<semaphore_mem>> -> memref<!tpu.dma_semaphore, #tpu.memory_space<semaphore_mem>>
      %dma_start3A_133 = arith.constant 0 : i32
      %dma_start3A_134 = tpu.memref_slice %arg6[%dma_start3A_123, %dma_start3A_133] : memref<5x40xi32, #tpu.memory_space<vmem>> -> memref<1x40xi32, #tpu.memory_space<vmem>>
      %dma_start3A_135 = tpu.memref_squeeze %dma_start3A_134 : memref<1x40xi32, #tpu.memory_space<vmem>> -> memref<40xi32, #tpu.memory_space<vmem>>
      %dma_start3A_136 = arith.constant 0 : i32
      %dma_start3A_137 = tpu.memref_slice %arg2[%add3A, %add3A_117, %dma_start3A_136] : memref<32x250x40xi32, #tpu.memory_space<hbm>> -> memref<1x1x40xi32, #tpu.memory_space<hbm>>
      %dma_start3A_138 = tpu.memref_squeeze %dma_start3A_137 : memref<1x1x40xi32, #tpu.memory_space<hbm>> -> memref<40xi32, #tpu.memory_space<hbm>>
      tpu.enqueue_dma source(%dma_start3A_138 : memref<40xi32, #tpu.memory_space<hbm>>) target(%dma_start3A_135 : memref<40xi32, #tpu.memory_space<vmem>>) target_semaphore(%dma_start3A_132 : memref<!tpu.dma_semaphore, #tpu.memory_space<semaphore_mem>>)
      %mul3A_139 = arith.constant 5 : i32
      %mul3A_140 = arith.muli %scan3A_67, %mul3A_139 : i32
      %add3A_141 = arith.constant 3 : i32
      %add3A_142 = arith.addi %mul3A_140, %add3A_141 : i32
      %ge3A_143 = arith.constant 1 : i32
      %ge3A_144 = arith.cmpi sge, %scan3A_67, %ge3A_143 : i32
      %convert_element_type3A_145 = arith.extui %ge3A_144 : i1 to i32
      %cond3A_146 = arith.constant 0 : i32
      %cond3A_147 = arith.cmpi ne, %convert_element_type3A_145, %cond3A_146 : i32
      scf.if %cond3A_147 {
        %sub3A = arith.constant 5 : i32
        %sub3A_339 = arith.subi %add3A_142, %sub3A : i32
        %dma_wait3A_340 = arith.constant 3 : i32
        %dma_wait3A_341 = arith.constant 3 : i32
        %dma_wait3A_342 = arith.constant 0 : i32
        %dma_wait3A_343 = tpu.memref_slice %arg6[%dma_wait3A_340, %dma_wait3A_342] : memref<5x40xi32, #tpu.memory_space<vmem>> -> memref<1x40xi32, #tpu.memory_space<vmem>>
        %dma_wait3A_344 = tpu.memref_squeeze %dma_wait3A_343 : memref<1x40xi32, #tpu.memory_space<vmem>> -> memref<40xi32, #tpu.memory_space<vmem>>
        %dma_wait3A_345 = arith.constant 0 : i32
        %dma_wait3A_346 = arith.constant 0 : i32
        %dma_wait3A_347 = tpu.memref_slice %arg8[%dma_wait3A_345, %dma_wait3A_346] : memref<10240x128xf32, #tpu.memory_space<vmem_shared>> -> memref<10240x128xf32, #tpu.memory_space<vmem_shared>>
        %dma_wait3A_348 = tpu.memref_slice %arg10[%dma_wait3A_341] : memref<5x!tpu.dma_semaphore, #tpu.memory_space<semaphore_mem>> -> memref<1x!tpu.dma_semaphore, #tpu.memory_space<semaphore_mem>>
        %dma_wait3A_349 = tpu.memref_squeeze %dma_wait3A_348 : memref<1x!tpu.dma_semaphore, #tpu.memory_space<semaphore_mem>> -> memref<!tpu.dma_semaphore, #tpu.memory_space<semaphore_mem>>
        tpu.wait_indirect_dma semaphore(%dma_wait3A_349 : memref<!tpu.dma_semaphore, #tpu.memory_space<semaphore_mem>>) src(%arg7 : memref<40x128xf32, #tpu.memory_space<vmem>>) dst(%dma_wait3A_347 : memref<10240x128xf32, #tpu.memory_space<vmem_shared>>)
      } else {
      }
      %dma_start3A_148 = arith.constant 3 : i32
      %dma_start3A_149 = arith.constant 3 : i32
      %dma_start3A_150 = arith.constant 0 : i32
      %dma_start3A_151 = tpu.memref_slice %arg6[%dma_start3A_148, %dma_start3A_150] : memref<5x40xi32, #tpu.memory_space<vmem>> -> memref<1x40xi32, #tpu.memory_space<vmem>>
      %dma_start3A_152 = tpu.memref_squeeze %dma_start3A_151 : memref<1x40xi32, #tpu.memory_space<vmem>> -> memref<40xi32, #tpu.memory_space<vmem>>
      %dma_start3A_153 = arith.constant 0 : i32
      %dma_start3A_154 = tpu.memref_slice %arg2[%add3A, %add3A_142, %dma_start3A_153] : memref<32x250x40xi32, #tpu.memory_space<hbm>> -> memref<1x1x40xi32, #tpu.memory_space<hbm>>
      %dma_start3A_155 = tpu.memref_squeeze %dma_start3A_154 : memref<1x1x40xi32, #tpu.memory_space<hbm>> -> memref<40xi32, #tpu.memory_space<hbm>>
      %dma_start3A_156 = tpu.memref_slice %arg9[%dma_start3A_149] : memref<5x!tpu.dma_semaphore, #tpu.memory_space<semaphore_mem>> -> memref<1x!tpu.dma_semaphore, #tpu.memory_space<semaphore_mem>>
      %dma_start3A_157 = tpu.memref_squeeze %dma_start3A_156 : memref<1x!tpu.dma_semaphore, #tpu.memory_space<semaphore_mem>> -> memref<!tpu.dma_semaphore, #tpu.memory_space<semaphore_mem>>
      %dma_start3A_158 = arith.constant 0 : i32
      %dma_start3A_159 = tpu.memref_slice %arg6[%dma_start3A_148, %dma_start3A_158] : memref<5x40xi32, #tpu.memory_space<vmem>> -> memref<1x40xi32, #tpu.memory_space<vmem>>
      %dma_start3A_160 = tpu.memref_squeeze %dma_start3A_159 : memref<1x40xi32, #tpu.memory_space<vmem>> -> memref<40xi32, #tpu.memory_space<vmem>>
      %dma_start3A_161 = arith.constant 0 : i32
      %dma_start3A_162 = tpu.memref_slice %arg2[%add3A, %add3A_142, %dma_start3A_161] : memref<32x250x40xi32, #tpu.memory_space<hbm>> -> memref<1x1x40xi32, #tpu.memory_space<hbm>>
      %dma_start3A_163 = tpu.memref_squeeze %dma_start3A_162 : memref<1x1x40xi32, #tpu.memory_space<hbm>> -> memref<40xi32, #tpu.memory_space<hbm>>
      tpu.enqueue_dma source(%dma_start3A_163 : memref<40xi32, #tpu.memory_space<hbm>>) target(%dma_start3A_160 : memref<40xi32, #tpu.memory_space<vmem>>) target_semaphore(%dma_start3A_157 : memref<!tpu.dma_semaphore, #tpu.memory_space<semaphore_mem>>)
      %mul3A_164 = arith.constant 5 : i32
      %mul3A_165 = arith.muli %scan3A_67, %mul3A_164 : i32
      %add3A_166 = arith.constant 4 : i32
      %add3A_167 = arith.addi %mul3A_165, %add3A_166 : i32
      %ge3A_168 = arith.constant 1 : i32
      %ge3A_169 = arith.cmpi sge, %scan3A_67, %ge3A_168 : i32
      %convert_element_type3A_170 = arith.extui %ge3A_169 : i1 to i32
      %cond3A_171 = arith.constant 0 : i32
      %cond3A_172 = arith.cmpi ne, %convert_element_type3A_170, %cond3A_171 : i32
      scf.if %cond3A_172 {
        %sub3A = arith.constant 5 : i32
        %sub3A_339 = arith.subi %add3A_167, %sub3A : i32
        %dma_wait3A_340 = arith.constant 4 : i32
        %dma_wait3A_341 = arith.constant 4 : i32
        %dma_wait3A_342 = arith.constant 0 : i32
        %dma_wait3A_343 = tpu.memref_slice %arg6[%dma_wait3A_340, %dma_wait3A_342] : memref<5x40xi32, #tpu.memory_space<vmem>> -> memref<1x40xi32, #tpu.memory_space<vmem>>
        %dma_wait3A_344 = tpu.memref_squeeze %dma_wait3A_343 : memref<1x40xi32, #tpu.memory_space<vmem>> -> memref<40xi32, #tpu.memory_space<vmem>>
        %dma_wait3A_345 = arith.constant 0 : i32
        %dma_wait3A_346 = arith.constant 0 : i32
        %dma_wait3A_347 = tpu.memref_slice %arg8[%dma_wait3A_345, %dma_wait3A_346] : memref<10240x128xf32, #tpu.memory_space<vmem_shared>> -> memref<10240x128xf32, #tpu.memory_space<vmem_shared>>
        %dma_wait3A_348 = tpu.memref_slice %arg10[%dma_wait3A_341] : memref<5x!tpu.dma_semaphore, #tpu.memory_space<semaphore_mem>> -> memref<1x!tpu.dma_semaphore, #tpu.memory_space<semaphore_mem>>
        %dma_wait3A_349 = tpu.memref_squeeze %dma_wait3A_348 : memref<1x!tpu.dma_semaphore, #tpu.memory_space<semaphore_mem>> -> memref<!tpu.dma_semaphore, #tpu.memory_space<semaphore_mem>>
        tpu.wait_indirect_dma semaphore(%dma_wait3A_349 : memref<!tpu.dma_semaphore, #tpu.memory_space<semaphore_mem>>) src(%arg7 : memref<40x128xf32, #tpu.memory_space<vmem>>) dst(%dma_wait3A_347 : memref<10240x128xf32, #tpu.memory_space<vmem_shared>>)
      } else {
      }
      %dma_start3A_173 = arith.constant 4 : i32
      %dma_start3A_174 = arith.constant 4 : i32
      %dma_start3A_175 = arith.constant 0 : i32
      %dma_start3A_176 = tpu.memref_slice %arg6[%dma_start3A_173, %dma_start3A_175] : memref<5x40xi32, #tpu.memory_space<vmem>> -> memref<1x40xi32, #tpu.memory_space<vmem>>
      %dma_start3A_177 = tpu.memref_squeeze %dma_start3A_176 : memref<1x40xi32, #tpu.memory_space<vmem>> -> memref<40xi32, #tpu.memory_space<vmem>>
      %dma_start3A_178 = arith.constant 0 : i32
      %dma_start3A_179 = tpu.memref_slice %arg2[%add3A, %add3A_167, %dma_start3A_178] : memref<32x250x40xi32, #tpu.memory_space<hbm>> -> memref<1x1x40xi32, #tpu.memory_space<hbm>>
      %dma_start3A_180 = tpu.memref_squeeze %dma_start3A_179 : memref<1x1x40xi32, #tpu.memory_space<hbm>> -> memref<40xi32, #tpu.memory_space<hbm>>
      %dma_start3A_181 = tpu.memref_slice %arg9[%dma_start3A_174] : memref<5x!tpu.dma_semaphore, #tpu.memory_space<semaphore_mem>> -> memref<1x!tpu.dma_semaphore, #tpu.memory_space<semaphore_mem>>
      %dma_start3A_182 = tpu.memref_squeeze %dma_start3A_181 : memref<1x!tpu.dma_semaphore, #tpu.memory_space<semaphore_mem>> -> memref<!tpu.dma_semaphore, #tpu.memory_space<semaphore_mem>>
      %dma_start3A_183 = arith.constant 0 : i32
      %dma_start3A_184 = tpu.memref_slice %arg6[%dma_start3A_173, %dma_start3A_183] : memref<5x40xi32, #tpu.memory_space<vmem>> -> memref<1x40xi32, #tpu.memory_space<vmem>>
      %dma_start3A_185 = tpu.memref_squeeze %dma_start3A_184 : memref<1x40xi32, #tpu.memory_space<vmem>> -> memref<40xi32, #tpu.memory_space<vmem>>
      %dma_start3A_186 = arith.constant 0 : i32
      %dma_start3A_187 = tpu.memref_slice %arg2[%add3A, %add3A_167, %dma_start3A_186] : memref<32x250x40xi32, #tpu.memory_space<hbm>> -> memref<1x1x40xi32, #tpu.memory_space<hbm>>
      %dma_start3A_188 = tpu.memref_squeeze %dma_start3A_187 : memref<1x1x40xi32, #tpu.memory_space<hbm>> -> memref<40xi32, #tpu.memory_space<hbm>>
      tpu.enqueue_dma source(%dma_start3A_188 : memref<40xi32, #tpu.memory_space<hbm>>) target(%dma_start3A_185 : memref<40xi32, #tpu.memory_space<vmem>>) target_semaphore(%dma_start3A_182 : memref<!tpu.dma_semaphore, #tpu.memory_space<semaphore_mem>>)
      %mul3A_189 = arith.constant 5 : i32
      %mul3A_190 = arith.muli %scan3A_67, %mul3A_189 : i32
      %add3A_191 = arith.constant 0 : i32
      %add3A_192 = arith.addi %mul3A_190, %add3A_191 : i32
      %dma_wait3A_193 = arith.constant 0 : i32
      %dma_wait3A_194 = arith.constant 0 : i32
      %dma_wait3A_195 = arith.constant 0 : i32
      %dma_wait3A_196 = tpu.memref_slice %arg6[%dma_wait3A_193, %dma_wait3A_195] : memref<5x40xi32, #tpu.memory_space<vmem>> -> memref<1x40xi32, #tpu.memory_space<vmem>>
      %dma_wait3A_197 = tpu.memref_squeeze %dma_wait3A_196 : memref<1x40xi32, #tpu.memory_space<vmem>> -> memref<40xi32, #tpu.memory_space<vmem>>
      %dma_wait3A_198 = arith.constant 0 : i32
      %dma_wait3A_199 = tpu.memref_slice %arg2[%add3A, %add3A_192, %dma_wait3A_198] : memref<32x250x40xi32, #tpu.memory_space<hbm>> -> memref<1x1x40xi32, #tpu.memory_space<hbm>>
      %dma_wait3A_200 = tpu.memref_squeeze %dma_wait3A_199 : memref<1x1x40xi32, #tpu.memory_space<hbm>> -> memref<40xi32, #tpu.memory_space<hbm>>
      %dma_wait3A_201 = tpu.memref_slice %arg9[%dma_wait3A_194] : memref<5x!tpu.dma_semaphore, #tpu.memory_space<semaphore_mem>> -> memref<1x!tpu.dma_semaphore, #tpu.memory_space<semaphore_mem>>
      %dma_wait3A_202 = tpu.memref_squeeze %dma_wait3A_201 : memref<1x!tpu.dma_semaphore, #tpu.memory_space<semaphore_mem>> -> memref<!tpu.dma_semaphore, #tpu.memory_space<semaphore_mem>>
      %dma_wait3A_203 = arith.constant 0 : i32
      %dma_wait3A_204 = tpu.memref_slice %arg6[%dma_wait3A_193, %dma_wait3A_203] : memref<5x40xi32, #tpu.memory_space<vmem>> -> memref<1x40xi32, #tpu.memory_space<vmem>>
      %dma_wait3A_205 = tpu.memref_squeeze %dma_wait3A_204 : memref<1x40xi32, #tpu.memory_space<vmem>> -> memref<40xi32, #tpu.memory_space<vmem>>
      %dma_wait3A_206 = arith.constant 0 : i32
      %dma_wait3A_207 = tpu.memref_slice %arg2[%add3A, %add3A_192, %dma_wait3A_206] : memref<32x250x40xi32, #tpu.memory_space<hbm>> -> memref<1x1x40xi32, #tpu.memory_space<hbm>>
      %dma_wait3A_208 = tpu.memref_squeeze %dma_wait3A_207 : memref<1x1x40xi32, #tpu.memory_space<hbm>> -> memref<40xi32, #tpu.memory_space<hbm>>
      tpu.wait_dma2 semaphore(%dma_wait3A_202 : memref<!tpu.dma_semaphore, #tpu.memory_space<semaphore_mem>>) src(%dma_wait3A_208 : memref<40xi32, #tpu.memory_space<hbm>>) dst(%dma_wait3A_205 : memref<40xi32, #tpu.memory_space<vmem>>)
      %dma_start3A_209 = arith.constant 0 : i32
      %dma_start3A_210 = arith.constant 0 : i32
      %dma_start3A_211 = arith.constant 0 : i32
      %dma_start3A_212 = tpu.memref_slice %arg6[%dma_start3A_209, %dma_start3A_211] : memref<5x40xi32, #tpu.memory_space<vmem>> -> memref<1x40xi32, #tpu.memory_space<vmem>>
      %dma_start3A_213 = tpu.memref_squeeze %dma_start3A_212 : memref<1x40xi32, #tpu.memory_space<vmem>> -> memref<40xi32, #tpu.memory_space<vmem>>
      %dma_start3A_214 = arith.constant 0 : i32
      %dma_start3A_215 = arith.constant 0 : i32
      %dma_start3A_216 = tpu.memref_slice %arg8[%dma_start3A_214, %dma_start3A_215] : memref<10240x128xf32, #tpu.memory_space<vmem_shared>> -> memref<10240x128xf32, #tpu.memory_space<vmem_shared>>
      %dma_start3A_217 = tpu.memref_slice %arg10[%dma_start3A_210] : memref<5x!tpu.dma_semaphore, #tpu.memory_space<semaphore_mem>> -> memref<1x!tpu.dma_semaphore, #tpu.memory_space<semaphore_mem>>
      %dma_start3A_218 = tpu.memref_squeeze %dma_start3A_217 : memref<1x!tpu.dma_semaphore, #tpu.memory_space<semaphore_mem>> -> memref<!tpu.dma_semaphore, #tpu.memory_space<semaphore_mem>>
      tpu.enqueue_indirect_dma source(%arg7 : memref<40x128xf32, #tpu.memory_space<vmem>>) target(%dma_start3A_216 : memref<10240x128xf32, #tpu.memory_space<vmem_shared>>) offsets(%dma_start3A_213 : memref<40xi32, #tpu.memory_space<vmem>>) semaphore(%dma_start3A_218 : memref<!tpu.dma_semaphore, #tpu.memory_space<semaphore_mem>>) {add = true}
      %mul3A_219 = arith.constant 5 : i32
      %mul3A_220 = arith.muli %scan3A_67, %mul3A_219 : i32
      %add3A_221 = arith.constant 1 : i32
      %add3A_222 = arith.addi %mul3A_220, %add3A_221 : i32
      %dma_wait3A_223 = arith.constant 1 : i32
      %dma_wait3A_224 = arith.constant 1 : i32
      %dma_wait3A_225 = arith.constant 0 : i32
      %dma_wait3A_226 = tpu.memref_slice %arg6[%dma_wait3A_223, %dma_wait3A_225] : memref<5x40xi32, #tpu.memory_space<vmem>> -> memref<1x40xi32, #tpu.memory_space<vmem>>
      %dma_wait3A_227 = tpu.memref_squeeze %dma_wait3A_226 : memref<1x40xi32, #tpu.memory_space<vmem>> -> memref<40xi32, #tpu.memory_space<vmem>>
      %dma_wait3A_228 = arith.constant 0 : i32
      %dma_wait3A_229 = tpu.memref_slice %arg2[%add3A, %add3A_222, %dma_wait3A_228] : memref<32x250x40xi32, #tpu.memory_space<hbm>> -> memref<1x1x40xi32, #tpu.memory_space<hbm>>
      %dma_wait3A_230 = tpu.memref_squeeze %dma_wait3A_229 : memref<1x1x40xi32, #tpu.memory_space<hbm>> -> memref<40xi32, #tpu.memory_space<hbm>>
      %dma_wait3A_231 = tpu.memref_slice %arg9[%dma_wait3A_224] : memref<5x!tpu.dma_semaphore, #tpu.memory_space<semaphore_mem>> -> memref<1x!tpu.dma_semaphore, #tpu.memory_space<semaphore_mem>>
      %dma_wait3A_232 = tpu.memref_squeeze %dma_wait3A_231 : memref<1x!tpu.dma_semaphore, #tpu.memory_space<semaphore_mem>> -> memref<!tpu.dma_semaphore, #tpu.memory_space<semaphore_mem>>
      %dma_wait3A_233 = arith.constant 0 : i32
      %dma_wait3A_234 = tpu.memref_slice %arg6[%dma_wait3A_223, %dma_wait3A_233] : memref<5x40xi32, #tpu.memory_space<vmem>> -> memref<1x40xi32, #tpu.memory_space<vmem>>
      %dma_wait3A_235 = tpu.memref_squeeze %dma_wait3A_234 : memref<1x40xi32, #tpu.memory_space<vmem>> -> memref<40xi32, #tpu.memory_space<vmem>>
      %dma_wait3A_236 = arith.constant 0 : i32
      %dma_wait3A_237 = tpu.memref_slice %arg2[%add3A, %add3A_222, %dma_wait3A_236] : memref<32x250x40xi32, #tpu.memory_space<hbm>> -> memref<1x1x40xi32, #tpu.memory_space<hbm>>
      %dma_wait3A_238 = tpu.memref_squeeze %dma_wait3A_237 : memref<1x1x40xi32, #tpu.memory_space<hbm>> -> memref<40xi32, #tpu.memory_space<hbm>>
      tpu.wait_dma2 semaphore(%dma_wait3A_232 : memref<!tpu.dma_semaphore, #tpu.memory_space<semaphore_mem>>) src(%dma_wait3A_238 : memref<40xi32, #tpu.memory_space<hbm>>) dst(%dma_wait3A_235 : memref<40xi32, #tpu.memory_space<vmem>>)
      %dma_start3A_239 = arith.constant 1 : i32
      %dma_start3A_240 = arith.constant 1 : i32
      %dma_start3A_241 = arith.constant 0 : i32
      %dma_start3A_242 = tpu.memref_slice %arg6[%dma_start3A_239, %dma_start3A_241] : memref<5x40xi32, #tpu.memory_space<vmem>> -> memref<1x40xi32, #tpu.memory_space<vmem>>
      %dma_start3A_243 = tpu.memref_squeeze %dma_start3A_242 : memref<1x40xi32, #tpu.memory_space<vmem>> -> memref<40xi32, #tpu.memory_space<vmem>>
      %dma_start3A_244 = arith.constant 0 : i32
      %dma_start3A_245 = arith.constant 0 : i32
      %dma_start3A_246 = tpu.memref_slice %arg8[%dma_start3A_244, %dma_start3A_245] : memref<10240x128xf32, #tpu.memory_space<vmem_shared>> -> memref<10240x128xf32, #tpu.memory_space<vmem_shared>>
      %dma_start3A_247 = tpu.memref_slice %arg10[%dma_start3A_240] : memref<5x!tpu.dma_semaphore, #tpu.memory_space<semaphore_mem>> -> memref<1x!tpu.dma_semaphore, #tpu.memory_space<semaphore_mem>>
      %dma_start3A_248 = tpu.memref_squeeze %dma_start3A_247 : memref<1x!tpu.dma_semaphore, #tpu.memory_space<semaphore_mem>> -> memref<!tpu.dma_semaphore, #tpu.memory_space<semaphore_mem>>
      tpu.enqueue_indirect_dma source(%arg7 : memref<40x128xf32, #tpu.memory_space<vmem>>) target(%dma_start3A_246 : memref<10240x128xf32, #tpu.memory_space<vmem_shared>>) offsets(%dma_start3A_243 : memref<40xi32, #tpu.memory_space<vmem>>) semaphore(%dma_start3A_248 : memref<!tpu.dma_semaphore, #tpu.memory_space<semaphore_mem>>) {add = true}
      %mul3A_249 = arith.constant 5 : i32
      %mul3A_250 = arith.muli %scan3A_67, %mul3A_249 : i32
      %add3A_251 = arith.constant 2 : i32
      %add3A_252 = arith.addi %mul3A_250, %add3A_251 : i32
      %dma_wait3A_253 = arith.constant 2 : i32
      %dma_wait3A_254 = arith.constant 2 : i32
      %dma_wait3A_255 = arith.constant 0 : i32
      %dma_wait3A_256 = tpu.memref_slice %arg6[%dma_wait3A_253, %dma_wait3A_255] : memref<5x40xi32, #tpu.memory_space<vmem>> -> memref<1x40xi32, #tpu.memory_space<vmem>>
      %dma_wait3A_257 = tpu.memref_squeeze %dma_wait3A_256 : memref<1x40xi32, #tpu.memory_space<vmem>> -> memref<40xi32, #tpu.memory_space<vmem>>
      %dma_wait3A_258 = arith.constant 0 : i32
      %dma_wait3A_259 = tpu.memref_slice %arg2[%add3A, %add3A_252, %dma_wait3A_258] : memref<32x250x40xi32, #tpu.memory_space<hbm>> -> memref<1x1x40xi32, #tpu.memory_space<hbm>>
      %dma_wait3A_260 = tpu.memref_squeeze %dma_wait3A_259 : memref<1x1x40xi32, #tpu.memory_space<hbm>> -> memref<40xi32, #tpu.memory_space<hbm>>
      %dma_wait3A_261 = tpu.memref_slice %arg9[%dma_wait3A_254] : memref<5x!tpu.dma_semaphore, #tpu.memory_space<semaphore_mem>> -> memref<1x!tpu.dma_semaphore, #tpu.memory_space<semaphore_mem>>
      %dma_wait3A_262 = tpu.memref_squeeze %dma_wait3A_261 : memref<1x!tpu.dma_semaphore, #tpu.memory_space<semaphore_mem>> -> memref<!tpu.dma_semaphore, #tpu.memory_space<semaphore_mem>>
      %dma_wait3A_263 = arith.constant 0 : i32
      %dma_wait3A_264 = tpu.memref_slice %arg6[%dma_wait3A_253, %dma_wait3A_263] : memref<5x40xi32, #tpu.memory_space<vmem>> -> memref<1x40xi32, #tpu.memory_space<vmem>>
      %dma_wait3A_265 = tpu.memref_squeeze %dma_wait3A_264 : memref<1x40xi32, #tpu.memory_space<vmem>> -> memref<40xi32, #tpu.memory_space<vmem>>
      %dma_wait3A_266 = arith.constant 0 : i32
      %dma_wait3A_267 = tpu.memref_slice %arg2[%add3A, %add3A_252, %dma_wait3A_266] : memref<32x250x40xi32, #tpu.memory_space<hbm>> -> memref<1x1x40xi32, #tpu.memory_space<hbm>>
      %dma_wait3A_268 = tpu.memref_squeeze %dma_wait3A_267 : memref<1x1x40xi32, #tpu.memory_space<hbm>> -> memref<40xi32, #tpu.memory_space<hbm>>
      tpu.wait_dma2 semaphore(%dma_wait3A_262 : memref<!tpu.dma_semaphore, #tpu.memory_space<semaphore_mem>>) src(%dma_wait3A_268 : memref<40xi32, #tpu.memory_space<hbm>>) dst(%dma_wait3A_265 : memref<40xi32, #tpu.memory_space<vmem>>)
      %dma_start3A_269 = arith.constant 2 : i32
      %dma_start3A_270 = arith.constant 2 : i32
      %dma_start3A_271 = arith.constant 0 : i32
      %dma_start3A_272 = tpu.memref_slice %arg6[%dma_start3A_269, %dma_start3A_271] : memref<5x40xi32, #tpu.memory_space<vmem>> -> memref<1x40xi32, #tpu.memory_space<vmem>>
      %dma_start3A_273 = tpu.memref_squeeze %dma_start3A_272 : memref<1x40xi32, #tpu.memory_space<vmem>> -> memref<40xi32, #tpu.memory_space<vmem>>
      %dma_start3A_274 = arith.constant 0 : i32
      %dma_start3A_275 = arith.constant 0 : i32
      %dma_start3A_276 = tpu.memref_slice %arg8[%dma_start3A_274, %dma_start3A_275] : memref<10240x128xf32, #tpu.memory_space<vmem_shared>> -> memref<10240x128xf32, #tpu.memory_space<vmem_shared>>
      %dma_start3A_277 = tpu.memref_slice %arg10[%dma_start3A_270] : memref<5x!tpu.dma_semaphore, #tpu.memory_space<semaphore_mem>> -> memref<1x!tpu.dma_semaphore, #tpu.memory_space<semaphore_mem>>
      %dma_start3A_278 = tpu.memref_squeeze %dma_start3A_277 : memref<1x!tpu.dma_semaphore, #tpu.memory_space<semaphore_mem>> -> memref<!tpu.dma_semaphore, #tpu.memory_space<semaphore_mem>>
      tpu.enqueue_indirect_dma source(%arg7 : memref<40x128xf32, #tpu.memory_space<vmem>>) target(%dma_start3A_276 : memref<10240x128xf32, #tpu.memory_space<vmem_shared>>) offsets(%dma_start3A_273 : memref<40xi32, #tpu.memory_space<vmem>>) semaphore(%dma_start3A_278 : memref<!tpu.dma_semaphore, #tpu.memory_space<semaphore_mem>>) {add = true}
      %mul3A_279 = arith.constant 5 : i32
      %mul3A_280 = arith.muli %scan3A_67, %mul3A_279 : i32
      %add3A_281 = arith.constant 3 : i32
      %add3A_282 = arith.addi %mul3A_280, %add3A_281 : i32
      %dma_wait3A_283 = arith.constant 3 : i32
      %dma_wait3A_284 = arith.constant 3 : i32
      %dma_wait3A_285 = arith.constant 0 : i32
      %dma_wait3A_286 = tpu.memref_slice %arg6[%dma_wait3A_283, %dma_wait3A_285] : memref<5x40xi32, #tpu.memory_space<vmem>> -> memref<1x40xi32, #tpu.memory_space<vmem>>
      %dma_wait3A_287 = tpu.memref_squeeze %dma_wait3A_286 : memref<1x40xi32, #tpu.memory_space<vmem>> -> memref<40xi32, #tpu.memory_space<vmem>>
      %dma_wait3A_288 = arith.constant 0 : i32
      %dma_wait3A_289 = tpu.memref_slice %arg2[%add3A, %add3A_282, %dma_wait3A_288] : memref<32x250x40xi32, #tpu.memory_space<hbm>> -> memref<1x1x40xi32, #tpu.memory_space<hbm>>
      %dma_wait3A_290 = tpu.memref_squeeze %dma_wait3A_289 : memref<1x1x40xi32, #tpu.memory_space<hbm>> -> memref<40xi32, #tpu.memory_space<hbm>>
      %dma_wait3A_291 = tpu.memref_slice %arg9[%dma_wait3A_284] : memref<5x!tpu.dma_semaphore, #tpu.memory_space<semaphore_mem>> -> memref<1x!tpu.dma_semaphore, #tpu.memory_space<semaphore_mem>>
      %dma_wait3A_292 = tpu.memref_squeeze %dma_wait3A_291 : memref<1x!tpu.dma_semaphore, #tpu.memory_space<semaphore_mem>> -> memref<!tpu.dma_semaphore, #tpu.memory_space<semaphore_mem>>
      %dma_wait3A_293 = arith.constant 0 : i32
      %dma_wait3A_294 = tpu.memref_slice %arg6[%dma_wait3A_283, %dma_wait3A_293] : memref<5x40xi32, #tpu.memory_space<vmem>> -> memref<1x40xi32, #tpu.memory_space<vmem>>
      %dma_wait3A_295 = tpu.memref_squeeze %dma_wait3A_294 : memref<1x40xi32, #tpu.memory_space<vmem>> -> memref<40xi32, #tpu.memory_space<vmem>>
      %dma_wait3A_296 = arith.constant 0 : i32
      %dma_wait3A_297 = tpu.memref_slice %arg2[%add3A, %add3A_282, %dma_wait3A_296] : memref<32x250x40xi32, #tpu.memory_space<hbm>> -> memref<1x1x40xi32, #tpu.memory_space<hbm>>
      %dma_wait3A_298 = tpu.memref_squeeze %dma_wait3A_297 : memref<1x1x40xi32, #tpu.memory_space<hbm>> -> memref<40xi32, #tpu.memory_space<hbm>>
      tpu.wait_dma2 semaphore(%dma_wait3A_292 : memref<!tpu.dma_semaphore, #tpu.memory_space<semaphore_mem>>) src(%dma_wait3A_298 : memref<40xi32, #tpu.memory_space<hbm>>) dst(%dma_wait3A_295 : memref<40xi32, #tpu.memory_space<vmem>>)
      %dma_start3A_299 = arith.constant 3 : i32
      %dma_start3A_300 = arith.constant 3 : i32
      %dma_start3A_301 = arith.constant 0 : i32
      %dma_start3A_302 = tpu.memref_slice %arg6[%dma_start3A_299, %dma_start3A_301] : memref<5x40xi32, #tpu.memory_space<vmem>> -> memref<1x40xi32, #tpu.memory_space<vmem>>
      %dma_start3A_303 = tpu.memref_squeeze %dma_start3A_302 : memref<1x40xi32, #tpu.memory_space<vmem>> -> memref<40xi32, #tpu.memory_space<vmem>>
      %dma_start3A_304 = arith.constant 0 : i32
      %dma_start3A_305 = arith.constant 0 : i32
      %dma_start3A_306 = tpu.memref_slice %arg8[%dma_start3A_304, %dma_start3A_305] : memref<10240x128xf32, #tpu.memory_space<vmem_shared>> -> memref<10240x128xf32, #tpu.memory_space<vmem_shared>>
      %dma_start3A_307 = tpu.memref_slice %arg10[%dma_start3A_300] : memref<5x!tpu.dma_semaphore, #tpu.memory_space<semaphore_mem>> -> memref<1x!tpu.dma_semaphore, #tpu.memory_space<semaphore_mem>>
      %dma_start3A_308 = tpu.memref_squeeze %dma_start3A_307 : memref<1x!tpu.dma_semaphore, #tpu.memory_space<semaphore_mem>> -> memref<!tpu.dma_semaphore, #tpu.memory_space<semaphore_mem>>
      tpu.enqueue_indirect_dma source(%arg7 : memref<40x128xf32, #tpu.memory_space<vmem>>) target(%dma_start3A_306 : memref<10240x128xf32, #tpu.memory_space<vmem_shared>>) offsets(%dma_start3A_303 : memref<40xi32, #tpu.memory_space<vmem>>) semaphore(%dma_start3A_308 : memref<!tpu.dma_semaphore, #tpu.memory_space<semaphore_mem>>) {add = true}
      %mul3A_309 = arith.constant 5 : i32
      %mul3A_310 = arith.muli %scan3A_67, %mul3A_309 : i32
      %add3A_311 = arith.constant 4 : i32
      %add3A_312 = arith.addi %mul3A_310, %add3A_311 : i32
      %dma_wait3A_313 = arith.constant 4 : i32
      %dma_wait3A_314 = arith.constant 4 : i32
      %dma_wait3A_315 = arith.constant 0 : i32
      %dma_wait3A_316 = tpu.memref_slice %arg6[%dma_wait3A_313, %dma_wait3A_315] : memref<5x40xi32, #tpu.memory_space<vmem>> -> memref<1x40xi32, #tpu.memory_space<vmem>>
      %dma_wait3A_317 = tpu.memref_squeeze %dma_wait3A_316 : memref<1x40xi32, #tpu.memory_space<vmem>> -> memref<40xi32, #tpu.memory_space<vmem>>
      %dma_wait3A_318 = arith.constant 0 : i32
      %dma_wait3A_319 = tpu.memref_slice %arg2[%add3A, %add3A_312, %dma_wait3A_318] : memref<32x250x40xi32, #tpu.memory_space<hbm>> -> memref<1x1x40xi32, #tpu.memory_space<hbm>>
      %dma_wait3A_320 = tpu.memref_squeeze %dma_wait3A_319 : memref<1x1x40xi32, #tpu.memory_space<hbm>> -> memref<40xi32, #tpu.memory_space<hbm>>
      %dma_wait3A_321 = tpu.memref_slice %arg9[%dma_wait3A_314] : memref<5x!tpu.dma_semaphore, #tpu.memory_space<semaphore_mem>> -> memref<1x!tpu.dma_semaphore, #tpu.memory_space<semaphore_mem>>
      %dma_wait3A_322 = tpu.memref_squeeze %dma_wait3A_321 : memref<1x!tpu.dma_semaphore, #tpu.memory_space<semaphore_mem>> -> memref<!tpu.dma_semaphore, #tpu.memory_space<semaphore_mem>>
      %dma_wait3A_323 = arith.constant 0 : i32
      %dma_wait3A_324 = tpu.memref_slice %arg6[%dma_wait3A_313, %dma_wait3A_323] : memref<5x40xi32, #tpu.memory_space<vmem>> -> memref<1x40xi32, #tpu.memory_space<vmem>>
      %dma_wait3A_325 = tpu.memref_squeeze %dma_wait3A_324 : memref<1x40xi32, #tpu.memory_space<vmem>> -> memref<40xi32, #tpu.memory_space<vmem>>
      %dma_wait3A_326 = arith.constant 0 : i32
      %dma_wait3A_327 = tpu.memref_slice %arg2[%add3A, %add3A_312, %dma_wait3A_326] : memref<32x250x40xi32, #tpu.memory_space<hbm>> -> memref<1x1x40xi32, #tpu.memory_space<hbm>>
      %dma_wait3A_328 = tpu.memref_squeeze %dma_wait3A_327 : memref<1x1x40xi32, #tpu.memory_space<hbm>> -> memref<40xi32, #tpu.memory_space<hbm>>
      tpu.wait_dma2 semaphore(%dma_wait3A_322 : memref<!tpu.dma_semaphore, #tpu.memory_space<semaphore_mem>>) src(%dma_wait3A_328 : memref<40xi32, #tpu.memory_space<hbm>>) dst(%dma_wait3A_325 : memref<40xi32, #tpu.memory_space<vmem>>)
      %dma_start3A_329 = arith.constant 4 : i32
      %dma_start3A_330 = arith.constant 4 : i32
      %dma_start3A_331 = arith.constant 0 : i32
      %dma_start3A_332 = tpu.memref_slice %arg6[%dma_start3A_329, %dma_start3A_331] : memref<5x40xi32, #tpu.memory_space<vmem>> -> memref<1x40xi32, #tpu.memory_space<vmem>>
      %dma_start3A_333 = tpu.memref_squeeze %dma_start3A_332 : memref<1x40xi32, #tpu.memory_space<vmem>> -> memref<40xi32, #tpu.memory_space<vmem>>
      %dma_start3A_334 = arith.constant 0 : i32
      %dma_start3A_335 = arith.constant 0 : i32
      %dma_start3A_336 = tpu.memref_slice %arg8[%dma_start3A_334, %dma_start3A_335] : memref<10240x128xf32, #tpu.memory_space<vmem_shared>> -> memref<10240x128xf32, #tpu.memory_space<vmem_shared>>
      %dma_start3A_337 = tpu.memref_slice %arg10[%dma_start3A_330] : memref<5x!tpu.dma_semaphore, #tpu.memory_space<semaphore_mem>> -> memref<1x!tpu.dma_semaphore, #tpu.memory_space<semaphore_mem>>
      %dma_start3A_338 = tpu.memref_squeeze %dma_start3A_337 : memref<1x!tpu.dma_semaphore, #tpu.memory_space<semaphore_mem>> -> memref<!tpu.dma_semaphore, #tpu.memory_space<semaphore_mem>>
      tpu.enqueue_indirect_dma source(%arg7 : memref<40x128xf32, #tpu.memory_space<vmem>>) target(%dma_start3A_336 : memref<10240x128xf32, #tpu.memory_space<vmem_shared>>) offsets(%dma_start3A_333 : memref<40xi32, #tpu.memory_space<vmem>>) semaphore(%dma_start3A_338 : memref<!tpu.dma_semaphore, #tpu.memory_space<semaphore_mem>>) {add = true}
    }
    %scan3A_9 = arith.constant 50 : i32
    %dma_wait3A = arith.constant 0 : i32
    %dma_wait3A_10 = arith.constant 0 : i32
    %dma_wait3A_11 = arith.constant 0 : i32
    %dma_wait3A_12 = tpu.memref_slice %arg6[%dma_wait3A, %dma_wait3A_11] : memref<5x40xi32, #tpu.memory_space<vmem>> -> memref<1x40xi32, #tpu.memory_space<vmem>>
    %dma_wait3A_13 = tpu.memref_squeeze %dma_wait3A_12 : memref<1x40xi32, #tpu.memory_space<vmem>> -> memref<40xi32, #tpu.memory_space<vmem>>
    %dma_wait3A_14 = arith.constant 0 : i32
    %dma_wait3A_15 = arith.constant 0 : i32
    %dma_wait3A_16 = tpu.memref_slice %arg8[%dma_wait3A_14, %dma_wait3A_15] : memref<10240x128xf32, #tpu.memory_space<vmem_shared>> -> memref<10240x128xf32, #tpu.memory_space<vmem_shared>>
    %dma_wait3A_17 = tpu.memref_slice %arg10[%dma_wait3A_10] : memref<5x!tpu.dma_semaphore, #tpu.memory_space<semaphore_mem>> -> memref<1x!tpu.dma_semaphore, #tpu.memory_space<semaphore_mem>>
    %dma_wait3A_18 = tpu.memref_squeeze %dma_wait3A_17 : memref<1x!tpu.dma_semaphore, #tpu.memory_space<semaphore_mem>> -> memref<!tpu.dma_semaphore, #tpu.memory_space<semaphore_mem>>
    tpu.wait_indirect_dma semaphore(%dma_wait3A_18 : memref<!tpu.dma_semaphore, #tpu.memory_space<semaphore_mem>>) src(%arg7 : memref<40x128xf32, #tpu.memory_space<vmem>>) dst(%dma_wait3A_16 : memref<10240x128xf32, #tpu.memory_space<vmem_shared>>)
    %dma_wait3A_19 = arith.constant 1 : i32
    %dma_wait3A_20 = arith.constant 1 : i32
    %dma_wait3A_21 = arith.constant 0 : i32
    %dma_wait3A_22 = tpu.memref_slice %arg6[%dma_wait3A_19, %dma_wait3A_21] : memref<5x40xi32, #tpu.memory_space<vmem>> -> memref<1x40xi32, #tpu.memory_space<vmem>>
    %dma_wait3A_23 = tpu.memref_squeeze %dma_wait3A_22 : memref<1x40xi32, #tpu.memory_space<vmem>> -> memref<40xi32, #tpu.memory_space<vmem>>
    %dma_wait3A_24 = arith.constant 0 : i32
    %dma_wait3A_25 = arith.constant 0 : i32
    %dma_wait3A_26 = tpu.memref_slice %arg8[%dma_wait3A_24, %dma_wait3A_25] : memref<10240x128xf32, #tpu.memory_space<vmem_shared>> -> memref<10240x128xf32, #tpu.memory_space<vmem_shared>>
    %dma_wait3A_27 = tpu.memref_slice %arg10[%dma_wait3A_20] : memref<5x!tpu.dma_semaphore, #tpu.memory_space<semaphore_mem>> -> memref<1x!tpu.dma_semaphore, #tpu.memory_space<semaphore_mem>>
    %dma_wait3A_28 = tpu.memref_squeeze %dma_wait3A_27 : memref<1x!tpu.dma_semaphore, #tpu.memory_space<semaphore_mem>> -> memref<!tpu.dma_semaphore, #tpu.memory_space<semaphore_mem>>
    tpu.wait_indirect_dma semaphore(%dma_wait3A_28 : memref<!tpu.dma_semaphore, #tpu.memory_space<semaphore_mem>>) src(%arg7 : memref<40x128xf32, #tpu.memory_space<vmem>>) dst(%dma_wait3A_26 : memref<10240x128xf32, #tpu.memory_space<vmem_shared>>)
    %dma_wait3A_29 = arith.constant 2 : i32
    %dma_wait3A_30 = arith.constant 2 : i32
    %dma_wait3A_31 = arith.constant 0 : i32
    %dma_wait3A_32 = tpu.memref_slice %arg6[%dma_wait3A_29, %dma_wait3A_31] : memref<5x40xi32, #tpu.memory_space<vmem>> -> memref<1x40xi32, #tpu.memory_space<vmem>>
    %dma_wait3A_33 = tpu.memref_squeeze %dma_wait3A_32 : memref<1x40xi32, #tpu.memory_space<vmem>> -> memref<40xi32, #tpu.memory_space<vmem>>
    %dma_wait3A_34 = arith.constant 0 : i32
    %dma_wait3A_35 = arith.constant 0 : i32
    %dma_wait3A_36 = tpu.memref_slice %arg8[%dma_wait3A_34, %dma_wait3A_35] : memref<10240x128xf32, #tpu.memory_space<vmem_shared>> -> memref<10240x128xf32, #tpu.memory_space<vmem_shared>>
    %dma_wait3A_37 = tpu.memref_slice %arg10[%dma_wait3A_30] : memref<5x!tpu.dma_semaphore, #tpu.memory_space<semaphore_mem>> -> memref<1x!tpu.dma_semaphore, #tpu.memory_space<semaphore_mem>>
    %dma_wait3A_38 = tpu.memref_squeeze %dma_wait3A_37 : memref<1x!tpu.dma_semaphore, #tpu.memory_space<semaphore_mem>> -> memref<!tpu.dma_semaphore, #tpu.memory_space<semaphore_mem>>
    tpu.wait_indirect_dma semaphore(%dma_wait3A_38 : memref<!tpu.dma_semaphore, #tpu.memory_space<semaphore_mem>>) src(%arg7 : memref<40x128xf32, #tpu.memory_space<vmem>>) dst(%dma_wait3A_36 : memref<10240x128xf32, #tpu.memory_space<vmem_shared>>)
    %dma_wait3A_39 = arith.constant 3 : i32
    %dma_wait3A_40 = arith.constant 3 : i32
    %dma_wait3A_41 = arith.constant 0 : i32
    %dma_wait3A_42 = tpu.memref_slice %arg6[%dma_wait3A_39, %dma_wait3A_41] : memref<5x40xi32, #tpu.memory_space<vmem>> -> memref<1x40xi32, #tpu.memory_space<vmem>>
    %dma_wait3A_43 = tpu.memref_squeeze %dma_wait3A_42 : memref<1x40xi32, #tpu.memory_space<vmem>> -> memref<40xi32, #tpu.memory_space<vmem>>
    %dma_wait3A_44 = arith.constant 0 : i32
    %dma_wait3A_45 = arith.constant 0 : i32
    %dma_wait3A_46 = tpu.memref_slice %arg8[%dma_wait3A_44, %dma_wait3A_45] : memref<10240x128xf32, #tpu.memory_space<vmem_shared>> -> memref<10240x128xf32, #tpu.memory_space<vmem_shared>>
    %dma_wait3A_47 = tpu.memref_slice %arg10[%dma_wait3A_40] : memref<5x!tpu.dma_semaphore, #tpu.memory_space<semaphore_mem>> -> memref<1x!tpu.dma_semaphore, #tpu.memory_space<semaphore_mem>>
    %dma_wait3A_48 = tpu.memref_squeeze %dma_wait3A_47 : memref<1x!tpu.dma_semaphore, #tpu.memory_space<semaphore_mem>> -> memref<!tpu.dma_semaphore, #tpu.memory_space<semaphore_mem>>
    tpu.wait_indirect_dma semaphore(%dma_wait3A_48 : memref<!tpu.dma_semaphore, #tpu.memory_space<semaphore_mem>>) src(%arg7 : memref<40x128xf32, #tpu.memory_space<vmem>>) dst(%dma_wait3A_46 : memref<10240x128xf32, #tpu.memory_space<vmem_shared>>)
    %dma_wait3A_49 = arith.constant 4 : i32
    %dma_wait3A_50 = arith.constant 4 : i32
    %dma_wait3A_51 = arith.constant 0 : i32
    %dma_wait3A_52 = tpu.memref_slice %arg6[%dma_wait3A_49, %dma_wait3A_51] : memref<5x40xi32, #tpu.memory_space<vmem>> -> memref<1x40xi32, #tpu.memory_space<vmem>>
    %dma_wait3A_53 = tpu.memref_squeeze %dma_wait3A_52 : memref<1x40xi32, #tpu.memory_space<vmem>> -> memref<40xi32, #tpu.memory_space<vmem>>
    %dma_wait3A_54 = arith.constant 0 : i32
    %dma_wait3A_55 = arith.constant 0 : i32
    %dma_wait3A_56 = tpu.memref_slice %arg8[%dma_wait3A_54, %dma_wait3A_55] : memref<10240x128xf32, #tpu.memory_space<vmem_shared>> -> memref<10240x128xf32, #tpu.memory_space<vmem_shared>>
    %dma_wait3A_57 = tpu.memref_slice %arg10[%dma_wait3A_50] : memref<5x!tpu.dma_semaphore, #tpu.memory_space<semaphore_mem>> -> memref<1x!tpu.dma_semaphore, #tpu.memory_space<semaphore_mem>>
    %dma_wait3A_58 = tpu.memref_squeeze %dma_wait3A_57 : memref<1x!tpu.dma_semaphore, #tpu.memory_space<semaphore_mem>> -> memref<!tpu.dma_semaphore, #tpu.memory_space<semaphore_mem>>
    tpu.wait_indirect_dma semaphore(%dma_wait3A_58 : memref<!tpu.dma_semaphore, #tpu.memory_space<semaphore_mem>>) src(%arg7 : memref<40x128xf32, #tpu.memory_space<vmem>>) dst(%dma_wait3A_56 : memref<10240x128xf32, #tpu.memory_space<vmem_shared>>)
    %barrier3A_59 = arith.constant 0 : index
    tpu.barrier barrier_id(%barrier3A_59)
    %mul3A_60 = arith.constant 10240 : i32
    %mul3A_61 = arith.muli %arg0, %mul3A_60 : i32
    %mul3A_62 = arith.constant 640 : i32
    %mul3A_63 = arith.muli %arg1, %mul3A_62 : i32
    %add3A_64 = arith.addi %mul3A_61, %mul3A_63 : i32
    %mul3A_65 = arith.constant 640 : i32
    %mul3A_66 = arith.muli %arg1, %mul3A_65 : i32
    "tpu.region"() ({
      %run_scoped3A = tpu.sem_alloc : memref<!tpu.dma_semaphore, #tpu.memory_space<semaphore_mem>>
      %dma_start3A = arith.constant 0 : i32
      %dma_start3A_67 = tpu.memref_slice %arg5[%add3A_64, %dma_start3A] : memref<20480x128xf32, #tpu.memory_space<hbm>> -> memref<640x128xf32, #tpu.memory_space<hbm>>
      %dma_start3A_68 = arith.constant 0 : i32
      %dma_start3A_69 = tpu.memref_slice %arg8[%mul3A_66, %dma_start3A_68] : memref<10240x128xf32, #tpu.memory_space<vmem_shared>> -> memref<640x128xf32, #tpu.memory_space<vmem_shared>>
      tpu.enqueue_dma source(%dma_start3A_69 : memref<640x128xf32, #tpu.memory_space<vmem_shared>>) target(%dma_start3A_67 : memref<640x128xf32, #tpu.memory_space<hbm>>) target_semaphore(%run_scoped3A : memref<!tpu.dma_semaphore, #tpu.memory_space<semaphore_mem>>)
      %dma_wait3A_70 = arith.constant 0 : i32
      %dma_wait3A_71 = tpu.memref_slice %arg5[%add3A_64, %dma_wait3A_70] : memref<20480x128xf32, #tpu.memory_space<hbm>> -> memref<640x128xf32, #tpu.memory_space<hbm>>
      %dma_wait3A_72 = arith.constant 0 : i32
      %dma_wait3A_73 = tpu.memref_slice %arg8[%mul3A_66, %dma_wait3A_72] : memref<10240x128xf32, #tpu.memory_space<vmem_shared>> -> memref<640x128xf32, #tpu.memory_space<vmem_shared>>
      tpu.wait_dma2 semaphore(%run_scoped3A : memref<!tpu.dma_semaphore, #tpu.memory_space<semaphore_mem>>) src(%dma_wait3A_73 : memref<640x128xf32, #tpu.memory_space<vmem_shared>>) dst(%dma_wait3A_71 : memref<640x128xf32, #tpu.memory_space<hbm>>)
      tpu.yield
    }) : () -> ()
    return
  }
}

#map = affine_map<(d0, d1) -> (0, 0)>
#map1 = affine_map<(d0, d1) -> (0, 0, 0)>
module attributes {stable_mosaic.version = 14 : i64} {
  func.func @_scatter_sums(%arg0: i32, %arg1: i32, %arg2: memref<320000x128xf32, #tpu.memory_space<hbm>>, %arg3: memref<32x250x40xi32, #tpu.memory_space<hbm>>, %arg4: memref<10240x128xf32, #tpu.memory_space<hbm>>, %arg5: memref<20480x128xf32, #tpu.memory_space<hbm>>, %arg6: memref<5x40xi32, #tpu.memory_space<vmem>>, %arg7: memref<5x40x128xf32, #tpu.memory_space<vmem>>, %arg8: memref<10240x128xf32, #tpu.memory_space<vmem_shared>>, %arg9: memref<5x!tpu.dma_semaphore, #tpu.memory_space<semaphore_mem>>, %arg10: memref<5x!tpu.dma_semaphore, #tpu.memory_space<semaphore_mem>>, %arg11: memref<5x!tpu.dma_semaphore, #tpu.memory_space<semaphore_mem>>) attributes {dimension_semantics = [#tpu.dimension_semantics<core_parallel>, #tpu.dimension_semantics<subcore_parallel>], iteration_bounds = array<i64: 2, 16>, scalar_prefetch = 0 : i64, scratch_operands = 6 : i64, tpu.core_type = #tpu.core_type<sc_vector_subcore>, window_params = [{transform_indices = #map}, {transform_indices = #map1}, {transform_indices = #map}, {transform_indices = #map}]} {
    %mul3A = arith.constant 2 : i32
    %mul3A_0 = arith.muli %arg1, %mul3A : i32
    %add3A = arith.addi %mul3A_0, %arg0 : i32
    %mul3A_1 = arith.constant 10000 : i32
    %mul3A_2 = arith.muli %add3A, %mul3A_1 : i32
    %mul3A_3 = arith.constant 640 : i32
    %mul3A_4 = arith.muli %arg1, %mul3A_3 : i32
    %mul3A_5 = arith.constant 640 : i32
    %mul3A_6 = arith.muli %arg1, %mul3A_5 : i32
    "tpu.region"() ({
      %run_scoped3A = tpu.sem_alloc : memref<!tpu.dma_semaphore, #tpu.memory_space<semaphore_mem>>
      %dma_start3A = arith.constant 0 : i32
      %dma_start3A_94 = tpu.memref_slice %arg8[%mul3A_6, %dma_start3A] : memref<10240x128xf32, #tpu.memory_space<vmem_shared>> -> memref<640x128xf32, #tpu.memory_space<vmem_shared>>
      %dma_start3A_95 = arith.constant 0 : i32
      %dma_start3A_96 = tpu.memref_slice %arg4[%mul3A_4, %dma_start3A_95] : memref<10240x128xf32, #tpu.memory_space<hbm>> -> memref<640x128xf32, #tpu.memory_space<hbm>>
      tpu.enqueue_dma source(%dma_start3A_96 : memref<640x128xf32, #tpu.memory_space<hbm>>) target(%dma_start3A_94 : memref<640x128xf32, #tpu.memory_space<vmem_shared>>) target_semaphore(%run_scoped3A : memref<!tpu.dma_semaphore, #tpu.memory_space<semaphore_mem>>)
      %dma_wait3A_97 = arith.constant 0 : i32
      %dma_wait3A_98 = tpu.memref_slice %arg8[%mul3A_6, %dma_wait3A_97] : memref<10240x128xf32, #tpu.memory_space<vmem_shared>> -> memref<640x128xf32, #tpu.memory_space<vmem_shared>>
      %dma_wait3A_99 = arith.constant 0 : i32
      %dma_wait3A_100 = tpu.memref_slice %arg4[%mul3A_4, %dma_wait3A_99] : memref<10240x128xf32, #tpu.memory_space<hbm>> -> memref<640x128xf32, #tpu.memory_space<hbm>>
      tpu.wait_dma2 semaphore(%run_scoped3A : memref<!tpu.dma_semaphore, #tpu.memory_space<semaphore_mem>>) src(%dma_wait3A_100 : memref<640x128xf32, #tpu.memory_space<hbm>>) dst(%dma_wait3A_98 : memref<640x128xf32, #tpu.memory_space<vmem_shared>>)
      tpu.yield
    }) : () -> ()
    %barrier3A = arith.constant 0 : index
    tpu.barrier barrier_id(%barrier3A)
    %scan3A = arith.constant 0 : i32
    %scan3A_7 = arith.constant 0 : i32
    %scan3A_8 = arith.constant 50 : i32
    %scan3A_9 = arith.addi %scan3A_7, %scan3A_8 : i32
    %scan3A_10 = arith.constant 1 : i32
    scf.for %scan3A_94 = %scan3A_7 to %scan3A_9 step %scan3A_10  : i32 {
      %mul3A_95 = arith.constant 5 : i32
      %mul3A_96 = arith.muli %scan3A_94, %mul3A_95 : i32
      %add3A_97 = arith.constant 0 : i32
      %add3A_98 = arith.addi %mul3A_96, %add3A_97 : i32
      %ge3A = arith.constant 1 : i32
      %ge3A_99 = arith.cmpi sge, %scan3A_94, %ge3A : i32
      %convert_element_type3A = arith.extui %ge3A_99 : i1 to i32
      %cond3A = arith.constant 0 : i32
      %cond3A_100 = arith.cmpi ne, %convert_element_type3A, %cond3A : i32
      scf.if %cond3A_100 {
        %sub3A = arith.constant 5 : i32
        %sub3A_581 = arith.subi %add3A_98, %sub3A : i32
        %dma_wait3A_582 = arith.constant 0 : i32
        %dma_wait3A_583 = arith.constant 0 : i32
        %dma_wait3A_584 = arith.constant 0 : i32
        %dma_wait3A_585 = arith.constant 0 : i32
        %dma_wait3A_586 = arith.constant 0 : i32
        %dma_wait3A_587 = tpu.memref_slice %arg7[%dma_wait3A_582, %dma_wait3A_585, %dma_wait3A_586] : memref<5x40x128xf32, #tpu.memory_space<vmem>> -> memref<1x40x128xf32, #tpu.memory_space<vmem>>
        %dma_wait3A_588 = tpu.memref_squeeze %dma_wait3A_587 : memref<1x40x128xf32, #tpu.memory_space<vmem>> -> memref<40x128xf32, #tpu.memory_space<vmem>>
        %dma_wait3A_589 = arith.constant 0 : i32
        %dma_wait3A_590 = tpu.memref_slice %arg6[%dma_wait3A_583, %dma_wait3A_589] : memref<5x40xi32, #tpu.memory_space<vmem>> -> memref<1x40xi32, #tpu.memory_space<vmem>>
        %dma_wait3A_591 = tpu.memref_squeeze %dma_wait3A_590 : memref<1x40xi32, #tpu.memory_space<vmem>> -> memref<40xi32, #tpu.memory_space<vmem>>
        %dma_wait3A_592 = arith.constant 0 : i32
        %dma_wait3A_593 = arith.constant 0 : i32
        %dma_wait3A_594 = tpu.memref_slice %arg8[%dma_wait3A_592, %dma_wait3A_593] : memref<10240x128xf32, #tpu.memory_space<vmem_shared>> -> memref<10240x128xf32, #tpu.memory_space<vmem_shared>>
        %dma_wait3A_595 = tpu.memref_slice %arg11[%dma_wait3A_584] : memref<5x!tpu.dma_semaphore, #tpu.memory_space<semaphore_mem>> -> memref<1x!tpu.dma_semaphore, #tpu.memory_space<semaphore_mem>>
        %dma_wait3A_596 = tpu.memref_squeeze %dma_wait3A_595 : memref<1x!tpu.dma_semaphore, #tpu.memory_space<semaphore_mem>> -> memref<!tpu.dma_semaphore, #tpu.memory_space<semaphore_mem>>
        tpu.wait_indirect_dma semaphore(%dma_wait3A_596 : memref<!tpu.dma_semaphore, #tpu.memory_space<semaphore_mem>>) src(%dma_wait3A_588 : memref<40x128xf32, #tpu.memory_space<vmem>>) dst(%dma_wait3A_594 : memref<10240x128xf32, #tpu.memory_space<vmem_shared>>)
      } else {
      }
      %dma_start3A = arith.constant 0 : i32
      %dma_start3A_101 = arith.constant 0 : i32
      %dma_start3A_102 = arith.constant 0 : i32
      %dma_start3A_103 = tpu.memref_slice %arg6[%dma_start3A, %dma_start3A_102] : memref<5x40xi32, #tpu.memory_space<vmem>> -> memref<1x40xi32, #tpu.memory_space<vmem>>
      %dma_start3A_104 = tpu.memref_squeeze %dma_start3A_103 : memref<1x40xi32, #tpu.memory_space<vmem>> -> memref<40xi32, #tpu.memory_space<vmem>>
      %dma_start3A_105 = arith.constant 0 : i32
      %dma_start3A_106 = tpu.memref_slice %arg3[%add3A, %add3A_98, %dma_start3A_105] : memref<32x250x40xi32, #tpu.memory_space<hbm>> -> memref<1x1x40xi32, #tpu.memory_space<hbm>>
      %dma_start3A_107 = tpu.memref_squeeze %dma_start3A_106 : memref<1x1x40xi32, #tpu.memory_space<hbm>> -> memref<40xi32, #tpu.memory_space<hbm>>
      %dma_start3A_108 = tpu.memref_slice %arg9[%dma_start3A_101] : memref<5x!tpu.dma_semaphore, #tpu.memory_space<semaphore_mem>> -> memref<1x!tpu.dma_semaphore, #tpu.memory_space<semaphore_mem>>
      %dma_start3A_109 = tpu.memref_squeeze %dma_start3A_108 : memref<1x!tpu.dma_semaphore, #tpu.memory_space<semaphore_mem>> -> memref<!tpu.dma_semaphore, #tpu.memory_space<semaphore_mem>>
      %dma_start3A_110 = arith.constant 0 : i32
      %dma_start3A_111 = tpu.memref_slice %arg6[%dma_start3A, %dma_start3A_110] : memref<5x40xi32, #tpu.memory_space<vmem>> -> memref<1x40xi32, #tpu.memory_space<vmem>>
      %dma_start3A_112 = tpu.memref_squeeze %dma_start3A_111 : memref<1x40xi32, #tpu.memory_space<vmem>> -> memref<40xi32, #tpu.memory_space<vmem>>
      %dma_start3A_113 = arith.constant 0 : i32
      %dma_start3A_114 = tpu.memref_slice %arg3[%add3A, %add3A_98, %dma_start3A_113] : memref<32x250x40xi32, #tpu.memory_space<hbm>> -> memref<1x1x40xi32, #tpu.memory_space<hbm>>
      %dma_start3A_115 = tpu.memref_squeeze %dma_start3A_114 : memref<1x1x40xi32, #tpu.memory_space<hbm>> -> memref<40xi32, #tpu.memory_space<hbm>>
      tpu.enqueue_dma source(%dma_start3A_115 : memref<40xi32, #tpu.memory_space<hbm>>) target(%dma_start3A_112 : memref<40xi32, #tpu.memory_space<vmem>>) target_semaphore(%dma_start3A_109 : memref<!tpu.dma_semaphore, #tpu.memory_space<semaphore_mem>>)
      %mul3A_116 = arith.constant 40 : i32
      %mul3A_117 = arith.muli %add3A_98, %mul3A_116 : i32
      %add3A_118 = arith.addi %mul3A_2, %mul3A_117 : i32
      %dma_start3A_119 = arith.constant 0 : i32
      %dma_start3A_120 = arith.constant 0 : i32
      %dma_start3A_121 = arith.constant 0 : i32
      %dma_start3A_122 = arith.constant 0 : i32
      %dma_start3A_123 = tpu.memref_slice %arg7[%dma_start3A_119, %dma_start3A_121, %dma_start3A_122] : memref<5x40x128xf32, #tpu.memory_space<vmem>> -> memref<1x40x128xf32, #tpu.memory_space<vmem>>
      %dma_start3A_124 = tpu.memref_squeeze %dma_start3A_123 : memref<1x40x128xf32, #tpu.memory_space<vmem>> -> memref<40x128xf32, #tpu.memory_space<vmem>>
      %dma_start3A_125 = arith.constant 0 : i32
      %dma_start3A_126 = tpu.memref_slice %arg2[%add3A_118, %dma_start3A_125] : memref<320000x128xf32, #tpu.memory_space<hbm>> -> memref<40x128xf32, #tpu.memory_space<hbm>>
      %dma_start3A_127 = tpu.memref_slice %arg10[%dma_start3A_120] : memref<5x!tpu.dma_semaphore, #tpu.memory_space<semaphore_mem>> -> memref<1x!tpu.dma_semaphore, #tpu.memory_space<semaphore_mem>>
      %dma_start3A_128 = tpu.memref_squeeze %dma_start3A_127 : memref<1x!tpu.dma_semaphore, #tpu.memory_space<semaphore_mem>> -> memref<!tpu.dma_semaphore, #tpu.memory_space<semaphore_mem>>
      %dma_start3A_129 = arith.constant 0 : i32
      %dma_start3A_130 = arith.constant 0 : i32
      %dma_start3A_131 = tpu.memref_slice %arg7[%dma_start3A_119, %dma_start3A_129, %dma_start3A_130] : memref<5x40x128xf32, #tpu.memory_space<vmem>> -> memref<1x40x128xf32, #tpu.memory_space<vmem>>
      %dma_start3A_132 = tpu.memref_squeeze %dma_start3A_131 : memref<1x40x128xf32, #tpu.memory_space<vmem>> -> memref<40x128xf32, #tpu.memory_space<vmem>>
      %dma_start3A_133 = arith.constant 0 : i32
      %dma_start3A_134 = tpu.memref_slice %arg2[%add3A_118, %dma_start3A_133] : memref<320000x128xf32, #tpu.memory_space<hbm>> -> memref<40x128xf32, #tpu.memory_space<hbm>>
      tpu.enqueue_dma source(%dma_start3A_134 : memref<40x128xf32, #tpu.memory_space<hbm>>) target(%dma_start3A_132 : memref<40x128xf32, #tpu.memory_space<vmem>>) target_semaphore(%dma_start3A_128 : memref<!tpu.dma_semaphore, #tpu.memory_space<semaphore_mem>>)
      %mul3A_135 = arith.constant 5 : i32
      %mul3A_136 = arith.muli %scan3A_94, %mul3A_135 : i32
      %add3A_137 = arith.constant 1 : i32
      %add3A_138 = arith.addi %mul3A_136, %add3A_137 : i32
      %ge3A_139 = arith.constant 1 : i32
      %ge3A_140 = arith.cmpi sge, %scan3A_94, %ge3A_139 : i32
      %convert_element_type3A_141 = arith.extui %ge3A_140 : i1 to i32
      %cond3A_142 = arith.constant 0 : i32
      %cond3A_143 = arith.cmpi ne, %convert_element_type3A_141, %cond3A_142 : i32
      scf.if %cond3A_143 {
        %sub3A = arith.constant 5 : i32
        %sub3A_581 = arith.subi %add3A_138, %sub3A : i32
        %dma_wait3A_582 = arith.constant 1 : i32
        %dma_wait3A_583 = arith.constant 1 : i32
        %dma_wait3A_584 = arith.constant 1 : i32
        %dma_wait3A_585 = arith.constant 0 : i32
        %dma_wait3A_586 = arith.constant 0 : i32
        %dma_wait3A_587 = tpu.memref_slice %arg7[%dma_wait3A_582, %dma_wait3A_585, %dma_wait3A_586] : memref<5x40x128xf32, #tpu.memory_space<vmem>> -> memref<1x40x128xf32, #tpu.memory_space<vmem>>
        %dma_wait3A_588 = tpu.memref_squeeze %dma_wait3A_587 : memref<1x40x128xf32, #tpu.memory_space<vmem>> -> memref<40x128xf32, #tpu.memory_space<vmem>>
        %dma_wait3A_589 = arith.constant 0 : i32
        %dma_wait3A_590 = tpu.memref_slice %arg6[%dma_wait3A_583, %dma_wait3A_589] : memref<5x40xi32, #tpu.memory_space<vmem>> -> memref<1x40xi32, #tpu.memory_space<vmem>>
        %dma_wait3A_591 = tpu.memref_squeeze %dma_wait3A_590 : memref<1x40xi32, #tpu.memory_space<vmem>> -> memref<40xi32, #tpu.memory_space<vmem>>
        %dma_wait3A_592 = arith.constant 0 : i32
        %dma_wait3A_593 = arith.constant 0 : i32
        %dma_wait3A_594 = tpu.memref_slice %arg8[%dma_wait3A_592, %dma_wait3A_593] : memref<10240x128xf32, #tpu.memory_space<vmem_shared>> -> memref<10240x128xf32, #tpu.memory_space<vmem_shared>>
        %dma_wait3A_595 = tpu.memref_slice %arg11[%dma_wait3A_584] : memref<5x!tpu.dma_semaphore, #tpu.memory_space<semaphore_mem>> -> memref<1x!tpu.dma_semaphore, #tpu.memory_space<semaphore_mem>>
        %dma_wait3A_596 = tpu.memref_squeeze %dma_wait3A_595 : memref<1x!tpu.dma_semaphore, #tpu.memory_space<semaphore_mem>> -> memref<!tpu.dma_semaphore, #tpu.memory_space<semaphore_mem>>
        tpu.wait_indirect_dma semaphore(%dma_wait3A_596 : memref<!tpu.dma_semaphore, #tpu.memory_space<semaphore_mem>>) src(%dma_wait3A_588 : memref<40x128xf32, #tpu.memory_space<vmem>>) dst(%dma_wait3A_594 : memref<10240x128xf32, #tpu.memory_space<vmem_shared>>)
      } else {
      }
      %dma_start3A_144 = arith.constant 1 : i32
      %dma_start3A_145 = arith.constant 1 : i32
      %dma_start3A_146 = arith.constant 0 : i32
      %dma_start3A_147 = tpu.memref_slice %arg6[%dma_start3A_144, %dma_start3A_146] : memref<5x40xi32, #tpu.memory_space<vmem>> -> memref<1x40xi32, #tpu.memory_space<vmem>>
      %dma_start3A_148 = tpu.memref_squeeze %dma_start3A_147 : memref<1x40xi32, #tpu.memory_space<vmem>> -> memref<40xi32, #tpu.memory_space<vmem>>
      %dma_start3A_149 = arith.constant 0 : i32
      %dma_start3A_150 = tpu.memref_slice %arg3[%add3A, %add3A_138, %dma_start3A_149] : memref<32x250x40xi32, #tpu.memory_space<hbm>> -> memref<1x1x40xi32, #tpu.memory_space<hbm>>
      %dma_start3A_151 = tpu.memref_squeeze %dma_start3A_150 : memref<1x1x40xi32, #tpu.memory_space<hbm>> -> memref<40xi32, #tpu.memory_space<hbm>>
      %dma_start3A_152 = tpu.memref_slice %arg9[%dma_start3A_145] : memref<5x!tpu.dma_semaphore, #tpu.memory_space<semaphore_mem>> -> memref<1x!tpu.dma_semaphore, #tpu.memory_space<semaphore_mem>>
      %dma_start3A_153 = tpu.memref_squeeze %dma_start3A_152 : memref<1x!tpu.dma_semaphore, #tpu.memory_space<semaphore_mem>> -> memref<!tpu.dma_semaphore, #tpu.memory_space<semaphore_mem>>
      %dma_start3A_154 = arith.constant 0 : i32
      %dma_start3A_155 = tpu.memref_slice %arg6[%dma_start3A_144, %dma_start3A_154] : memref<5x40xi32, #tpu.memory_space<vmem>> -> memref<1x40xi32, #tpu.memory_space<vmem>>
      %dma_start3A_156 = tpu.memref_squeeze %dma_start3A_155 : memref<1x40xi32, #tpu.memory_space<vmem>> -> memref<40xi32, #tpu.memory_space<vmem>>
      %dma_start3A_157 = arith.constant 0 : i32
      %dma_start3A_158 = tpu.memref_slice %arg3[%add3A, %add3A_138, %dma_start3A_157] : memref<32x250x40xi32, #tpu.memory_space<hbm>> -> memref<1x1x40xi32, #tpu.memory_space<hbm>>
      %dma_start3A_159 = tpu.memref_squeeze %dma_start3A_158 : memref<1x1x40xi32, #tpu.memory_space<hbm>> -> memref<40xi32, #tpu.memory_space<hbm>>
      tpu.enqueue_dma source(%dma_start3A_159 : memref<40xi32, #tpu.memory_space<hbm>>) target(%dma_start3A_156 : memref<40xi32, #tpu.memory_space<vmem>>) target_semaphore(%dma_start3A_153 : memref<!tpu.dma_semaphore, #tpu.memory_space<semaphore_mem>>)
      %mul3A_160 = arith.constant 40 : i32
      %mul3A_161 = arith.muli %add3A_138, %mul3A_160 : i32
      %add3A_162 = arith.addi %mul3A_2, %mul3A_161 : i32
      %dma_start3A_163 = arith.constant 1 : i32
      %dma_start3A_164 = arith.constant 1 : i32
      %dma_start3A_165 = arith.constant 0 : i32
      %dma_start3A_166 = arith.constant 0 : i32
      %dma_start3A_167 = tpu.memref_slice %arg7[%dma_start3A_163, %dma_start3A_165, %dma_start3A_166] : memref<5x40x128xf32, #tpu.memory_space<vmem>> -> memref<1x40x128xf32, #tpu.memory_space<vmem>>
      %dma_start3A_168 = tpu.memref_squeeze %dma_start3A_167 : memref<1x40x128xf32, #tpu.memory_space<vmem>> -> memref<40x128xf32, #tpu.memory_space<vmem>>
      %dma_start3A_169 = arith.constant 0 : i32
      %dma_start3A_170 = tpu.memref_slice %arg2[%add3A_162, %dma_start3A_169] : memref<320000x128xf32, #tpu.memory_space<hbm>> -> memref<40x128xf32, #tpu.memory_space<hbm>>
      %dma_start3A_171 = tpu.memref_slice %arg10[%dma_start3A_164] : memref<5x!tpu.dma_semaphore, #tpu.memory_space<semaphore_mem>> -> memref<1x!tpu.dma_semaphore, #tpu.memory_space<semaphore_mem>>
      %dma_start3A_172 = tpu.memref_squeeze %dma_start3A_171 : memref<1x!tpu.dma_semaphore, #tpu.memory_space<semaphore_mem>> -> memref<!tpu.dma_semaphore, #tpu.memory_space<semaphore_mem>>
      %dma_start3A_173 = arith.constant 0 : i32
      %dma_start3A_174 = arith.constant 0 : i32
      %dma_start3A_175 = tpu.memref_slice %arg7[%dma_start3A_163, %dma_start3A_173, %dma_start3A_174] : memref<5x40x128xf32, #tpu.memory_space<vmem>> -> memref<1x40x128xf32, #tpu.memory_space<vmem>>
      %dma_start3A_176 = tpu.memref_squeeze %dma_start3A_175 : memref<1x40x128xf32, #tpu.memory_space<vmem>> -> memref<40x128xf32, #tpu.memory_space<vmem>>
      %dma_start3A_177 = arith.constant 0 : i32
      %dma_start3A_178 = tpu.memref_slice %arg2[%add3A_162, %dma_start3A_177] : memref<320000x128xf32, #tpu.memory_space<hbm>> -> memref<40x128xf32, #tpu.memory_space<hbm>>
      tpu.enqueue_dma source(%dma_start3A_178 : memref<40x128xf32, #tpu.memory_space<hbm>>) target(%dma_start3A_176 : memref<40x128xf32, #tpu.memory_space<vmem>>) target_semaphore(%dma_start3A_172 : memref<!tpu.dma_semaphore, #tpu.memory_space<semaphore_mem>>)
      %mul3A_179 = arith.constant 5 : i32
      %mul3A_180 = arith.muli %scan3A_94, %mul3A_179 : i32
      %add3A_181 = arith.constant 2 : i32
      %add3A_182 = arith.addi %mul3A_180, %add3A_181 : i32
      %ge3A_183 = arith.constant 1 : i32
      %ge3A_184 = arith.cmpi sge, %scan3A_94, %ge3A_183 : i32
      %convert_element_type3A_185 = arith.extui %ge3A_184 : i1 to i32
      %cond3A_186 = arith.constant 0 : i32
      %cond3A_187 = arith.cmpi ne, %convert_element_type3A_185, %cond3A_186 : i32
      scf.if %cond3A_187 {
        %sub3A = arith.constant 5 : i32
        %sub3A_581 = arith.subi %add3A_182, %sub3A : i32
        %dma_wait3A_582 = arith.constant 2 : i32
        %dma_wait3A_583 = arith.constant 2 : i32
        %dma_wait3A_584 = arith.constant 2 : i32
        %dma_wait3A_585 = arith.constant 0 : i32
        %dma_wait3A_586 = arith.constant 0 : i32
        %dma_wait3A_587 = tpu.memref_slice %arg7[%dma_wait3A_582, %dma_wait3A_585, %dma_wait3A_586] : memref<5x40x128xf32, #tpu.memory_space<vmem>> -> memref<1x40x128xf32, #tpu.memory_space<vmem>>
        %dma_wait3A_588 = tpu.memref_squeeze %dma_wait3A_587 : memref<1x40x128xf32, #tpu.memory_space<vmem>> -> memref<40x128xf32, #tpu.memory_space<vmem>>
        %dma_wait3A_589 = arith.constant 0 : i32
        %dma_wait3A_590 = tpu.memref_slice %arg6[%dma_wait3A_583, %dma_wait3A_589] : memref<5x40xi32, #tpu.memory_space<vmem>> -> memref<1x40xi32, #tpu.memory_space<vmem>>
        %dma_wait3A_591 = tpu.memref_squeeze %dma_wait3A_590 : memref<1x40xi32, #tpu.memory_space<vmem>> -> memref<40xi32, #tpu.memory_space<vmem>>
        %dma_wait3A_592 = arith.constant 0 : i32
        %dma_wait3A_593 = arith.constant 0 : i32
        %dma_wait3A_594 = tpu.memref_slice %arg8[%dma_wait3A_592, %dma_wait3A_593] : memref<10240x128xf32, #tpu.memory_space<vmem_shared>> -> memref<10240x128xf32, #tpu.memory_space<vmem_shared>>
        %dma_wait3A_595 = tpu.memref_slice %arg11[%dma_wait3A_584] : memref<5x!tpu.dma_semaphore, #tpu.memory_space<semaphore_mem>> -> memref<1x!tpu.dma_semaphore, #tpu.memory_space<semaphore_mem>>
        %dma_wait3A_596 = tpu.memref_squeeze %dma_wait3A_595 : memref<1x!tpu.dma_semaphore, #tpu.memory_space<semaphore_mem>> -> memref<!tpu.dma_semaphore, #tpu.memory_space<semaphore_mem>>
        tpu.wait_indirect_dma semaphore(%dma_wait3A_596 : memref<!tpu.dma_semaphore, #tpu.memory_space<semaphore_mem>>) src(%dma_wait3A_588 : memref<40x128xf32, #tpu.memory_space<vmem>>) dst(%dma_wait3A_594 : memref<10240x128xf32, #tpu.memory_space<vmem_shared>>)
      } else {
      }
      %dma_start3A_188 = arith.constant 2 : i32
      %dma_start3A_189 = arith.constant 2 : i32
      %dma_start3A_190 = arith.constant 0 : i32
      %dma_start3A_191 = tpu.memref_slice %arg6[%dma_start3A_188, %dma_start3A_190] : memref<5x40xi32, #tpu.memory_space<vmem>> -> memref<1x40xi32, #tpu.memory_space<vmem>>
      %dma_start3A_192 = tpu.memref_squeeze %dma_start3A_191 : memref<1x40xi32, #tpu.memory_space<vmem>> -> memref<40xi32, #tpu.memory_space<vmem>>
      %dma_start3A_193 = arith.constant 0 : i32
      %dma_start3A_194 = tpu.memref_slice %arg3[%add3A, %add3A_182, %dma_start3A_193] : memref<32x250x40xi32, #tpu.memory_space<hbm>> -> memref<1x1x40xi32, #tpu.memory_space<hbm>>
      %dma_start3A_195 = tpu.memref_squeeze %dma_start3A_194 : memref<1x1x40xi32, #tpu.memory_space<hbm>> -> memref<40xi32, #tpu.memory_space<hbm>>
      %dma_start3A_196 = tpu.memref_slice %arg9[%dma_start3A_189] : memref<5x!tpu.dma_semaphore, #tpu.memory_space<semaphore_mem>> -> memref<1x!tpu.dma_semaphore, #tpu.memory_space<semaphore_mem>>
      %dma_start3A_197 = tpu.memref_squeeze %dma_start3A_196 : memref<1x!tpu.dma_semaphore, #tpu.memory_space<semaphore_mem>> -> memref<!tpu.dma_semaphore, #tpu.memory_space<semaphore_mem>>
      %dma_start3A_198 = arith.constant 0 : i32
      %dma_start3A_199 = tpu.memref_slice %arg6[%dma_start3A_188, %dma_start3A_198] : memref<5x40xi32, #tpu.memory_space<vmem>> -> memref<1x40xi32, #tpu.memory_space<vmem>>
      %dma_start3A_200 = tpu.memref_squeeze %dma_start3A_199 : memref<1x40xi32, #tpu.memory_space<vmem>> -> memref<40xi32, #tpu.memory_space<vmem>>
      %dma_start3A_201 = arith.constant 0 : i32
      %dma_start3A_202 = tpu.memref_slice %arg3[%add3A, %add3A_182, %dma_start3A_201] : memref<32x250x40xi32, #tpu.memory_space<hbm>> -> memref<1x1x40xi32, #tpu.memory_space<hbm>>
      %dma_start3A_203 = tpu.memref_squeeze %dma_start3A_202 : memref<1x1x40xi32, #tpu.memory_space<hbm>> -> memref<40xi32, #tpu.memory_space<hbm>>
      tpu.enqueue_dma source(%dma_start3A_203 : memref<40xi32, #tpu.memory_space<hbm>>) target(%dma_start3A_200 : memref<40xi32, #tpu.memory_space<vmem>>) target_semaphore(%dma_start3A_197 : memref<!tpu.dma_semaphore, #tpu.memory_space<semaphore_mem>>)
      %mul3A_204 = arith.constant 40 : i32
      %mul3A_205 = arith.muli %add3A_182, %mul3A_204 : i32
      %add3A_206 = arith.addi %mul3A_2, %mul3A_205 : i32
      %dma_start3A_207 = arith.constant 2 : i32
      %dma_start3A_208 = arith.constant 2 : i32
      %dma_start3A_209 = arith.constant 0 : i32
      %dma_start3A_210 = arith.constant 0 : i32
      %dma_start3A_211 = tpu.memref_slice %arg7[%dma_start3A_207, %dma_start3A_209, %dma_start3A_210] : memref<5x40x128xf32, #tpu.memory_space<vmem>> -> memref<1x40x128xf32, #tpu.memory_space<vmem>>
      %dma_start3A_212 = tpu.memref_squeeze %dma_start3A_211 : memref<1x40x128xf32, #tpu.memory_space<vmem>> -> memref<40x128xf32, #tpu.memory_space<vmem>>
      %dma_start3A_213 = arith.constant 0 : i32
      %dma_start3A_214 = tpu.memref_slice %arg2[%add3A_206, %dma_start3A_213] : memref<320000x128xf32, #tpu.memory_space<hbm>> -> memref<40x128xf32, #tpu.memory_space<hbm>>
      %dma_start3A_215 = tpu.memref_slice %arg10[%dma_start3A_208] : memref<5x!tpu.dma_semaphore, #tpu.memory_space<semaphore_mem>> -> memref<1x!tpu.dma_semaphore, #tpu.memory_space<semaphore_mem>>
      %dma_start3A_216 = tpu.memref_squeeze %dma_start3A_215 : memref<1x!tpu.dma_semaphore, #tpu.memory_space<semaphore_mem>> -> memref<!tpu.dma_semaphore, #tpu.memory_space<semaphore_mem>>
      %dma_start3A_217 = arith.constant 0 : i32
      %dma_start3A_218 = arith.constant 0 : i32
      %dma_start3A_219 = tpu.memref_slice %arg7[%dma_start3A_207, %dma_start3A_217, %dma_start3A_218] : memref<5x40x128xf32, #tpu.memory_space<vmem>> -> memref<1x40x128xf32, #tpu.memory_space<vmem>>
      %dma_start3A_220 = tpu.memref_squeeze %dma_start3A_219 : memref<1x40x128xf32, #tpu.memory_space<vmem>> -> memref<40x128xf32, #tpu.memory_space<vmem>>
      %dma_start3A_221 = arith.constant 0 : i32
      %dma_start3A_222 = tpu.memref_slice %arg2[%add3A_206, %dma_start3A_221] : memref<320000x128xf32, #tpu.memory_space<hbm>> -> memref<40x128xf32, #tpu.memory_space<hbm>>
      tpu.enqueue_dma source(%dma_start3A_222 : memref<40x128xf32, #tpu.memory_space<hbm>>) target(%dma_start3A_220 : memref<40x128xf32, #tpu.memory_space<vmem>>) target_semaphore(%dma_start3A_216 : memref<!tpu.dma_semaphore, #tpu.memory_space<semaphore_mem>>)
      %mul3A_223 = arith.constant 5 : i32
      %mul3A_224 = arith.muli %scan3A_94, %mul3A_223 : i32
      %add3A_225 = arith.constant 3 : i32
      %add3A_226 = arith.addi %mul3A_224, %add3A_225 : i32
      %ge3A_227 = arith.constant 1 : i32
      %ge3A_228 = arith.cmpi sge, %scan3A_94, %ge3A_227 : i32
      %convert_element_type3A_229 = arith.extui %ge3A_228 : i1 to i32
      %cond3A_230 = arith.constant 0 : i32
      %cond3A_231 = arith.cmpi ne, %convert_element_type3A_229, %cond3A_230 : i32
      scf.if %cond3A_231 {
        %sub3A = arith.constant 5 : i32
        %sub3A_581 = arith.subi %add3A_226, %sub3A : i32
        %dma_wait3A_582 = arith.constant 3 : i32
        %dma_wait3A_583 = arith.constant 3 : i32
        %dma_wait3A_584 = arith.constant 3 : i32
        %dma_wait3A_585 = arith.constant 0 : i32
        %dma_wait3A_586 = arith.constant 0 : i32
        %dma_wait3A_587 = tpu.memref_slice %arg7[%dma_wait3A_582, %dma_wait3A_585, %dma_wait3A_586] : memref<5x40x128xf32, #tpu.memory_space<vmem>> -> memref<1x40x128xf32, #tpu.memory_space<vmem>>
        %dma_wait3A_588 = tpu.memref_squeeze %dma_wait3A_587 : memref<1x40x128xf32, #tpu.memory_space<vmem>> -> memref<40x128xf32, #tpu.memory_space<vmem>>
        %dma_wait3A_589 = arith.constant 0 : i32
        %dma_wait3A_590 = tpu.memref_slice %arg6[%dma_wait3A_583, %dma_wait3A_589] : memref<5x40xi32, #tpu.memory_space<vmem>> -> memref<1x40xi32, #tpu.memory_space<vmem>>
        %dma_wait3A_591 = tpu.memref_squeeze %dma_wait3A_590 : memref<1x40xi32, #tpu.memory_space<vmem>> -> memref<40xi32, #tpu.memory_space<vmem>>
        %dma_wait3A_592 = arith.constant 0 : i32
        %dma_wait3A_593 = arith.constant 0 : i32
        %dma_wait3A_594 = tpu.memref_slice %arg8[%dma_wait3A_592, %dma_wait3A_593] : memref<10240x128xf32, #tpu.memory_space<vmem_shared>> -> memref<10240x128xf32, #tpu.memory_space<vmem_shared>>
        %dma_wait3A_595 = tpu.memref_slice %arg11[%dma_wait3A_584] : memref<5x!tpu.dma_semaphore, #tpu.memory_space<semaphore_mem>> -> memref<1x!tpu.dma_semaphore, #tpu.memory_space<semaphore_mem>>
        %dma_wait3A_596 = tpu.memref_squeeze %dma_wait3A_595 : memref<1x!tpu.dma_semaphore, #tpu.memory_space<semaphore_mem>> -> memref<!tpu.dma_semaphore, #tpu.memory_space<semaphore_mem>>
        tpu.wait_indirect_dma semaphore(%dma_wait3A_596 : memref<!tpu.dma_semaphore, #tpu.memory_space<semaphore_mem>>) src(%dma_wait3A_588 : memref<40x128xf32, #tpu.memory_space<vmem>>) dst(%dma_wait3A_594 : memref<10240x128xf32, #tpu.memory_space<vmem_shared>>)
      } else {
      }
      %dma_start3A_232 = arith.constant 3 : i32
      %dma_start3A_233 = arith.constant 3 : i32
      %dma_start3A_234 = arith.constant 0 : i32
      %dma_start3A_235 = tpu.memref_slice %arg6[%dma_start3A_232, %dma_start3A_234] : memref<5x40xi32, #tpu.memory_space<vmem>> -> memref<1x40xi32, #tpu.memory_space<vmem>>
      %dma_start3A_236 = tpu.memref_squeeze %dma_start3A_235 : memref<1x40xi32, #tpu.memory_space<vmem>> -> memref<40xi32, #tpu.memory_space<vmem>>
      %dma_start3A_237 = arith.constant 0 : i32
      %dma_start3A_238 = tpu.memref_slice %arg3[%add3A, %add3A_226, %dma_start3A_237] : memref<32x250x40xi32, #tpu.memory_space<hbm>> -> memref<1x1x40xi32, #tpu.memory_space<hbm>>
      %dma_start3A_239 = tpu.memref_squeeze %dma_start3A_238 : memref<1x1x40xi32, #tpu.memory_space<hbm>> -> memref<40xi32, #tpu.memory_space<hbm>>
      %dma_start3A_240 = tpu.memref_slice %arg9[%dma_start3A_233] : memref<5x!tpu.dma_semaphore, #tpu.memory_space<semaphore_mem>> -> memref<1x!tpu.dma_semaphore, #tpu.memory_space<semaphore_mem>>
      %dma_start3A_241 = tpu.memref_squeeze %dma_start3A_240 : memref<1x!tpu.dma_semaphore, #tpu.memory_space<semaphore_mem>> -> memref<!tpu.dma_semaphore, #tpu.memory_space<semaphore_mem>>
      %dma_start3A_242 = arith.constant 0 : i32
      %dma_start3A_243 = tpu.memref_slice %arg6[%dma_start3A_232, %dma_start3A_242] : memref<5x40xi32, #tpu.memory_space<vmem>> -> memref<1x40xi32, #tpu.memory_space<vmem>>
      %dma_start3A_244 = tpu.memref_squeeze %dma_start3A_243 : memref<1x40xi32, #tpu.memory_space<vmem>> -> memref<40xi32, #tpu.memory_space<vmem>>
      %dma_start3A_245 = arith.constant 0 : i32
      %dma_start3A_246 = tpu.memref_slice %arg3[%add3A, %add3A_226, %dma_start3A_245] : memref<32x250x40xi32, #tpu.memory_space<hbm>> -> memref<1x1x40xi32, #tpu.memory_space<hbm>>
      %dma_start3A_247 = tpu.memref_squeeze %dma_start3A_246 : memref<1x1x40xi32, #tpu.memory_space<hbm>> -> memref<40xi32, #tpu.memory_space<hbm>>
      tpu.enqueue_dma source(%dma_start3A_247 : memref<40xi32, #tpu.memory_space<hbm>>) target(%dma_start3A_244 : memref<40xi32, #tpu.memory_space<vmem>>) target_semaphore(%dma_start3A_241 : memref<!tpu.dma_semaphore, #tpu.memory_space<semaphore_mem>>)
      %mul3A_248 = arith.constant 40 : i32
      %mul3A_249 = arith.muli %add3A_226, %mul3A_248 : i32
      %add3A_250 = arith.addi %mul3A_2, %mul3A_249 : i32
      %dma_start3A_251 = arith.constant 3 : i32
      %dma_start3A_252 = arith.constant 3 : i32
      %dma_start3A_253 = arith.constant 0 : i32
      %dma_start3A_254 = arith.constant 0 : i32
      %dma_start3A_255 = tpu.memref_slice %arg7[%dma_start3A_251, %dma_start3A_253, %dma_start3A_254] : memref<5x40x128xf32, #tpu.memory_space<vmem>> -> memref<1x40x128xf32, #tpu.memory_space<vmem>>
      %dma_start3A_256 = tpu.memref_squeeze %dma_start3A_255 : memref<1x40x128xf32, #tpu.memory_space<vmem>> -> memref<40x128xf32, #tpu.memory_space<vmem>>
      %dma_start3A_257 = arith.constant 0 : i32
      %dma_start3A_258 = tpu.memref_slice %arg2[%add3A_250, %dma_start3A_257] : memref<320000x128xf32, #tpu.memory_space<hbm>> -> memref<40x128xf32, #tpu.memory_space<hbm>>
      %dma_start3A_259 = tpu.memref_slice %arg10[%dma_start3A_252] : memref<5x!tpu.dma_semaphore, #tpu.memory_space<semaphore_mem>> -> memref<1x!tpu.dma_semaphore, #tpu.memory_space<semaphore_mem>>
      %dma_start3A_260 = tpu.memref_squeeze %dma_start3A_259 : memref<1x!tpu.dma_semaphore, #tpu.memory_space<semaphore_mem>> -> memref<!tpu.dma_semaphore, #tpu.memory_space<semaphore_mem>>
      %dma_start3A_261 = arith.constant 0 : i32
      %dma_start3A_262 = arith.constant 0 : i32
      %dma_start3A_263 = tpu.memref_slice %arg7[%dma_start3A_251, %dma_start3A_261, %dma_start3A_262] : memref<5x40x128xf32, #tpu.memory_space<vmem>> -> memref<1x40x128xf32, #tpu.memory_space<vmem>>
      %dma_start3A_264 = tpu.memref_squeeze %dma_start3A_263 : memref<1x40x128xf32, #tpu.memory_space<vmem>> -> memref<40x128xf32, #tpu.memory_space<vmem>>
      %dma_start3A_265 = arith.constant 0 : i32
      %dma_start3A_266 = tpu.memref_slice %arg2[%add3A_250, %dma_start3A_265] : memref<320000x128xf32, #tpu.memory_space<hbm>> -> memref<40x128xf32, #tpu.memory_space<hbm>>
      tpu.enqueue_dma source(%dma_start3A_266 : memref<40x128xf32, #tpu.memory_space<hbm>>) target(%dma_start3A_264 : memref<40x128xf32, #tpu.memory_space<vmem>>) target_semaphore(%dma_start3A_260 : memref<!tpu.dma_semaphore, #tpu.memory_space<semaphore_mem>>)
      %mul3A_267 = arith.constant 5 : i32
      %mul3A_268 = arith.muli %scan3A_94, %mul3A_267 : i32
      %add3A_269 = arith.constant 4 : i32
      %add3A_270 = arith.addi %mul3A_268, %add3A_269 : i32
      %ge3A_271 = arith.constant 1 : i32
      %ge3A_272 = arith.cmpi sge, %scan3A_94, %ge3A_271 : i32
      %convert_element_type3A_273 = arith.extui %ge3A_272 : i1 to i32
      %cond3A_274 = arith.constant 0 : i32
      %cond3A_275 = arith.cmpi ne, %convert_element_type3A_273, %cond3A_274 : i32
      scf.if %cond3A_275 {
        %sub3A = arith.constant 5 : i32
        %sub3A_581 = arith.subi %add3A_270, %sub3A : i32
        %dma_wait3A_582 = arith.constant 4 : i32
        %dma_wait3A_583 = arith.constant 4 : i32
        %dma_wait3A_584 = arith.constant 4 : i32
        %dma_wait3A_585 = arith.constant 0 : i32
        %dma_wait3A_586 = arith.constant 0 : i32
        %dma_wait3A_587 = tpu.memref_slice %arg7[%dma_wait3A_582, %dma_wait3A_585, %dma_wait3A_586] : memref<5x40x128xf32, #tpu.memory_space<vmem>> -> memref<1x40x128xf32, #tpu.memory_space<vmem>>
        %dma_wait3A_588 = tpu.memref_squeeze %dma_wait3A_587 : memref<1x40x128xf32, #tpu.memory_space<vmem>> -> memref<40x128xf32, #tpu.memory_space<vmem>>
        %dma_wait3A_589 = arith.constant 0 : i32
        %dma_wait3A_590 = tpu.memref_slice %arg6[%dma_wait3A_583, %dma_wait3A_589] : memref<5x40xi32, #tpu.memory_space<vmem>> -> memref<1x40xi32, #tpu.memory_space<vmem>>
        %dma_wait3A_591 = tpu.memref_squeeze %dma_wait3A_590 : memref<1x40xi32, #tpu.memory_space<vmem>> -> memref<40xi32, #tpu.memory_space<vmem>>
        %dma_wait3A_592 = arith.constant 0 : i32
        %dma_wait3A_593 = arith.constant 0 : i32
        %dma_wait3A_594 = tpu.memref_slice %arg8[%dma_wait3A_592, %dma_wait3A_593] : memref<10240x128xf32, #tpu.memory_space<vmem_shared>> -> memref<10240x128xf32, #tpu.memory_space<vmem_shared>>
        %dma_wait3A_595 = tpu.memref_slice %arg11[%dma_wait3A_584] : memref<5x!tpu.dma_semaphore, #tpu.memory_space<semaphore_mem>> -> memref<1x!tpu.dma_semaphore, #tpu.memory_space<semaphore_mem>>
        %dma_wait3A_596 = tpu.memref_squeeze %dma_wait3A_595 : memref<1x!tpu.dma_semaphore, #tpu.memory_space<semaphore_mem>> -> memref<!tpu.dma_semaphore, #tpu.memory_space<semaphore_mem>>
        tpu.wait_indirect_dma semaphore(%dma_wait3A_596 : memref<!tpu.dma_semaphore, #tpu.memory_space<semaphore_mem>>) src(%dma_wait3A_588 : memref<40x128xf32, #tpu.memory_space<vmem>>) dst(%dma_wait3A_594 : memref<10240x128xf32, #tpu.memory_space<vmem_shared>>)
      } else {
      }
      %dma_start3A_276 = arith.constant 4 : i32
      %dma_start3A_277 = arith.constant 4 : i32
      %dma_start3A_278 = arith.constant 0 : i32
      %dma_start3A_279 = tpu.memref_slice %arg6[%dma_start3A_276, %dma_start3A_278] : memref<5x40xi32, #tpu.memory_space<vmem>> -> memref<1x40xi32, #tpu.memory_space<vmem>>
      %dma_start3A_280 = tpu.memref_squeeze %dma_start3A_279 : memref<1x40xi32, #tpu.memory_space<vmem>> -> memref<40xi32, #tpu.memory_space<vmem>>
      %dma_start3A_281 = arith.constant 0 : i32
      %dma_start3A_282 = tpu.memref_slice %arg3[%add3A, %add3A_270, %dma_start3A_281] : memref<32x250x40xi32, #tpu.memory_space<hbm>> -> memref<1x1x40xi32, #tpu.memory_space<hbm>>
      %dma_start3A_283 = tpu.memref_squeeze %dma_start3A_282 : memref<1x1x40xi32, #tpu.memory_space<hbm>> -> memref<40xi32, #tpu.memory_space<hbm>>
      %dma_start3A_284 = tpu.memref_slice %arg9[%dma_start3A_277] : memref<5x!tpu.dma_semaphore, #tpu.memory_space<semaphore_mem>> -> memref<1x!tpu.dma_semaphore, #tpu.memory_space<semaphore_mem>>
      %dma_start3A_285 = tpu.memref_squeeze %dma_start3A_284 : memref<1x!tpu.dma_semaphore, #tpu.memory_space<semaphore_mem>> -> memref<!tpu.dma_semaphore, #tpu.memory_space<semaphore_mem>>
      %dma_start3A_286 = arith.constant 0 : i32
      %dma_start3A_287 = tpu.memref_slice %arg6[%dma_start3A_276, %dma_start3A_286] : memref<5x40xi32, #tpu.memory_space<vmem>> -> memref<1x40xi32, #tpu.memory_space<vmem>>
      %dma_start3A_288 = tpu.memref_squeeze %dma_start3A_287 : memref<1x40xi32, #tpu.memory_space<vmem>> -> memref<40xi32, #tpu.memory_space<vmem>>
      %dma_start3A_289 = arith.constant 0 : i32
      %dma_start3A_290 = tpu.memref_slice %arg3[%add3A, %add3A_270, %dma_start3A_289] : memref<32x250x40xi32, #tpu.memory_space<hbm>> -> memref<1x1x40xi32, #tpu.memory_space<hbm>>
      %dma_start3A_291 = tpu.memref_squeeze %dma_start3A_290 : memref<1x1x40xi32, #tpu.memory_space<hbm>> -> memref<40xi32, #tpu.memory_space<hbm>>
      tpu.enqueue_dma source(%dma_start3A_291 : memref<40xi32, #tpu.memory_space<hbm>>) target(%dma_start3A_288 : memref<40xi32, #tpu.memory_space<vmem>>) target_semaphore(%dma_start3A_285 : memref<!tpu.dma_semaphore, #tpu.memory_space<semaphore_mem>>)
      %mul3A_292 = arith.constant 40 : i32
      %mul3A_293 = arith.muli %add3A_270, %mul3A_292 : i32
      %add3A_294 = arith.addi %mul3A_2, %mul3A_293 : i32
      %dma_start3A_295 = arith.constant 4 : i32
      %dma_start3A_296 = arith.constant 4 : i32
      %dma_start3A_297 = arith.constant 0 : i32
      %dma_start3A_298 = arith.constant 0 : i32
      %dma_start3A_299 = tpu.memref_slice %arg7[%dma_start3A_295, %dma_start3A_297, %dma_start3A_298] : memref<5x40x128xf32, #tpu.memory_space<vmem>> -> memref<1x40x128xf32, #tpu.memory_space<vmem>>
      %dma_start3A_300 = tpu.memref_squeeze %dma_start3A_299 : memref<1x40x128xf32, #tpu.memory_space<vmem>> -> memref<40x128xf32, #tpu.memory_space<vmem>>
      %dma_start3A_301 = arith.constant 0 : i32
      %dma_start3A_302 = tpu.memref_slice %arg2[%add3A_294, %dma_start3A_301] : memref<320000x128xf32, #tpu.memory_space<hbm>> -> memref<40x128xf32, #tpu.memory_space<hbm>>
      %dma_start3A_303 = tpu.memref_slice %arg10[%dma_start3A_296] : memref<5x!tpu.dma_semaphore, #tpu.memory_space<semaphore_mem>> -> memref<1x!tpu.dma_semaphore, #tpu.memory_space<semaphore_mem>>
      %dma_start3A_304 = tpu.memref_squeeze %dma_start3A_303 : memref<1x!tpu.dma_semaphore, #tpu.memory_space<semaphore_mem>> -> memref<!tpu.dma_semaphore, #tpu.memory_space<semaphore_mem>>
      %dma_start3A_305 = arith.constant 0 : i32
      %dma_start3A_306 = arith.constant 0 : i32
      %dma_start3A_307 = tpu.memref_slice %arg7[%dma_start3A_295, %dma_start3A_305, %dma_start3A_306] : memref<5x40x128xf32, #tpu.memory_space<vmem>> -> memref<1x40x128xf32, #tpu.memory_space<vmem>>
      %dma_start3A_308 = tpu.memref_squeeze %dma_start3A_307 : memref<1x40x128xf32, #tpu.memory_space<vmem>> -> memref<40x128xf32, #tpu.memory_space<vmem>>
      %dma_start3A_309 = arith.constant 0 : i32
      %dma_start3A_310 = tpu.memref_slice %arg2[%add3A_294, %dma_start3A_309] : memref<320000x128xf32, #tpu.memory_space<hbm>> -> memref<40x128xf32, #tpu.memory_space<hbm>>
      tpu.enqueue_dma source(%dma_start3A_310 : memref<40x128xf32, #tpu.memory_space<hbm>>) target(%dma_start3A_308 : memref<40x128xf32, #tpu.memory_space<vmem>>) target_semaphore(%dma_start3A_304 : memref<!tpu.dma_semaphore, #tpu.memory_space<semaphore_mem>>)
      %mul3A_311 = arith.constant 5 : i32
      %mul3A_312 = arith.muli %scan3A_94, %mul3A_311 : i32
      %add3A_313 = arith.constant 0 : i32
      %add3A_314 = arith.addi %mul3A_312, %add3A_313 : i32
      %dma_wait3A_315 = arith.constant 0 : i32
      %dma_wait3A_316 = arith.constant 0 : i32
      %dma_wait3A_317 = arith.constant 0 : i32
      %dma_wait3A_318 = tpu.memref_slice %arg6[%dma_wait3A_315, %dma_wait3A_317] : memref<5x40xi32, #tpu.memory_space<vmem>> -> memref<1x40xi32, #tpu.memory_space<vmem>>
      %dma_wait3A_319 = tpu.memref_squeeze %dma_wait3A_318 : memref<1x40xi32, #tpu.memory_space<vmem>> -> memref<40xi32, #tpu.memory_space<vmem>>
      %dma_wait3A_320 = arith.constant 0 : i32
      %dma_wait3A_321 = tpu.memref_slice %arg3[%add3A, %add3A_314, %dma_wait3A_320] : memref<32x250x40xi32, #tpu.memory_space<hbm>> -> memref<1x1x40xi32, #tpu.memory_space<hbm>>
      %dma_wait3A_322 = tpu.memref_squeeze %dma_wait3A_321 : memref<1x1x40xi32, #tpu.memory_space<hbm>> -> memref<40xi32, #tpu.memory_space<hbm>>
      %dma_wait3A_323 = tpu.memref_slice %arg9[%dma_wait3A_316] : memref<5x!tpu.dma_semaphore, #tpu.memory_space<semaphore_mem>> -> memref<1x!tpu.dma_semaphore, #tpu.memory_space<semaphore_mem>>
      %dma_wait3A_324 = tpu.memref_squeeze %dma_wait3A_323 : memref<1x!tpu.dma_semaphore, #tpu.memory_space<semaphore_mem>> -> memref<!tpu.dma_semaphore, #tpu.memory_space<semaphore_mem>>
      %dma_wait3A_325 = arith.constant 0 : i32
      %dma_wait3A_326 = tpu.memref_slice %arg6[%dma_wait3A_315, %dma_wait3A_325] : memref<5x40xi32, #tpu.memory_space<vmem>> -> memref<1x40xi32, #tpu.memory_space<vmem>>
      %dma_wait3A_327 = tpu.memref_squeeze %dma_wait3A_326 : memref<1x40xi32, #tpu.memory_space<vmem>> -> memref<40xi32, #tpu.memory_space<vmem>>
      %dma_wait3A_328 = arith.constant 0 : i32
      %dma_wait3A_329 = tpu.memref_slice %arg3[%add3A, %add3A_314, %dma_wait3A_328] : memref<32x250x40xi32, #tpu.memory_space<hbm>> -> memref<1x1x40xi32, #tpu.memory_space<hbm>>
      %dma_wait3A_330 = tpu.memref_squeeze %dma_wait3A_329 : memref<1x1x40xi32, #tpu.memory_space<hbm>> -> memref<40xi32, #tpu.memory_space<hbm>>
      tpu.wait_dma2 semaphore(%dma_wait3A_324 : memref<!tpu.dma_semaphore, #tpu.memory_space<semaphore_mem>>) src(%dma_wait3A_330 : memref<40xi32, #tpu.memory_space<hbm>>) dst(%dma_wait3A_327 : memref<40xi32, #tpu.memory_space<vmem>>)
      %mul3A_331 = arith.constant 40 : i32
      %mul3A_332 = arith.muli %add3A_314, %mul3A_331 : i32
      %add3A_333 = arith.addi %mul3A_2, %mul3A_332 : i32
      %dma_wait3A_334 = arith.constant 0 : i32
      %dma_wait3A_335 = arith.constant 0 : i32
      %dma_wait3A_336 = arith.constant 0 : i32
      %dma_wait3A_337 = arith.constant 0 : i32
      %dma_wait3A_338 = tpu.memref_slice %arg7[%dma_wait3A_334, %dma_wait3A_336, %dma_wait3A_337] : memref<5x40x128xf32, #tpu.memory_space<vmem>> -> memref<1x40x128xf32, #tpu.memory_space<vmem>>
      %dma_wait3A_339 = tpu.memref_squeeze %dma_wait3A_338 : memref<1x40x128xf32, #tpu.memory_space<vmem>> -> memref<40x128xf32, #tpu.memory_space<vmem>>
      %dma_wait3A_340 = arith.constant 0 : i32
      %dma_wait3A_341 = tpu.memref_slice %arg2[%add3A_333, %dma_wait3A_340] : memref<320000x128xf32, #tpu.memory_space<hbm>> -> memref<40x128xf32, #tpu.memory_space<hbm>>
      %dma_wait3A_342 = tpu.memref_slice %arg10[%dma_wait3A_335] : memref<5x!tpu.dma_semaphore, #tpu.memory_space<semaphore_mem>> -> memref<1x!tpu.dma_semaphore, #tpu.memory_space<semaphore_mem>>
      %dma_wait3A_343 = tpu.memref_squeeze %dma_wait3A_342 : memref<1x!tpu.dma_semaphore, #tpu.memory_space<semaphore_mem>> -> memref<!tpu.dma_semaphore, #tpu.memory_space<semaphore_mem>>
      %dma_wait3A_344 = arith.constant 0 : i32
      %dma_wait3A_345 = arith.constant 0 : i32
      %dma_wait3A_346 = tpu.memref_slice %arg7[%dma_wait3A_334, %dma_wait3A_344, %dma_wait3A_345] : memref<5x40x128xf32, #tpu.memory_space<vmem>> -> memref<1x40x128xf32, #tpu.memory_space<vmem>>
      %dma_wait3A_347 = tpu.memref_squeeze %dma_wait3A_346 : memref<1x40x128xf32, #tpu.memory_space<vmem>> -> memref<40x128xf32, #tpu.memory_space<vmem>>
      %dma_wait3A_348 = arith.constant 0 : i32
      %dma_wait3A_349 = tpu.memref_slice %arg2[%add3A_333, %dma_wait3A_348] : memref<320000x128xf32, #tpu.memory_space<hbm>> -> memref<40x128xf32, #tpu.memory_space<hbm>>
      tpu.wait_dma2 semaphore(%dma_wait3A_343 : memref<!tpu.dma_semaphore, #tpu.memory_space<semaphore_mem>>) src(%dma_wait3A_349 : memref<40x128xf32, #tpu.memory_space<hbm>>) dst(%dma_wait3A_347 : memref<40x128xf32, #tpu.memory_space<vmem>>)
      %dma_start3A_350 = arith.constant 0 : i32
      %dma_start3A_351 = arith.constant 0 : i32
      %dma_start3A_352 = arith.constant 0 : i32
      %dma_start3A_353 = arith.constant 0 : i32
      %dma_start3A_354 = arith.constant 0 : i32
      %dma_start3A_355 = tpu.memref_slice %arg7[%dma_start3A_350, %dma_start3A_353, %dma_start3A_354] : memref<5x40x128xf32, #tpu.memory_space<vmem>> -> memref<1x40x128xf32, #tpu.memory_space<vmem>>
      %dma_start3A_356 = tpu.memref_squeeze %dma_start3A_355 : memref<1x40x128xf32, #tpu.memory_space<vmem>> -> memref<40x128xf32, #tpu.memory_space<vmem>>
      %dma_start3A_357 = arith.constant 0 : i32
      %dma_start3A_358 = tpu.memref_slice %arg6[%dma_start3A_351, %dma_start3A_357] : memref<5x40xi32, #tpu.memory_space<vmem>> -> memref<1x40xi32, #tpu.memory_space<vmem>>
      %dma_start3A_359 = tpu.memref_squeeze %dma_start3A_358 : memref<1x40xi32, #tpu.memory_space<vmem>> -> memref<40xi32, #tpu.memory_space<vmem>>
      %dma_start3A_360 = arith.constant 0 : i32
      %dma_start3A_361 = arith.constant 0 : i32
      %dma_start3A_362 = tpu.memref_slice %arg8[%dma_start3A_360, %dma_start3A_361] : memref<10240x128xf32, #tpu.memory_space<vmem_shared>> -> memref<10240x128xf32, #tpu.memory_space<vmem_shared>>
      %dma_start3A_363 = tpu.memref_slice %arg11[%dma_start3A_352] : memref<5x!tpu.dma_semaphore, #tpu.memory_space<semaphore_mem>> -> memref<1x!tpu.dma_semaphore, #tpu.memory_space<semaphore_mem>>
      %dma_start3A_364 = tpu.memref_squeeze %dma_start3A_363 : memref<1x!tpu.dma_semaphore, #tpu.memory_space<semaphore_mem>> -> memref<!tpu.dma_semaphore, #tpu.memory_space<semaphore_mem>>
      tpu.enqueue_indirect_dma source(%dma_start3A_356 : memref<40x128xf32, #tpu.memory_space<vmem>>) target(%dma_start3A_362 : memref<10240x128xf32, #tpu.memory_space<vmem_shared>>) offsets(%dma_start3A_359 : memref<40xi32, #tpu.memory_space<vmem>>) semaphore(%dma_start3A_364 : memref<!tpu.dma_semaphore, #tpu.memory_space<semaphore_mem>>) {add = true}
      %mul3A_365 = arith.constant 5 : i32
      %mul3A_366 = arith.muli %scan3A_94, %mul3A_365 : i32
      %add3A_367 = arith.constant 1 : i32
      %add3A_368 = arith.addi %mul3A_366, %add3A_367 : i32
      %dma_wait3A_369 = arith.constant 1 : i32
      %dma_wait3A_370 = arith.constant 1 : i32
      %dma_wait3A_371 = arith.constant 0 : i32
      %dma_wait3A_372 = tpu.memref_slice %arg6[%dma_wait3A_369, %dma_wait3A_371] : memref<5x40xi32, #tpu.memory_space<vmem>> -> memref<1x40xi32, #tpu.memory_space<vmem>>
      %dma_wait3A_373 = tpu.memref_squeeze %dma_wait3A_372 : memref<1x40xi32, #tpu.memory_space<vmem>> -> memref<40xi32, #tpu.memory_space<vmem>>
      %dma_wait3A_374 = arith.constant 0 : i32
      %dma_wait3A_375 = tpu.memref_slice %arg3[%add3A, %add3A_368, %dma_wait3A_374] : memref<32x250x40xi32, #tpu.memory_space<hbm>> -> memref<1x1x40xi32, #tpu.memory_space<hbm>>
      %dma_wait3A_376 = tpu.memref_squeeze %dma_wait3A_375 : memref<1x1x40xi32, #tpu.memory_space<hbm>> -> memref<40xi32, #tpu.memory_space<hbm>>
      %dma_wait3A_377 = tpu.memref_slice %arg9[%dma_wait3A_370] : memref<5x!tpu.dma_semaphore, #tpu.memory_space<semaphore_mem>> -> memref<1x!tpu.dma_semaphore, #tpu.memory_space<semaphore_mem>>
      %dma_wait3A_378 = tpu.memref_squeeze %dma_wait3A_377 : memref<1x!tpu.dma_semaphore, #tpu.memory_space<semaphore_mem>> -> memref<!tpu.dma_semaphore, #tpu.memory_space<semaphore_mem>>
      %dma_wait3A_379 = arith.constant 0 : i32
      %dma_wait3A_380 = tpu.memref_slice %arg6[%dma_wait3A_369, %dma_wait3A_379] : memref<5x40xi32, #tpu.memory_space<vmem>> -> memref<1x40xi32, #tpu.memory_space<vmem>>
      %dma_wait3A_381 = tpu.memref_squeeze %dma_wait3A_380 : memref<1x40xi32, #tpu.memory_space<vmem>> -> memref<40xi32, #tpu.memory_space<vmem>>
      %dma_wait3A_382 = arith.constant 0 : i32
      %dma_wait3A_383 = tpu.memref_slice %arg3[%add3A, %add3A_368, %dma_wait3A_382] : memref<32x250x40xi32, #tpu.memory_space<hbm>> -> memref<1x1x40xi32, #tpu.memory_space<hbm>>
      %dma_wait3A_384 = tpu.memref_squeeze %dma_wait3A_383 : memref<1x1x40xi32, #tpu.memory_space<hbm>> -> memref<40xi32, #tpu.memory_space<hbm>>
      tpu.wait_dma2 semaphore(%dma_wait3A_378 : memref<!tpu.dma_semaphore, #tpu.memory_space<semaphore_mem>>) src(%dma_wait3A_384 : memref<40xi32, #tpu.memory_space<hbm>>) dst(%dma_wait3A_381 : memref<40xi32, #tpu.memory_space<vmem>>)
      %mul3A_385 = arith.constant 40 : i32
      %mul3A_386 = arith.muli %add3A_368, %mul3A_385 : i32
      %add3A_387 = arith.addi %mul3A_2, %mul3A_386 : i32
      %dma_wait3A_388 = arith.constant 1 : i32
      %dma_wait3A_389 = arith.constant 1 : i32
      %dma_wait3A_390 = arith.constant 0 : i32
      %dma_wait3A_391 = arith.constant 0 : i32
      %dma_wait3A_392 = tpu.memref_slice %arg7[%dma_wait3A_388, %dma_wait3A_390, %dma_wait3A_391] : memref<5x40x128xf32, #tpu.memory_space<vmem>> -> memref<1x40x128xf32, #tpu.memory_space<vmem>>
      %dma_wait3A_393 = tpu.memref_squeeze %dma_wait3A_392 : memref<1x40x128xf32, #tpu.memory_space<vmem>> -> memref<40x128xf32, #tpu.memory_space<vmem>>
      %dma_wait3A_394 = arith.constant 0 : i32
      %dma_wait3A_395 = tpu.memref_slice %arg2[%add3A_387, %dma_wait3A_394] : memref<320000x128xf32, #tpu.memory_space<hbm>> -> memref<40x128xf32, #tpu.memory_space<hbm>>
      %dma_wait3A_396 = tpu.memref_slice %arg10[%dma_wait3A_389] : memref<5x!tpu.dma_semaphore, #tpu.memory_space<semaphore_mem>> -> memref<1x!tpu.dma_semaphore, #tpu.memory_space<semaphore_mem>>
      %dma_wait3A_397 = tpu.memref_squeeze %dma_wait3A_396 : memref<1x!tpu.dma_semaphore, #tpu.memory_space<semaphore_mem>> -> memref<!tpu.dma_semaphore, #tpu.memory_space<semaphore_mem>>
      %dma_wait3A_398 = arith.constant 0 : i32
      %dma_wait3A_399 = arith.constant 0 : i32
      %dma_wait3A_400 = tpu.memref_slice %arg7[%dma_wait3A_388, %dma_wait3A_398, %dma_wait3A_399] : memref<5x40x128xf32, #tpu.memory_space<vmem>> -> memref<1x40x128xf32, #tpu.memory_space<vmem>>
      %dma_wait3A_401 = tpu.memref_squeeze %dma_wait3A_400 : memref<1x40x128xf32, #tpu.memory_space<vmem>> -> memref<40x128xf32, #tpu.memory_space<vmem>>
      %dma_wait3A_402 = arith.constant 0 : i32
      %dma_wait3A_403 = tpu.memref_slice %arg2[%add3A_387, %dma_wait3A_402] : memref<320000x128xf32, #tpu.memory_space<hbm>> -> memref<40x128xf32, #tpu.memory_space<hbm>>
      tpu.wait_dma2 semaphore(%dma_wait3A_397 : memref<!tpu.dma_semaphore, #tpu.memory_space<semaphore_mem>>) src(%dma_wait3A_403 : memref<40x128xf32, #tpu.memory_space<hbm>>) dst(%dma_wait3A_401 : memref<40x128xf32, #tpu.memory_space<vmem>>)
      %dma_start3A_404 = arith.constant 1 : i32
      %dma_start3A_405 = arith.constant 1 : i32
      %dma_start3A_406 = arith.constant 1 : i32
      %dma_start3A_407 = arith.constant 0 : i32
      %dma_start3A_408 = arith.constant 0 : i32
      %dma_start3A_409 = tpu.memref_slice %arg7[%dma_start3A_404, %dma_start3A_407, %dma_start3A_408] : memref<5x40x128xf32, #tpu.memory_space<vmem>> -> memref<1x40x128xf32, #tpu.memory_space<vmem>>
      %dma_start3A_410 = tpu.memref_squeeze %dma_start3A_409 : memref<1x40x128xf32, #tpu.memory_space<vmem>> -> memref<40x128xf32, #tpu.memory_space<vmem>>
      %dma_start3A_411 = arith.constant 0 : i32
      %dma_start3A_412 = tpu.memref_slice %arg6[%dma_start3A_405, %dma_start3A_411] : memref<5x40xi32, #tpu.memory_space<vmem>> -> memref<1x40xi32, #tpu.memory_space<vmem>>
      %dma_start3A_413 = tpu.memref_squeeze %dma_start3A_412 : memref<1x40xi32, #tpu.memory_space<vmem>> -> memref<40xi32, #tpu.memory_space<vmem>>
      %dma_start3A_414 = arith.constant 0 : i32
      %dma_start3A_415 = arith.constant 0 : i32
      %dma_start3A_416 = tpu.memref_slice %arg8[%dma_start3A_414, %dma_start3A_415] : memref<10240x128xf32, #tpu.memory_space<vmem_shared>> -> memref<10240x128xf32, #tpu.memory_space<vmem_shared>>
      %dma_start3A_417 = tpu.memref_slice %arg11[%dma_start3A_406] : memref<5x!tpu.dma_semaphore, #tpu.memory_space<semaphore_mem>> -> memref<1x!tpu.dma_semaphore, #tpu.memory_space<semaphore_mem>>
      %dma_start3A_418 = tpu.memref_squeeze %dma_start3A_417 : memref<1x!tpu.dma_semaphore, #tpu.memory_space<semaphore_mem>> -> memref<!tpu.dma_semaphore, #tpu.memory_space<semaphore_mem>>
      tpu.enqueue_indirect_dma source(%dma_start3A_410 : memref<40x128xf32, #tpu.memory_space<vmem>>) target(%dma_start3A_416 : memref<10240x128xf32, #tpu.memory_space<vmem_shared>>) offsets(%dma_start3A_413 : memref<40xi32, #tpu.memory_space<vmem>>) semaphore(%dma_start3A_418 : memref<!tpu.dma_semaphore, #tpu.memory_space<semaphore_mem>>) {add = true}
      %mul3A_419 = arith.constant 5 : i32
      %mul3A_420 = arith.muli %scan3A_94, %mul3A_419 : i32
      %add3A_421 = arith.constant 2 : i32
      %add3A_422 = arith.addi %mul3A_420, %add3A_421 : i32
      %dma_wait3A_423 = arith.constant 2 : i32
      %dma_wait3A_424 = arith.constant 2 : i32
      %dma_wait3A_425 = arith.constant 0 : i32
      %dma_wait3A_426 = tpu.memref_slice %arg6[%dma_wait3A_423, %dma_wait3A_425] : memref<5x40xi32, #tpu.memory_space<vmem>> -> memref<1x40xi32, #tpu.memory_space<vmem>>
      %dma_wait3A_427 = tpu.memref_squeeze %dma_wait3A_426 : memref<1x40xi32, #tpu.memory_space<vmem>> -> memref<40xi32, #tpu.memory_space<vmem>>
      %dma_wait3A_428 = arith.constant 0 : i32
      %dma_wait3A_429 = tpu.memref_slice %arg3[%add3A, %add3A_422, %dma_wait3A_428] : memref<32x250x40xi32, #tpu.memory_space<hbm>> -> memref<1x1x40xi32, #tpu.memory_space<hbm>>
      %dma_wait3A_430 = tpu.memref_squeeze %dma_wait3A_429 : memref<1x1x40xi32, #tpu.memory_space<hbm>> -> memref<40xi32, #tpu.memory_space<hbm>>
      %dma_wait3A_431 = tpu.memref_slice %arg9[%dma_wait3A_424] : memref<5x!tpu.dma_semaphore, #tpu.memory_space<semaphore_mem>> -> memref<1x!tpu.dma_semaphore, #tpu.memory_space<semaphore_mem>>
      %dma_wait3A_432 = tpu.memref_squeeze %dma_wait3A_431 : memref<1x!tpu.dma_semaphore, #tpu.memory_space<semaphore_mem>> -> memref<!tpu.dma_semaphore, #tpu.memory_space<semaphore_mem>>
      %dma_wait3A_433 = arith.constant 0 : i32
      %dma_wait3A_434 = tpu.memref_slice %arg6[%dma_wait3A_423, %dma_wait3A_433] : memref<5x40xi32, #tpu.memory_space<vmem>> -> memref<1x40xi32, #tpu.memory_space<vmem>>
      %dma_wait3A_435 = tpu.memref_squeeze %dma_wait3A_434 : memref<1x40xi32, #tpu.memory_space<vmem>> -> memref<40xi32, #tpu.memory_space<vmem>>
      %dma_wait3A_436 = arith.constant 0 : i32
      %dma_wait3A_437 = tpu.memref_slice %arg3[%add3A, %add3A_422, %dma_wait3A_436] : memref<32x250x40xi32, #tpu.memory_space<hbm>> -> memref<1x1x40xi32, #tpu.memory_space<hbm>>
      %dma_wait3A_438 = tpu.memref_squeeze %dma_wait3A_437 : memref<1x1x40xi32, #tpu.memory_space<hbm>> -> memref<40xi32, #tpu.memory_space<hbm>>
      tpu.wait_dma2 semaphore(%dma_wait3A_432 : memref<!tpu.dma_semaphore, #tpu.memory_space<semaphore_mem>>) src(%dma_wait3A_438 : memref<40xi32, #tpu.memory_space<hbm>>) dst(%dma_wait3A_435 : memref<40xi32, #tpu.memory_space<vmem>>)
      %mul3A_439 = arith.constant 40 : i32
      %mul3A_440 = arith.muli %add3A_422, %mul3A_439 : i32
      %add3A_441 = arith.addi %mul3A_2, %mul3A_440 : i32
      %dma_wait3A_442 = arith.constant 2 : i32
      %dma_wait3A_443 = arith.constant 2 : i32
      %dma_wait3A_444 = arith.constant 0 : i32
      %dma_wait3A_445 = arith.constant 0 : i32
      %dma_wait3A_446 = tpu.memref_slice %arg7[%dma_wait3A_442, %dma_wait3A_444, %dma_wait3A_445] : memref<5x40x128xf32, #tpu.memory_space<vmem>> -> memref<1x40x128xf32, #tpu.memory_space<vmem>>
      %dma_wait3A_447 = tpu.memref_squeeze %dma_wait3A_446 : memref<1x40x128xf32, #tpu.memory_space<vmem>> -> memref<40x128xf32, #tpu.memory_space<vmem>>
      %dma_wait3A_448 = arith.constant 0 : i32
      %dma_wait3A_449 = tpu.memref_slice %arg2[%add3A_441, %dma_wait3A_448] : memref<320000x128xf32, #tpu.memory_space<hbm>> -> memref<40x128xf32, #tpu.memory_space<hbm>>
      %dma_wait3A_450 = tpu.memref_slice %arg10[%dma_wait3A_443] : memref<5x!tpu.dma_semaphore, #tpu.memory_space<semaphore_mem>> -> memref<1x!tpu.dma_semaphore, #tpu.memory_space<semaphore_mem>>
      %dma_wait3A_451 = tpu.memref_squeeze %dma_wait3A_450 : memref<1x!tpu.dma_semaphore, #tpu.memory_space<semaphore_mem>> -> memref<!tpu.dma_semaphore, #tpu.memory_space<semaphore_mem>>
      %dma_wait3A_452 = arith.constant 0 : i32
      %dma_wait3A_453 = arith.constant 0 : i32
      %dma_wait3A_454 = tpu.memref_slice %arg7[%dma_wait3A_442, %dma_wait3A_452, %dma_wait3A_453] : memref<5x40x128xf32, #tpu.memory_space<vmem>> -> memref<1x40x128xf32, #tpu.memory_space<vmem>>
      %dma_wait3A_455 = tpu.memref_squeeze %dma_wait3A_454 : memref<1x40x128xf32, #tpu.memory_space<vmem>> -> memref<40x128xf32, #tpu.memory_space<vmem>>
      %dma_wait3A_456 = arith.constant 0 : i32
      %dma_wait3A_457 = tpu.memref_slice %arg2[%add3A_441, %dma_wait3A_456] : memref<320000x128xf32, #tpu.memory_space<hbm>> -> memref<40x128xf32, #tpu.memory_space<hbm>>
      tpu.wait_dma2 semaphore(%dma_wait3A_451 : memref<!tpu.dma_semaphore, #tpu.memory_space<semaphore_mem>>) src(%dma_wait3A_457 : memref<40x128xf32, #tpu.memory_space<hbm>>) dst(%dma_wait3A_455 : memref<40x128xf32, #tpu.memory_space<vmem>>)
      %dma_start3A_458 = arith.constant 2 : i32
      %dma_start3A_459 = arith.constant 2 : i32
      %dma_start3A_460 = arith.constant 2 : i32
      %dma_start3A_461 = arith.constant 0 : i32
      %dma_start3A_462 = arith.constant 0 : i32
      %dma_start3A_463 = tpu.memref_slice %arg7[%dma_start3A_458, %dma_start3A_461, %dma_start3A_462] : memref<5x40x128xf32, #tpu.memory_space<vmem>> -> memref<1x40x128xf32, #tpu.memory_space<vmem>>
      %dma_start3A_464 = tpu.memref_squeeze %dma_start3A_463 : memref<1x40x128xf32, #tpu.memory_space<vmem>> -> memref<40x128xf32, #tpu.memory_space<vmem>>
      %dma_start3A_465 = arith.constant 0 : i32
      %dma_start3A_466 = tpu.memref_slice %arg6[%dma_start3A_459, %dma_start3A_465] : memref<5x40xi32, #tpu.memory_space<vmem>> -> memref<1x40xi32, #tpu.memory_space<vmem>>
      %dma_start3A_467 = tpu.memref_squeeze %dma_start3A_466 : memref<1x40xi32, #tpu.memory_space<vmem>> -> memref<40xi32, #tpu.memory_space<vmem>>
      %dma_start3A_468 = arith.constant 0 : i32
      %dma_start3A_469 = arith.constant 0 : i32
      %dma_start3A_470 = tpu.memref_slice %arg8[%dma_start3A_468, %dma_start3A_469] : memref<10240x128xf32, #tpu.memory_space<vmem_shared>> -> memref<10240x128xf32, #tpu.memory_space<vmem_shared>>
      %dma_start3A_471 = tpu.memref_slice %arg11[%dma_start3A_460] : memref<5x!tpu.dma_semaphore, #tpu.memory_space<semaphore_mem>> -> memref<1x!tpu.dma_semaphore, #tpu.memory_space<semaphore_mem>>
      %dma_start3A_472 = tpu.memref_squeeze %dma_start3A_471 : memref<1x!tpu.dma_semaphore, #tpu.memory_space<semaphore_mem>> -> memref<!tpu.dma_semaphore, #tpu.memory_space<semaphore_mem>>
      tpu.enqueue_indirect_dma source(%dma_start3A_464 : memref<40x128xf32, #tpu.memory_space<vmem>>) target(%dma_start3A_470 : memref<10240x128xf32, #tpu.memory_space<vmem_shared>>) offsets(%dma_start3A_467 : memref<40xi32, #tpu.memory_space<vmem>>) semaphore(%dma_start3A_472 : memref<!tpu.dma_semaphore, #tpu.memory_space<semaphore_mem>>) {add = true}
      %mul3A_473 = arith.constant 5 : i32
      %mul3A_474 = arith.muli %scan3A_94, %mul3A_473 : i32
      %add3A_475 = arith.constant 3 : i32
      %add3A_476 = arith.addi %mul3A_474, %add3A_475 : i32
      %dma_wait3A_477 = arith.constant 3 : i32
      %dma_wait3A_478 = arith.constant 3 : i32
      %dma_wait3A_479 = arith.constant 0 : i32
      %dma_wait3A_480 = tpu.memref_slice %arg6[%dma_wait3A_477, %dma_wait3A_479] : memref<5x40xi32, #tpu.memory_space<vmem>> -> memref<1x40xi32, #tpu.memory_space<vmem>>
      %dma_wait3A_481 = tpu.memref_squeeze %dma_wait3A_480 : memref<1x40xi32, #tpu.memory_space<vmem>> -> memref<40xi32, #tpu.memory_space<vmem>>
      %dma_wait3A_482 = arith.constant 0 : i32
      %dma_wait3A_483 = tpu.memref_slice %arg3[%add3A, %add3A_476, %dma_wait3A_482] : memref<32x250x40xi32, #tpu.memory_space<hbm>> -> memref<1x1x40xi32, #tpu.memory_space<hbm>>
      %dma_wait3A_484 = tpu.memref_squeeze %dma_wait3A_483 : memref<1x1x40xi32, #tpu.memory_space<hbm>> -> memref<40xi32, #tpu.memory_space<hbm>>
      %dma_wait3A_485 = tpu.memref_slice %arg9[%dma_wait3A_478] : memref<5x!tpu.dma_semaphore, #tpu.memory_space<semaphore_mem>> -> memref<1x!tpu.dma_semaphore, #tpu.memory_space<semaphore_mem>>
      %dma_wait3A_486 = tpu.memref_squeeze %dma_wait3A_485 : memref<1x!tpu.dma_semaphore, #tpu.memory_space<semaphore_mem>> -> memref<!tpu.dma_semaphore, #tpu.memory_space<semaphore_mem>>
      %dma_wait3A_487 = arith.constant 0 : i32
      %dma_wait3A_488 = tpu.memref_slice %arg6[%dma_wait3A_477, %dma_wait3A_487] : memref<5x40xi32, #tpu.memory_space<vmem>> -> memref<1x40xi32, #tpu.memory_space<vmem>>
      %dma_wait3A_489 = tpu.memref_squeeze %dma_wait3A_488 : memref<1x40xi32, #tpu.memory_space<vmem>> -> memref<40xi32, #tpu.memory_space<vmem>>
      %dma_wait3A_490 = arith.constant 0 : i32
      %dma_wait3A_491 = tpu.memref_slice %arg3[%add3A, %add3A_476, %dma_wait3A_490] : memref<32x250x40xi32, #tpu.memory_space<hbm>> -> memref<1x1x40xi32, #tpu.memory_space<hbm>>
      %dma_wait3A_492 = tpu.memref_squeeze %dma_wait3A_491 : memref<1x1x40xi32, #tpu.memory_space<hbm>> -> memref<40xi32, #tpu.memory_space<hbm>>
      tpu.wait_dma2 semaphore(%dma_wait3A_486 : memref<!tpu.dma_semaphore, #tpu.memory_space<semaphore_mem>>) src(%dma_wait3A_492 : memref<40xi32, #tpu.memory_space<hbm>>) dst(%dma_wait3A_489 : memref<40xi32, #tpu.memory_space<vmem>>)
      %mul3A_493 = arith.constant 40 : i32
      %mul3A_494 = arith.muli %add3A_476, %mul3A_493 : i32
      %add3A_495 = arith.addi %mul3A_2, %mul3A_494 : i32
      %dma_wait3A_496 = arith.constant 3 : i32
      %dma_wait3A_497 = arith.constant 3 : i32
      %dma_wait3A_498 = arith.constant 0 : i32
      %dma_wait3A_499 = arith.constant 0 : i32
      %dma_wait3A_500 = tpu.memref_slice %arg7[%dma_wait3A_496, %dma_wait3A_498, %dma_wait3A_499] : memref<5x40x128xf32, #tpu.memory_space<vmem>> -> memref<1x40x128xf32, #tpu.memory_space<vmem>>
      %dma_wait3A_501 = tpu.memref_squeeze %dma_wait3A_500 : memref<1x40x128xf32, #tpu.memory_space<vmem>> -> memref<40x128xf32, #tpu.memory_space<vmem>>
      %dma_wait3A_502 = arith.constant 0 : i32
      %dma_wait3A_503 = tpu.memref_slice %arg2[%add3A_495, %dma_wait3A_502] : memref<320000x128xf32, #tpu.memory_space<hbm>> -> memref<40x128xf32, #tpu.memory_space<hbm>>
      %dma_wait3A_504 = tpu.memref_slice %arg10[%dma_wait3A_497] : memref<5x!tpu.dma_semaphore, #tpu.memory_space<semaphore_mem>> -> memref<1x!tpu.dma_semaphore, #tpu.memory_space<semaphore_mem>>
      %dma_wait3A_505 = tpu.memref_squeeze %dma_wait3A_504 : memref<1x!tpu.dma_semaphore, #tpu.memory_space<semaphore_mem>> -> memref<!tpu.dma_semaphore, #tpu.memory_space<semaphore_mem>>
      %dma_wait3A_506 = arith.constant 0 : i32
      %dma_wait3A_507 = arith.constant 0 : i32
      %dma_wait3A_508 = tpu.memref_slice %arg7[%dma_wait3A_496, %dma_wait3A_506, %dma_wait3A_507] : memref<5x40x128xf32, #tpu.memory_space<vmem>> -> memref<1x40x128xf32, #tpu.memory_space<vmem>>
      %dma_wait3A_509 = tpu.memref_squeeze %dma_wait3A_508 : memref<1x40x128xf32, #tpu.memory_space<vmem>> -> memref<40x128xf32, #tpu.memory_space<vmem>>
      %dma_wait3A_510 = arith.constant 0 : i32
      %dma_wait3A_511 = tpu.memref_slice %arg2[%add3A_495, %dma_wait3A_510] : memref<320000x128xf32, #tpu.memory_space<hbm>> -> memref<40x128xf32, #tpu.memory_space<hbm>>
      tpu.wait_dma2 semaphore(%dma_wait3A_505 : memref<!tpu.dma_semaphore, #tpu.memory_space<semaphore_mem>>) src(%dma_wait3A_511 : memref<40x128xf32, #tpu.memory_space<hbm>>) dst(%dma_wait3A_509 : memref<40x128xf32, #tpu.memory_space<vmem>>)
      %dma_start3A_512 = arith.constant 3 : i32
      %dma_start3A_513 = arith.constant 3 : i32
      %dma_start3A_514 = arith.constant 3 : i32
      %dma_start3A_515 = arith.constant 0 : i32
      %dma_start3A_516 = arith.constant 0 : i32
      %dma_start3A_517 = tpu.memref_slice %arg7[%dma_start3A_512, %dma_start3A_515, %dma_start3A_516] : memref<5x40x128xf32, #tpu.memory_space<vmem>> -> memref<1x40x128xf32, #tpu.memory_space<vmem>>
      %dma_start3A_518 = tpu.memref_squeeze %dma_start3A_517 : memref<1x40x128xf32, #tpu.memory_space<vmem>> -> memref<40x128xf32, #tpu.memory_space<vmem>>
      %dma_start3A_519 = arith.constant 0 : i32
      %dma_start3A_520 = tpu.memref_slice %arg6[%dma_start3A_513, %dma_start3A_519] : memref<5x40xi32, #tpu.memory_space<vmem>> -> memref<1x40xi32, #tpu.memory_space<vmem>>
      %dma_start3A_521 = tpu.memref_squeeze %dma_start3A_520 : memref<1x40xi32, #tpu.memory_space<vmem>> -> memref<40xi32, #tpu.memory_space<vmem>>
      %dma_start3A_522 = arith.constant 0 : i32
      %dma_start3A_523 = arith.constant 0 : i32
      %dma_start3A_524 = tpu.memref_slice %arg8[%dma_start3A_522, %dma_start3A_523] : memref<10240x128xf32, #tpu.memory_space<vmem_shared>> -> memref<10240x128xf32, #tpu.memory_space<vmem_shared>>
      %dma_start3A_525 = tpu.memref_slice %arg11[%dma_start3A_514] : memref<5x!tpu.dma_semaphore, #tpu.memory_space<semaphore_mem>> -> memref<1x!tpu.dma_semaphore, #tpu.memory_space<semaphore_mem>>
      %dma_start3A_526 = tpu.memref_squeeze %dma_start3A_525 : memref<1x!tpu.dma_semaphore, #tpu.memory_space<semaphore_mem>> -> memref<!tpu.dma_semaphore, #tpu.memory_space<semaphore_mem>>
      tpu.enqueue_indirect_dma source(%dma_start3A_518 : memref<40x128xf32, #tpu.memory_space<vmem>>) target(%dma_start3A_524 : memref<10240x128xf32, #tpu.memory_space<vmem_shared>>) offsets(%dma_start3A_521 : memref<40xi32, #tpu.memory_space<vmem>>) semaphore(%dma_start3A_526 : memref<!tpu.dma_semaphore, #tpu.memory_space<semaphore_mem>>) {add = true}
      %mul3A_527 = arith.constant 5 : i32
      %mul3A_528 = arith.muli %scan3A_94, %mul3A_527 : i32
      %add3A_529 = arith.constant 4 : i32
      %add3A_530 = arith.addi %mul3A_528, %add3A_529 : i32
      %dma_wait3A_531 = arith.constant 4 : i32
      %dma_wait3A_532 = arith.constant 4 : i32
      %dma_wait3A_533 = arith.constant 0 : i32
      %dma_wait3A_534 = tpu.memref_slice %arg6[%dma_wait3A_531, %dma_wait3A_533] : memref<5x40xi32, #tpu.memory_space<vmem>> -> memref<1x40xi32, #tpu.memory_space<vmem>>
      %dma_wait3A_535 = tpu.memref_squeeze %dma_wait3A_534 : memref<1x40xi32, #tpu.memory_space<vmem>> -> memref<40xi32, #tpu.memory_space<vmem>>
      %dma_wait3A_536 = arith.constant 0 : i32
      %dma_wait3A_537 = tpu.memref_slice %arg3[%add3A, %add3A_530, %dma_wait3A_536] : memref<32x250x40xi32, #tpu.memory_space<hbm>> -> memref<1x1x40xi32, #tpu.memory_space<hbm>>
      %dma_wait3A_538 = tpu.memref_squeeze %dma_wait3A_537 : memref<1x1x40xi32, #tpu.memory_space<hbm>> -> memref<40xi32, #tpu.memory_space<hbm>>
      %dma_wait3A_539 = tpu.memref_slice %arg9[%dma_wait3A_532] : memref<5x!tpu.dma_semaphore, #tpu.memory_space<semaphore_mem>> -> memref<1x!tpu.dma_semaphore, #tpu.memory_space<semaphore_mem>>
      %dma_wait3A_540 = tpu.memref_squeeze %dma_wait3A_539 : memref<1x!tpu.dma_semaphore, #tpu.memory_space<semaphore_mem>> -> memref<!tpu.dma_semaphore, #tpu.memory_space<semaphore_mem>>
      %dma_wait3A_541 = arith.constant 0 : i32
      %dma_wait3A_542 = tpu.memref_slice %arg6[%dma_wait3A_531, %dma_wait3A_541] : memref<5x40xi32, #tpu.memory_space<vmem>> -> memref<1x40xi32, #tpu.memory_space<vmem>>
      %dma_wait3A_543 = tpu.memref_squeeze %dma_wait3A_542 : memref<1x40xi32, #tpu.memory_space<vmem>> -> memref<40xi32, #tpu.memory_space<vmem>>
      %dma_wait3A_544 = arith.constant 0 : i32
      %dma_wait3A_545 = tpu.memref_slice %arg3[%add3A, %add3A_530, %dma_wait3A_544] : memref<32x250x40xi32, #tpu.memory_space<hbm>> -> memref<1x1x40xi32, #tpu.memory_space<hbm>>
      %dma_wait3A_546 = tpu.memref_squeeze %dma_wait3A_545 : memref<1x1x40xi32, #tpu.memory_space<hbm>> -> memref<40xi32, #tpu.memory_space<hbm>>
      tpu.wait_dma2 semaphore(%dma_wait3A_540 : memref<!tpu.dma_semaphore, #tpu.memory_space<semaphore_mem>>) src(%dma_wait3A_546 : memref<40xi32, #tpu.memory_space<hbm>>) dst(%dma_wait3A_543 : memref<40xi32, #tpu.memory_space<vmem>>)
      %mul3A_547 = arith.constant 40 : i32
      %mul3A_548 = arith.muli %add3A_530, %mul3A_547 : i32
      %add3A_549 = arith.addi %mul3A_2, %mul3A_548 : i32
      %dma_wait3A_550 = arith.constant 4 : i32
      %dma_wait3A_551 = arith.constant 4 : i32
      %dma_wait3A_552 = arith.constant 0 : i32
      %dma_wait3A_553 = arith.constant 0 : i32
      %dma_wait3A_554 = tpu.memref_slice %arg7[%dma_wait3A_550, %dma_wait3A_552, %dma_wait3A_553] : memref<5x40x128xf32, #tpu.memory_space<vmem>> -> memref<1x40x128xf32, #tpu.memory_space<vmem>>
      %dma_wait3A_555 = tpu.memref_squeeze %dma_wait3A_554 : memref<1x40x128xf32, #tpu.memory_space<vmem>> -> memref<40x128xf32, #tpu.memory_space<vmem>>
      %dma_wait3A_556 = arith.constant 0 : i32
      %dma_wait3A_557 = tpu.memref_slice %arg2[%add3A_549, %dma_wait3A_556] : memref<320000x128xf32, #tpu.memory_space<hbm>> -> memref<40x128xf32, #tpu.memory_space<hbm>>
      %dma_wait3A_558 = tpu.memref_slice %arg10[%dma_wait3A_551] : memref<5x!tpu.dma_semaphore, #tpu.memory_space<semaphore_mem>> -> memref<1x!tpu.dma_semaphore, #tpu.memory_space<semaphore_mem>>
      %dma_wait3A_559 = tpu.memref_squeeze %dma_wait3A_558 : memref<1x!tpu.dma_semaphore, #tpu.memory_space<semaphore_mem>> -> memref<!tpu.dma_semaphore, #tpu.memory_space<semaphore_mem>>
      %dma_wait3A_560 = arith.constant 0 : i32
      %dma_wait3A_561 = arith.constant 0 : i32
      %dma_wait3A_562 = tpu.memref_slice %arg7[%dma_wait3A_550, %dma_wait3A_560, %dma_wait3A_561] : memref<5x40x128xf32, #tpu.memory_space<vmem>> -> memref<1x40x128xf32, #tpu.memory_space<vmem>>
      %dma_wait3A_563 = tpu.memref_squeeze %dma_wait3A_562 : memref<1x40x128xf32, #tpu.memory_space<vmem>> -> memref<40x128xf32, #tpu.memory_space<vmem>>
      %dma_wait3A_564 = arith.constant 0 : i32
      %dma_wait3A_565 = tpu.memref_slice %arg2[%add3A_549, %dma_wait3A_564] : memref<320000x128xf32, #tpu.memory_space<hbm>> -> memref<40x128xf32, #tpu.memory_space<hbm>>
      tpu.wait_dma2 semaphore(%dma_wait3A_559 : memref<!tpu.dma_semaphore, #tpu.memory_space<semaphore_mem>>) src(%dma_wait3A_565 : memref<40x128xf32, #tpu.memory_space<hbm>>) dst(%dma_wait3A_563 : memref<40x128xf32, #tpu.memory_space<vmem>>)
      %dma_start3A_566 = arith.constant 4 : i32
      %dma_start3A_567 = arith.constant 4 : i32
      %dma_start3A_568 = arith.constant 4 : i32
      %dma_start3A_569 = arith.constant 0 : i32
      %dma_start3A_570 = arith.constant 0 : i32
      %dma_start3A_571 = tpu.memref_slice %arg7[%dma_start3A_566, %dma_start3A_569, %dma_start3A_570] : memref<5x40x128xf32, #tpu.memory_space<vmem>> -> memref<1x40x128xf32, #tpu.memory_space<vmem>>
      %dma_start3A_572 = tpu.memref_squeeze %dma_start3A_571 : memref<1x40x128xf32, #tpu.memory_space<vmem>> -> memref<40x128xf32, #tpu.memory_space<vmem>>
      %dma_start3A_573 = arith.constant 0 : i32
      %dma_start3A_574 = tpu.memref_slice %arg6[%dma_start3A_567, %dma_start3A_573] : memref<5x40xi32, #tpu.memory_space<vmem>> -> memref<1x40xi32, #tpu.memory_space<vmem>>
      %dma_start3A_575 = tpu.memref_squeeze %dma_start3A_574 : memref<1x40xi32, #tpu.memory_space<vmem>> -> memref<40xi32, #tpu.memory_space<vmem>>
      %dma_start3A_576 = arith.constant 0 : i32
      %dma_start3A_577 = arith.constant 0 : i32
      %dma_start3A_578 = tpu.memref_slice %arg8[%dma_start3A_576, %dma_start3A_577] : memref<10240x128xf32, #tpu.memory_space<vmem_shared>> -> memref<10240x128xf32, #tpu.memory_space<vmem_shared>>
      %dma_start3A_579 = tpu.memref_slice %arg11[%dma_start3A_568] : memref<5x!tpu.dma_semaphore, #tpu.memory_space<semaphore_mem>> -> memref<1x!tpu.dma_semaphore, #tpu.memory_space<semaphore_mem>>
      %dma_start3A_580 = tpu.memref_squeeze %dma_start3A_579 : memref<1x!tpu.dma_semaphore, #tpu.memory_space<semaphore_mem>> -> memref<!tpu.dma_semaphore, #tpu.memory_space<semaphore_mem>>
      tpu.enqueue_indirect_dma source(%dma_start3A_572 : memref<40x128xf32, #tpu.memory_space<vmem>>) target(%dma_start3A_578 : memref<10240x128xf32, #tpu.memory_space<vmem_shared>>) offsets(%dma_start3A_575 : memref<40xi32, #tpu.memory_space<vmem>>) semaphore(%dma_start3A_580 : memref<!tpu.dma_semaphore, #tpu.memory_space<semaphore_mem>>) {add = true}
    }
    %scan3A_11 = arith.constant 50 : i32
    %dma_wait3A = arith.constant 0 : i32
    %dma_wait3A_12 = arith.constant 0 : i32
    %dma_wait3A_13 = arith.constant 0 : i32
    %dma_wait3A_14 = arith.constant 0 : i32
    %dma_wait3A_15 = arith.constant 0 : i32
    %dma_wait3A_16 = tpu.memref_slice %arg7[%dma_wait3A, %dma_wait3A_14, %dma_wait3A_15] : memref<5x40x128xf32, #tpu.memory_space<vmem>> -> memref<1x40x128xf32, #tpu.memory_space<vmem>>
    %dma_wait3A_17 = tpu.memref_squeeze %dma_wait3A_16 : memref<1x40x128xf32, #tpu.memory_space<vmem>> -> memref<40x128xf32, #tpu.memory_space<vmem>>
    %dma_wait3A_18 = arith.constant 0 : i32
    %dma_wait3A_19 = tpu.memref_slice %arg6[%dma_wait3A_12, %dma_wait3A_18] : memref<5x40xi32, #tpu.memory_space<vmem>> -> memref<1x40xi32, #tpu.memory_space<vmem>>
    %dma_wait3A_20 = tpu.memref_squeeze %dma_wait3A_19 : memref<1x40xi32, #tpu.memory_space<vmem>> -> memref<40xi32, #tpu.memory_space<vmem>>
    %dma_wait3A_21 = arith.constant 0 : i32
    %dma_wait3A_22 = arith.constant 0 : i32
    %dma_wait3A_23 = tpu.memref_slice %arg8[%dma_wait3A_21, %dma_wait3A_22] : memref<10240x128xf32, #tpu.memory_space<vmem_shared>> -> memref<10240x128xf32, #tpu.memory_space<vmem_shared>>
    %dma_wait3A_24 = tpu.memref_slice %arg11[%dma_wait3A_13] : memref<5x!tpu.dma_semaphore, #tpu.memory_space<semaphore_mem>> -> memref<1x!tpu.dma_semaphore, #tpu.memory_space<semaphore_mem>>
    %dma_wait3A_25 = tpu.memref_squeeze %dma_wait3A_24 : memref<1x!tpu.dma_semaphore, #tpu.memory_space<semaphore_mem>> -> memref<!tpu.dma_semaphore, #tpu.memory_space<semaphore_mem>>
    tpu.wait_indirect_dma semaphore(%dma_wait3A_25 : memref<!tpu.dma_semaphore, #tpu.memory_space<semaphore_mem>>) src(%dma_wait3A_17 : memref<40x128xf32, #tpu.memory_space<vmem>>) dst(%dma_wait3A_23 : memref<10240x128xf32, #tpu.memory_space<vmem_shared>>)
    %dma_wait3A_26 = arith.constant 1 : i32
    %dma_wait3A_27 = arith.constant 1 : i32
    %dma_wait3A_28 = arith.constant 1 : i32
    %dma_wait3A_29 = arith.constant 0 : i32
    %dma_wait3A_30 = arith.constant 0 : i32
    %dma_wait3A_31 = tpu.memref_slice %arg7[%dma_wait3A_26, %dma_wait3A_29, %dma_wait3A_30] : memref<5x40x128xf32, #tpu.memory_space<vmem>> -> memref<1x40x128xf32, #tpu.memory_space<vmem>>
    %dma_wait3A_32 = tpu.memref_squeeze %dma_wait3A_31 : memref<1x40x128xf32, #tpu.memory_space<vmem>> -> memref<40x128xf32, #tpu.memory_space<vmem>>
    %dma_wait3A_33 = arith.constant 0 : i32
    %dma_wait3A_34 = tpu.memref_slice %arg6[%dma_wait3A_27, %dma_wait3A_33] : memref<5x40xi32, #tpu.memory_space<vmem>> -> memref<1x40xi32, #tpu.memory_space<vmem>>
    %dma_wait3A_35 = tpu.memref_squeeze %dma_wait3A_34 : memref<1x40xi32, #tpu.memory_space<vmem>> -> memref<40xi32, #tpu.memory_space<vmem>>
    %dma_wait3A_36 = arith.constant 0 : i32
    %dma_wait3A_37 = arith.constant 0 : i32
    %dma_wait3A_38 = tpu.memref_slice %arg8[%dma_wait3A_36, %dma_wait3A_37] : memref<10240x128xf32, #tpu.memory_space<vmem_shared>> -> memref<10240x128xf32, #tpu.memory_space<vmem_shared>>
    %dma_wait3A_39 = tpu.memref_slice %arg11[%dma_wait3A_28] : memref<5x!tpu.dma_semaphore, #tpu.memory_space<semaphore_mem>> -> memref<1x!tpu.dma_semaphore, #tpu.memory_space<semaphore_mem>>
    %dma_wait3A_40 = tpu.memref_squeeze %dma_wait3A_39 : memref<1x!tpu.dma_semaphore, #tpu.memory_space<semaphore_mem>> -> memref<!tpu.dma_semaphore, #tpu.memory_space<semaphore_mem>>
    tpu.wait_indirect_dma semaphore(%dma_wait3A_40 : memref<!tpu.dma_semaphore, #tpu.memory_space<semaphore_mem>>) src(%dma_wait3A_32 : memref<40x128xf32, #tpu.memory_space<vmem>>) dst(%dma_wait3A_38 : memref<10240x128xf32, #tpu.memory_space<vmem_shared>>)
    %dma_wait3A_41 = arith.constant 2 : i32
    %dma_wait3A_42 = arith.constant 2 : i32
    %dma_wait3A_43 = arith.constant 2 : i32
    %dma_wait3A_44 = arith.constant 0 : i32
    %dma_wait3A_45 = arith.constant 0 : i32
    %dma_wait3A_46 = tpu.memref_slice %arg7[%dma_wait3A_41, %dma_wait3A_44, %dma_wait3A_45] : memref<5x40x128xf32, #tpu.memory_space<vmem>> -> memref<1x40x128xf32, #tpu.memory_space<vmem>>
    %dma_wait3A_47 = tpu.memref_squeeze %dma_wait3A_46 : memref<1x40x128xf32, #tpu.memory_space<vmem>> -> memref<40x128xf32, #tpu.memory_space<vmem>>
    %dma_wait3A_48 = arith.constant 0 : i32
    %dma_wait3A_49 = tpu.memref_slice %arg6[%dma_wait3A_42, %dma_wait3A_48] : memref<5x40xi32, #tpu.memory_space<vmem>> -> memref<1x40xi32, #tpu.memory_space<vmem>>
    %dma_wait3A_50 = tpu.memref_squeeze %dma_wait3A_49 : memref<1x40xi32, #tpu.memory_space<vmem>> -> memref<40xi32, #tpu.memory_space<vmem>>
    %dma_wait3A_51 = arith.constant 0 : i32
    %dma_wait3A_52 = arith.constant 0 : i32
    %dma_wait3A_53 = tpu.memref_slice %arg8[%dma_wait3A_51, %dma_wait3A_52] : memref<10240x128xf32, #tpu.memory_space<vmem_shared>> -> memref<10240x128xf32, #tpu.memory_space<vmem_shared>>
    %dma_wait3A_54 = tpu.memref_slice %arg11[%dma_wait3A_43] : memref<5x!tpu.dma_semaphore, #tpu.memory_space<semaphore_mem>> -> memref<1x!tpu.dma_semaphore, #tpu.memory_space<semaphore_mem>>
    %dma_wait3A_55 = tpu.memref_squeeze %dma_wait3A_54 : memref<1x!tpu.dma_semaphore, #tpu.memory_space<semaphore_mem>> -> memref<!tpu.dma_semaphore, #tpu.memory_space<semaphore_mem>>
    tpu.wait_indirect_dma semaphore(%dma_wait3A_55 : memref<!tpu.dma_semaphore, #tpu.memory_space<semaphore_mem>>) src(%dma_wait3A_47 : memref<40x128xf32, #tpu.memory_space<vmem>>) dst(%dma_wait3A_53 : memref<10240x128xf32, #tpu.memory_space<vmem_shared>>)
    %dma_wait3A_56 = arith.constant 3 : i32
    %dma_wait3A_57 = arith.constant 3 : i32
    %dma_wait3A_58 = arith.constant 3 : i32
    %dma_wait3A_59 = arith.constant 0 : i32
    %dma_wait3A_60 = arith.constant 0 : i32
    %dma_wait3A_61 = tpu.memref_slice %arg7[%dma_wait3A_56, %dma_wait3A_59, %dma_wait3A_60] : memref<5x40x128xf32, #tpu.memory_space<vmem>> -> memref<1x40x128xf32, #tpu.memory_space<vmem>>
    %dma_wait3A_62 = tpu.memref_squeeze %dma_wait3A_61 : memref<1x40x128xf32, #tpu.memory_space<vmem>> -> memref<40x128xf32, #tpu.memory_space<vmem>>
    %dma_wait3A_63 = arith.constant 0 : i32
    %dma_wait3A_64 = tpu.memref_slice %arg6[%dma_wait3A_57, %dma_wait3A_63] : memref<5x40xi32, #tpu.memory_space<vmem>> -> memref<1x40xi32, #tpu.memory_space<vmem>>
    %dma_wait3A_65 = tpu.memref_squeeze %dma_wait3A_64 : memref<1x40xi32, #tpu.memory_space<vmem>> -> memref<40xi32, #tpu.memory_space<vmem>>
    %dma_wait3A_66 = arith.constant 0 : i32
    %dma_wait3A_67 = arith.constant 0 : i32
    %dma_wait3A_68 = tpu.memref_slice %arg8[%dma_wait3A_66, %dma_wait3A_67] : memref<10240x128xf32, #tpu.memory_space<vmem_shared>> -> memref<10240x128xf32, #tpu.memory_space<vmem_shared>>
    %dma_wait3A_69 = tpu.memref_slice %arg11[%dma_wait3A_58] : memref<5x!tpu.dma_semaphore, #tpu.memory_space<semaphore_mem>> -> memref<1x!tpu.dma_semaphore, #tpu.memory_space<semaphore_mem>>
    %dma_wait3A_70 = tpu.memref_squeeze %dma_wait3A_69 : memref<1x!tpu.dma_semaphore, #tpu.memory_space<semaphore_mem>> -> memref<!tpu.dma_semaphore, #tpu.memory_space<semaphore_mem>>
    tpu.wait_indirect_dma semaphore(%dma_wait3A_70 : memref<!tpu.dma_semaphore, #tpu.memory_space<semaphore_mem>>) src(%dma_wait3A_62 : memref<40x128xf32, #tpu.memory_space<vmem>>) dst(%dma_wait3A_68 : memref<10240x128xf32, #tpu.memory_space<vmem_shared>>)
    %dma_wait3A_71 = arith.constant 4 : i32
    %dma_wait3A_72 = arith.constant 4 : i32
    %dma_wait3A_73 = arith.constant 4 : i32
    %dma_wait3A_74 = arith.constant 0 : i32
    %dma_wait3A_75 = arith.constant 0 : i32
    %dma_wait3A_76 = tpu.memref_slice %arg7[%dma_wait3A_71, %dma_wait3A_74, %dma_wait3A_75] : memref<5x40x128xf32, #tpu.memory_space<vmem>> -> memref<1x40x128xf32, #tpu.memory_space<vmem>>
    %dma_wait3A_77 = tpu.memref_squeeze %dma_wait3A_76 : memref<1x40x128xf32, #tpu.memory_space<vmem>> -> memref<40x128xf32, #tpu.memory_space<vmem>>
    %dma_wait3A_78 = arith.constant 0 : i32
    %dma_wait3A_79 = tpu.memref_slice %arg6[%dma_wait3A_72, %dma_wait3A_78] : memref<5x40xi32, #tpu.memory_space<vmem>> -> memref<1x40xi32, #tpu.memory_space<vmem>>
    %dma_wait3A_80 = tpu.memref_squeeze %dma_wait3A_79 : memref<1x40xi32, #tpu.memory_space<vmem>> -> memref<40xi32, #tpu.memory_space<vmem>>
    %dma_wait3A_81 = arith.constant 0 : i32
    %dma_wait3A_82 = arith.constant 0 : i32
    %dma_wait3A_83 = tpu.memref_slice %arg8[%dma_wait3A_81, %dma_wait3A_82] : memref<10240x128xf32, #tpu.memory_space<vmem_shared>> -> memref<10240x128xf32, #tpu.memory_space<vmem_shared>>
    %dma_wait3A_84 = tpu.memref_slice %arg11[%dma_wait3A_73] : memref<5x!tpu.dma_semaphore, #tpu.memory_space<semaphore_mem>> -> memref<1x!tpu.dma_semaphore, #tpu.memory_space<semaphore_mem>>
    %dma_wait3A_85 = tpu.memref_squeeze %dma_wait3A_84 : memref<1x!tpu.dma_semaphore, #tpu.memory_space<semaphore_mem>> -> memref<!tpu.dma_semaphore, #tpu.memory_space<semaphore_mem>>
    tpu.wait_indirect_dma semaphore(%dma_wait3A_85 : memref<!tpu.dma_semaphore, #tpu.memory_space<semaphore_mem>>) src(%dma_wait3A_77 : memref<40x128xf32, #tpu.memory_space<vmem>>) dst(%dma_wait3A_83 : memref<10240x128xf32, #tpu.memory_space<vmem_shared>>)
    %barrier3A_86 = arith.constant 0 : index
    tpu.barrier barrier_id(%barrier3A_86)
    %mul3A_87 = arith.constant 10240 : i32
    %mul3A_88 = arith.muli %arg0, %mul3A_87 : i32
    %mul3A_89 = arith.constant 640 : i32
    %mul3A_90 = arith.muli %arg1, %mul3A_89 : i32
    %add3A_91 = arith.addi %mul3A_88, %mul3A_90 : i32
    %mul3A_92 = arith.constant 640 : i32
    %mul3A_93 = arith.muli %arg1, %mul3A_92 : i32
    "tpu.region"() ({
      %run_scoped3A = tpu.sem_alloc : memref<!tpu.dma_semaphore, #tpu.memory_space<semaphore_mem>>
      %dma_start3A = arith.constant 0 : i32
      %dma_start3A_94 = tpu.memref_slice %arg5[%add3A_91, %dma_start3A] : memref<20480x128xf32, #tpu.memory_space<hbm>> -> memref<640x128xf32, #tpu.memory_space<hbm>>
      %dma_start3A_95 = arith.constant 0 : i32
      %dma_start3A_96 = tpu.memref_slice %arg8[%mul3A_93, %dma_start3A_95] : memref<10240x128xf32, #tpu.memory_space<vmem_shared>> -> memref<640x128xf32, #tpu.memory_space<vmem_shared>>
      tpu.enqueue_dma source(%dma_start3A_96 : memref<640x128xf32, #tpu.memory_space<vmem_shared>>) target(%dma_start3A_94 : memref<640x128xf32, #tpu.memory_space<hbm>>) target_semaphore(%run_scoped3A : memref<!tpu.dma_semaphore, #tpu.memory_space<semaphore_mem>>)
      %dma_wait3A_97 = arith.constant 0 : i32
      %dma_wait3A_98 = tpu.memref_slice %arg5[%add3A_91, %dma_wait3A_97] : memref<20480x128xf32, #tpu.memory_space<hbm>> -> memref<640x128xf32, #tpu.memory_space<hbm>>
      %dma_wait3A_99 = arith.constant 0 : i32
      %dma_wait3A_100 = tpu.memref_slice %arg8[%mul3A_93, %dma_wait3A_99] : memref<10240x128xf32, #tpu.memory_space<vmem_shared>> -> memref<640x128xf32, #tpu.memory_space<vmem_shared>>
      tpu.wait_dma2 semaphore(%run_scoped3A : memref<!tpu.dma_semaphore, #tpu.memory_space<semaphore_mem>>) src(%dma_wait3A_100 : memref<640x128xf32, #tpu.memory_space<vmem_shared>>) dst(%dma_wait3A_98 : memref<640x128xf32, #tpu.memory_space<hbm>>)
      tpu.yield
    }) : () -> ()
    return
  }
}

#map = affine_map<(d0, d1) -> (0, 0)>
#map1 = affine_map<(d0, d1) -> (0)>
module attributes {stable_mosaic.version = 14 : i64} {
  func.func @_gather_xj(%arg0: i32, %arg1: i32, %arg2: memref<10000x128xf32, #tpu.memory_space<hbm>>, %arg3: memref<320000xi32, #tpu.memory_space<hbm>>, %arg4: memref<320000x128xf32, #tpu.memory_space<hbm>>, %arg5: memref<10000xi32, #tpu.memory_space<vmem>>, %arg6: memref<5x80x128xf32, #tpu.memory_space<vmem>>, %arg7: memref<5x!tpu.dma_semaphore, #tpu.memory_space<semaphore_mem>>, %arg8: memref<5x!tpu.dma_semaphore, #tpu.memory_space<semaphore_mem>>) attributes {dimension_semantics = [#tpu.dimension_semantics<core_parallel>, #tpu.dimension_semantics<subcore_parallel>], iteration_bounds = array<i64: 2, 16>, scalar_prefetch = 0 : i64, scratch_operands = 4 : i64, tpu.core_type = #tpu.core_type<sc_vector_subcore>, window_params = [{transform_indices = #map}, {transform_indices = #map1}, {transform_indices = #map}]} {
    %mul3A = arith.constant 2 : i32
    %mul3A_0 = arith.muli %arg1, %mul3A : i32
    %add3A = arith.addi %mul3A_0, %arg0 : i32
    %mul3A_1 = arith.constant 10000 : i32
    %mul3A_2 = arith.muli %add3A, %mul3A_1 : i32
    "tpu.region"() ({
      %run_scoped3A = tpu.sem_alloc : memref<!tpu.dma_semaphore, #tpu.memory_space<semaphore_mem>>
      %dma_start3A = tpu.memref_slice %arg3[%mul3A_2] : memref<320000xi32, #tpu.memory_space<hbm>> -> memref<10000xi32, #tpu.memory_space<hbm>>
      %dma_start3A_97 = tpu.memref_slice %arg3[%mul3A_2] : memref<320000xi32, #tpu.memory_space<hbm>> -> memref<10000xi32, #tpu.memory_space<hbm>>
      tpu.enqueue_dma source(%dma_start3A_97 : memref<10000xi32, #tpu.memory_space<hbm>>) target(%arg5 : memref<10000xi32, #tpu.memory_space<vmem>>) target_semaphore(%run_scoped3A : memref<!tpu.dma_semaphore, #tpu.memory_space<semaphore_mem>>)
      %dma_wait3A_98 = tpu.memref_slice %arg3[%mul3A_2] : memref<320000xi32, #tpu.memory_space<hbm>> -> memref<10000xi32, #tpu.memory_space<hbm>>
      %dma_wait3A_99 = tpu.memref_slice %arg3[%mul3A_2] : memref<320000xi32, #tpu.memory_space<hbm>> -> memref<10000xi32, #tpu.memory_space<hbm>>
      tpu.wait_dma2 semaphore(%run_scoped3A : memref<!tpu.dma_semaphore, #tpu.memory_space<semaphore_mem>>) src(%dma_wait3A_99 : memref<10000xi32, #tpu.memory_space<hbm>>) dst(%arg5 : memref<10000xi32, #tpu.memory_space<vmem>>)
      tpu.yield
    }) : () -> ()
    %scan3A = arith.constant 0 : i32
    %scan3A_3 = arith.constant 0 : i32
    %scan3A_4 = arith.constant 25 : i32
    %scan3A_5 = arith.addi %scan3A_3, %scan3A_4 : i32
    %scan3A_6 = arith.constant 1 : i32
    scf.for %scan3A_97 = %scan3A_3 to %scan3A_5 step %scan3A_6  : i32 {
      %mul3A_98 = arith.constant 5 : i32
      %mul3A_99 = arith.muli %scan3A_97, %mul3A_98 : i32
      %add3A_100 = arith.constant 0 : i32
      %add3A_101 = arith.addi %mul3A_99, %add3A_100 : i32
      %ge3A = arith.constant 1 : i32
      %ge3A_102 = arith.cmpi sge, %scan3A_97, %ge3A : i32
      %convert_element_type3A = arith.extui %ge3A_102 : i1 to i32
      %cond3A = arith.constant 0 : i32
      %cond3A_103 = arith.cmpi ne, %convert_element_type3A, %cond3A : i32
      scf.if %cond3A_103 {
        %sub3A = arith.constant 5 : i32
        %sub3A_394 = arith.subi %add3A_101, %sub3A : i32
        %mul3A_395 = arith.constant 80 : i32
        %mul3A_396 = arith.muli %sub3A_394, %mul3A_395 : i32
        %add3A_397 = arith.addi %mul3A_2, %mul3A_396 : i32
        %dma_wait3A_398 = arith.constant 0 : i32
        %dma_wait3A_399 = arith.constant 0 : i32
        %dma_wait3A_400 = arith.constant 0 : i32
        %dma_wait3A_401 = arith.constant 0 : i32
        %dma_wait3A_402 = tpu.memref_slice %arg6[%dma_wait3A_398, %dma_wait3A_400, %dma_wait3A_401] : memref<5x80x128xf32, #tpu.memory_space<vmem>> -> memref<1x80x128xf32, #tpu.memory_space<vmem>>
        %dma_wait3A_403 = tpu.memref_squeeze %dma_wait3A_402 : memref<1x80x128xf32, #tpu.memory_space<vmem>> -> memref<80x128xf32, #tpu.memory_space<vmem>>
        %dma_wait3A_404 = arith.constant 0 : i32
        %dma_wait3A_405 = tpu.memref_slice %arg4[%add3A_397, %dma_wait3A_404] : memref<320000x128xf32, #tpu.memory_space<hbm>> -> memref<80x128xf32, #tpu.memory_space<hbm>>
        %dma_wait3A_406 = tpu.memref_slice %arg8[%dma_wait3A_399] : memref<5x!tpu.dma_semaphore, #tpu.memory_space<semaphore_mem>> -> memref<1x!tpu.dma_semaphore, #tpu.memory_space<semaphore_mem>>
        %dma_wait3A_407 = tpu.memref_squeeze %dma_wait3A_406 : memref<1x!tpu.dma_semaphore, #tpu.memory_space<semaphore_mem>> -> memref<!tpu.dma_semaphore, #tpu.memory_space<semaphore_mem>>
        %dma_wait3A_408 = arith.constant 0 : i32
        %dma_wait3A_409 = tpu.memref_slice %arg4[%add3A_397, %dma_wait3A_408] : memref<320000x128xf32, #tpu.memory_space<hbm>> -> memref<80x128xf32, #tpu.memory_space<hbm>>
        %dma_wait3A_410 = arith.constant 0 : i32
        %dma_wait3A_411 = arith.constant 0 : i32
        %dma_wait3A_412 = tpu.memref_slice %arg6[%dma_wait3A_398, %dma_wait3A_410, %dma_wait3A_411] : memref<5x80x128xf32, #tpu.memory_space<vmem>> -> memref<1x80x128xf32, #tpu.memory_space<vmem>>
        %dma_wait3A_413 = tpu.memref_squeeze %dma_wait3A_412 : memref<1x80x128xf32, #tpu.memory_space<vmem>> -> memref<80x128xf32, #tpu.memory_space<vmem>>
        tpu.wait_dma2 semaphore(%dma_wait3A_407 : memref<!tpu.dma_semaphore, #tpu.memory_space<semaphore_mem>>) src(%dma_wait3A_413 : memref<80x128xf32, #tpu.memory_space<vmem>>) dst(%dma_wait3A_409 : memref<80x128xf32, #tpu.memory_space<hbm>>)
      } else {
      }
      %mul3A_104 = arith.constant 80 : i32
      %mul3A_105 = arith.muli %add3A_101, %mul3A_104 : i32
      %dma_start3A = arith.constant 0 : i32
      %dma_start3A_106 = arith.constant 0 : i32
      %dma_start3A_107 = arith.constant 0 : i32
      %dma_start3A_108 = arith.constant 0 : i32
      %dma_start3A_109 = tpu.memref_slice %arg6[%dma_start3A, %dma_start3A_107, %dma_start3A_108] : memref<5x80x128xf32, #tpu.memory_space<vmem>> -> memref<1x80x128xf32, #tpu.memory_space<vmem>>
      %dma_start3A_110 = tpu.memref_squeeze %dma_start3A_109 : memref<1x80x128xf32, #tpu.memory_space<vmem>> -> memref<80x128xf32, #tpu.memory_space<vmem>>
      %dma_start3A_111 = tpu.memref_slice %arg5[%mul3A_105] : memref<10000xi32, #tpu.memory_space<vmem>> -> memref<80xi32, #tpu.memory_space<vmem>>
      %dma_start3A_112 = arith.constant 0 : i32
      %dma_start3A_113 = arith.constant 0 : i32
      %dma_start3A_114 = tpu.memref_slice %arg2[%dma_start3A_112, %dma_start3A_113] : memref<10000x128xf32, #tpu.memory_space<hbm>> -> memref<10000x128xf32, #tpu.memory_space<hbm>>
      %dma_start3A_115 = tpu.memref_slice %arg7[%dma_start3A_106] : memref<5x!tpu.dma_semaphore, #tpu.memory_space<semaphore_mem>> -> memref<1x!tpu.dma_semaphore, #tpu.memory_space<semaphore_mem>>
      %dma_start3A_116 = tpu.memref_squeeze %dma_start3A_115 : memref<1x!tpu.dma_semaphore, #tpu.memory_space<semaphore_mem>> -> memref<!tpu.dma_semaphore, #tpu.memory_space<semaphore_mem>>
      tpu.enqueue_indirect_dma source(%dma_start3A_114 : memref<10000x128xf32, #tpu.memory_space<hbm>>) target(%dma_start3A_110 : memref<80x128xf32, #tpu.memory_space<vmem>>) offsets(%dma_start3A_111 : memref<80xi32, #tpu.memory_space<vmem>>) semaphore(%dma_start3A_116 : memref<!tpu.dma_semaphore, #tpu.memory_space<semaphore_mem>>)
      %mul3A_117 = arith.constant 5 : i32
      %mul3A_118 = arith.muli %scan3A_97, %mul3A_117 : i32
      %add3A_119 = arith.constant 1 : i32
      %add3A_120 = arith.addi %mul3A_118, %add3A_119 : i32
      %ge3A_121 = arith.constant 1 : i32
      %ge3A_122 = arith.cmpi sge, %scan3A_97, %ge3A_121 : i32
      %convert_element_type3A_123 = arith.extui %ge3A_122 : i1 to i32
      %cond3A_124 = arith.constant 0 : i32
      %cond3A_125 = arith.cmpi ne, %convert_element_type3A_123, %cond3A_124 : i32
      scf.if %cond3A_125 {
        %sub3A = arith.constant 5 : i32
        %sub3A_394 = arith.subi %add3A_120, %sub3A : i32
        %mul3A_395 = arith.constant 80 : i32
        %mul3A_396 = arith.muli %sub3A_394, %mul3A_395 : i32
        %add3A_397 = arith.addi %mul3A_2, %mul3A_396 : i32
        %dma_wait3A_398 = arith.constant 1 : i32
        %dma_wait3A_399 = arith.constant 1 : i32
        %dma_wait3A_400 = arith.constant 0 : i32
        %dma_wait3A_401 = arith.constant 0 : i32
        %dma_wait3A_402 = tpu.memref_slice %arg6[%dma_wait3A_398, %dma_wait3A_400, %dma_wait3A_401] : memref<5x80x128xf32, #tpu.memory_space<vmem>> -> memref<1x80x128xf32, #tpu.memory_space<vmem>>
        %dma_wait3A_403 = tpu.memref_squeeze %dma_wait3A_402 : memref<1x80x128xf32, #tpu.memory_space<vmem>> -> memref<80x128xf32, #tpu.memory_space<vmem>>
        %dma_wait3A_404 = arith.constant 0 : i32
        %dma_wait3A_405 = tpu.memref_slice %arg4[%add3A_397, %dma_wait3A_404] : memref<320000x128xf32, #tpu.memory_space<hbm>> -> memref<80x128xf32, #tpu.memory_space<hbm>>
        %dma_wait3A_406 = tpu.memref_slice %arg8[%dma_wait3A_399] : memref<5x!tpu.dma_semaphore, #tpu.memory_space<semaphore_mem>> -> memref<1x!tpu.dma_semaphore, #tpu.memory_space<semaphore_mem>>
        %dma_wait3A_407 = tpu.memref_squeeze %dma_wait3A_406 : memref<1x!tpu.dma_semaphore, #tpu.memory_space<semaphore_mem>> -> memref<!tpu.dma_semaphore, #tpu.memory_space<semaphore_mem>>
        %dma_wait3A_408 = arith.constant 0 : i32
        %dma_wait3A_409 = tpu.memref_slice %arg4[%add3A_397, %dma_wait3A_408] : memref<320000x128xf32, #tpu.memory_space<hbm>> -> memref<80x128xf32, #tpu.memory_space<hbm>>
        %dma_wait3A_410 = arith.constant 0 : i32
        %dma_wait3A_411 = arith.constant 0 : i32
        %dma_wait3A_412 = tpu.memref_slice %arg6[%dma_wait3A_398, %dma_wait3A_410, %dma_wait3A_411] : memref<5x80x128xf32, #tpu.memory_space<vmem>> -> memref<1x80x128xf32, #tpu.memory_space<vmem>>
        %dma_wait3A_413 = tpu.memref_squeeze %dma_wait3A_412 : memref<1x80x128xf32, #tpu.memory_space<vmem>> -> memref<80x128xf32, #tpu.memory_space<vmem>>
        tpu.wait_dma2 semaphore(%dma_wait3A_407 : memref<!tpu.dma_semaphore, #tpu.memory_space<semaphore_mem>>) src(%dma_wait3A_413 : memref<80x128xf32, #tpu.memory_space<vmem>>) dst(%dma_wait3A_409 : memref<80x128xf32, #tpu.memory_space<hbm>>)
      } else {
      }
      %mul3A_126 = arith.constant 80 : i32
      %mul3A_127 = arith.muli %add3A_120, %mul3A_126 : i32
      %dma_start3A_128 = arith.constant 1 : i32
      %dma_start3A_129 = arith.constant 1 : i32
      %dma_start3A_130 = arith.constant 0 : i32
      %dma_start3A_131 = arith.constant 0 : i32
      %dma_start3A_132 = tpu.memref_slice %arg6[%dma_start3A_128, %dma_start3A_130, %dma_start3A_131] : memref<5x80x128xf32, #tpu.memory_space<vmem>> -> memref<1x80x128xf32, #tpu.memory_space<vmem>>
      %dma_start3A_133 = tpu.memref_squeeze %dma_start3A_132 : memref<1x80x128xf32, #tpu.memory_space<vmem>> -> memref<80x128xf32, #tpu.memory_space<vmem>>
      %dma_start3A_134 = tpu.memref_slice %arg5[%mul3A_127] : memref<10000xi32, #tpu.memory_space<vmem>> -> memref<80xi32, #tpu.memory_space<vmem>>
      %dma_start3A_135 = arith.constant 0 : i32
      %dma_start3A_136 = arith.constant 0 : i32
      %dma_start3A_137 = tpu.memref_slice %arg2[%dma_start3A_135, %dma_start3A_136] : memref<10000x128xf32, #tpu.memory_space<hbm>> -> memref<10000x128xf32, #tpu.memory_space<hbm>>
      %dma_start3A_138 = tpu.memref_slice %arg7[%dma_start3A_129] : memref<5x!tpu.dma_semaphore, #tpu.memory_space<semaphore_mem>> -> memref<1x!tpu.dma_semaphore, #tpu.memory_space<semaphore_mem>>
      %dma_start3A_139 = tpu.memref_squeeze %dma_start3A_138 : memref<1x!tpu.dma_semaphore, #tpu.memory_space<semaphore_mem>> -> memref<!tpu.dma_semaphore, #tpu.memory_space<semaphore_mem>>
      tpu.enqueue_indirect_dma source(%dma_start3A_137 : memref<10000x128xf32, #tpu.memory_space<hbm>>) target(%dma_start3A_133 : memref<80x128xf32, #tpu.memory_space<vmem>>) offsets(%dma_start3A_134 : memref<80xi32, #tpu.memory_space<vmem>>) semaphore(%dma_start3A_139 : memref<!tpu.dma_semaphore, #tpu.memory_space<semaphore_mem>>)
      %mul3A_140 = arith.constant 5 : i32
      %mul3A_141 = arith.muli %scan3A_97, %mul3A_140 : i32
      %add3A_142 = arith.constant 2 : i32
      %add3A_143 = arith.addi %mul3A_141, %add3A_142 : i32
      %ge3A_144 = arith.constant 1 : i32
      %ge3A_145 = arith.cmpi sge, %scan3A_97, %ge3A_144 : i32
      %convert_element_type3A_146 = arith.extui %ge3A_145 : i1 to i32
      %cond3A_147 = arith.constant 0 : i32
      %cond3A_148 = arith.cmpi ne, %convert_element_type3A_146, %cond3A_147 : i32
      scf.if %cond3A_148 {
        %sub3A = arith.constant 5 : i32
        %sub3A_394 = arith.subi %add3A_143, %sub3A : i32
        %mul3A_395 = arith.constant 80 : i32
        %mul3A_396 = arith.muli %sub3A_394, %mul3A_395 : i32
        %add3A_397 = arith.addi %mul3A_2, %mul3A_396 : i32
        %dma_wait3A_398 = arith.constant 2 : i32
        %dma_wait3A_399 = arith.constant 2 : i32
        %dma_wait3A_400 = arith.constant 0 : i32
        %dma_wait3A_401 = arith.constant 0 : i32
        %dma_wait3A_402 = tpu.memref_slice %arg6[%dma_wait3A_398, %dma_wait3A_400, %dma_wait3A_401] : memref<5x80x128xf32, #tpu.memory_space<vmem>> -> memref<1x80x128xf32, #tpu.memory_space<vmem>>
        %dma_wait3A_403 = tpu.memref_squeeze %dma_wait3A_402 : memref<1x80x128xf32, #tpu.memory_space<vmem>> -> memref<80x128xf32, #tpu.memory_space<vmem>>
        %dma_wait3A_404 = arith.constant 0 : i32
        %dma_wait3A_405 = tpu.memref_slice %arg4[%add3A_397, %dma_wait3A_404] : memref<320000x128xf32, #tpu.memory_space<hbm>> -> memref<80x128xf32, #tpu.memory_space<hbm>>
        %dma_wait3A_406 = tpu.memref_slice %arg8[%dma_wait3A_399] : memref<5x!tpu.dma_semaphore, #tpu.memory_space<semaphore_mem>> -> memref<1x!tpu.dma_semaphore, #tpu.memory_space<semaphore_mem>>
        %dma_wait3A_407 = tpu.memref_squeeze %dma_wait3A_406 : memref<1x!tpu.dma_semaphore, #tpu.memory_space<semaphore_mem>> -> memref<!tpu.dma_semaphore, #tpu.memory_space<semaphore_mem>>
        %dma_wait3A_408 = arith.constant 0 : i32
        %dma_wait3A_409 = tpu.memref_slice %arg4[%add3A_397, %dma_wait3A_408] : memref<320000x128xf32, #tpu.memory_space<hbm>> -> memref<80x128xf32, #tpu.memory_space<hbm>>
        %dma_wait3A_410 = arith.constant 0 : i32
        %dma_wait3A_411 = arith.constant 0 : i32
        %dma_wait3A_412 = tpu.memref_slice %arg6[%dma_wait3A_398, %dma_wait3A_410, %dma_wait3A_411] : memref<5x80x128xf32, #tpu.memory_space<vmem>> -> memref<1x80x128xf32, #tpu.memory_space<vmem>>
        %dma_wait3A_413 = tpu.memref_squeeze %dma_wait3A_412 : memref<1x80x128xf32, #tpu.memory_space<vmem>> -> memref<80x128xf32, #tpu.memory_space<vmem>>
        tpu.wait_dma2 semaphore(%dma_wait3A_407 : memref<!tpu.dma_semaphore, #tpu.memory_space<semaphore_mem>>) src(%dma_wait3A_413 : memref<80x128xf32, #tpu.memory_space<vmem>>) dst(%dma_wait3A_409 : memref<80x128xf32, #tpu.memory_space<hbm>>)
      } else {
      }
      %mul3A_149 = arith.constant 80 : i32
      %mul3A_150 = arith.muli %add3A_143, %mul3A_149 : i32
      %dma_start3A_151 = arith.constant 2 : i32
      %dma_start3A_152 = arith.constant 2 : i32
      %dma_start3A_153 = arith.constant 0 : i32
      %dma_start3A_154 = arith.constant 0 : i32
      %dma_start3A_155 = tpu.memref_slice %arg6[%dma_start3A_151, %dma_start3A_153, %dma_start3A_154] : memref<5x80x128xf32, #tpu.memory_space<vmem>> -> memref<1x80x128xf32, #tpu.memory_space<vmem>>
      %dma_start3A_156 = tpu.memref_squeeze %dma_start3A_155 : memref<1x80x128xf32, #tpu.memory_space<vmem>> -> memref<80x128xf32, #tpu.memory_space<vmem>>
      %dma_start3A_157 = tpu.memref_slice %arg5[%mul3A_150] : memref<10000xi32, #tpu.memory_space<vmem>> -> memref<80xi32, #tpu.memory_space<vmem>>
      %dma_start3A_158 = arith.constant 0 : i32
      %dma_start3A_159 = arith.constant 0 : i32
      %dma_start3A_160 = tpu.memref_slice %arg2[%dma_start3A_158, %dma_start3A_159] : memref<10000x128xf32, #tpu.memory_space<hbm>> -> memref<10000x128xf32, #tpu.memory_space<hbm>>
      %dma_start3A_161 = tpu.memref_slice %arg7[%dma_start3A_152] : memref<5x!tpu.dma_semaphore, #tpu.memory_space<semaphore_mem>> -> memref<1x!tpu.dma_semaphore, #tpu.memory_space<semaphore_mem>>
      %dma_start3A_162 = tpu.memref_squeeze %dma_start3A_161 : memref<1x!tpu.dma_semaphore, #tpu.memory_space<semaphore_mem>> -> memref<!tpu.dma_semaphore, #tpu.memory_space<semaphore_mem>>
      tpu.enqueue_indirect_dma source(%dma_start3A_160 : memref<10000x128xf32, #tpu.memory_space<hbm>>) target(%dma_start3A_156 : memref<80x128xf32, #tpu.memory_space<vmem>>) offsets(%dma_start3A_157 : memref<80xi32, #tpu.memory_space<vmem>>) semaphore(%dma_start3A_162 : memref<!tpu.dma_semaphore, #tpu.memory_space<semaphore_mem>>)
      %mul3A_163 = arith.constant 5 : i32
      %mul3A_164 = arith.muli %scan3A_97, %mul3A_163 : i32
      %add3A_165 = arith.constant 3 : i32
      %add3A_166 = arith.addi %mul3A_164, %add3A_165 : i32
      %ge3A_167 = arith.constant 1 : i32
      %ge3A_168 = arith.cmpi sge, %scan3A_97, %ge3A_167 : i32
      %convert_element_type3A_169 = arith.extui %ge3A_168 : i1 to i32
      %cond3A_170 = arith.constant 0 : i32
      %cond3A_171 = arith.cmpi ne, %convert_element_type3A_169, %cond3A_170 : i32
      scf.if %cond3A_171 {
        %sub3A = arith.constant 5 : i32
        %sub3A_394 = arith.subi %add3A_166, %sub3A : i32
        %mul3A_395 = arith.constant 80 : i32
        %mul3A_396 = arith.muli %sub3A_394, %mul3A_395 : i32
        %add3A_397 = arith.addi %mul3A_2, %mul3A_396 : i32
        %dma_wait3A_398 = arith.constant 3 : i32
        %dma_wait3A_399 = arith.constant 3 : i32
        %dma_wait3A_400 = arith.constant 0 : i32
        %dma_wait3A_401 = arith.constant 0 : i32
        %dma_wait3A_402 = tpu.memref_slice %arg6[%dma_wait3A_398, %dma_wait3A_400, %dma_wait3A_401] : memref<5x80x128xf32, #tpu.memory_space<vmem>> -> memref<1x80x128xf32, #tpu.memory_space<vmem>>
        %dma_wait3A_403 = tpu.memref_squeeze %dma_wait3A_402 : memref<1x80x128xf32, #tpu.memory_space<vmem>> -> memref<80x128xf32, #tpu.memory_space<vmem>>
        %dma_wait3A_404 = arith.constant 0 : i32
        %dma_wait3A_405 = tpu.memref_slice %arg4[%add3A_397, %dma_wait3A_404] : memref<320000x128xf32, #tpu.memory_space<hbm>> -> memref<80x128xf32, #tpu.memory_space<hbm>>
        %dma_wait3A_406 = tpu.memref_slice %arg8[%dma_wait3A_399] : memref<5x!tpu.dma_semaphore, #tpu.memory_space<semaphore_mem>> -> memref<1x!tpu.dma_semaphore, #tpu.memory_space<semaphore_mem>>
        %dma_wait3A_407 = tpu.memref_squeeze %dma_wait3A_406 : memref<1x!tpu.dma_semaphore, #tpu.memory_space<semaphore_mem>> -> memref<!tpu.dma_semaphore, #tpu.memory_space<semaphore_mem>>
        %dma_wait3A_408 = arith.constant 0 : i32
        %dma_wait3A_409 = tpu.memref_slice %arg4[%add3A_397, %dma_wait3A_408] : memref<320000x128xf32, #tpu.memory_space<hbm>> -> memref<80x128xf32, #tpu.memory_space<hbm>>
        %dma_wait3A_410 = arith.constant 0 : i32
        %dma_wait3A_411 = arith.constant 0 : i32
        %dma_wait3A_412 = tpu.memref_slice %arg6[%dma_wait3A_398, %dma_wait3A_410, %dma_wait3A_411] : memref<5x80x128xf32, #tpu.memory_space<vmem>> -> memref<1x80x128xf32, #tpu.memory_space<vmem>>
        %dma_wait3A_413 = tpu.memref_squeeze %dma_wait3A_412 : memref<1x80x128xf32, #tpu.memory_space<vmem>> -> memref<80x128xf32, #tpu.memory_space<vmem>>
        tpu.wait_dma2 semaphore(%dma_wait3A_407 : memref<!tpu.dma_semaphore, #tpu.memory_space<semaphore_mem>>) src(%dma_wait3A_413 : memref<80x128xf32, #tpu.memory_space<vmem>>) dst(%dma_wait3A_409 : memref<80x128xf32, #tpu.memory_space<hbm>>)
      } else {
      }
      %mul3A_172 = arith.constant 80 : i32
      %mul3A_173 = arith.muli %add3A_166, %mul3A_172 : i32
      %dma_start3A_174 = arith.constant 3 : i32
      %dma_start3A_175 = arith.constant 3 : i32
      %dma_start3A_176 = arith.constant 0 : i32
      %dma_start3A_177 = arith.constant 0 : i32
      %dma_start3A_178 = tpu.memref_slice %arg6[%dma_start3A_174, %dma_start3A_176, %dma_start3A_177] : memref<5x80x128xf32, #tpu.memory_space<vmem>> -> memref<1x80x128xf32, #tpu.memory_space<vmem>>
      %dma_start3A_179 = tpu.memref_squeeze %dma_start3A_178 : memref<1x80x128xf32, #tpu.memory_space<vmem>> -> memref<80x128xf32, #tpu.memory_space<vmem>>
      %dma_start3A_180 = tpu.memref_slice %arg5[%mul3A_173] : memref<10000xi32, #tpu.memory_space<vmem>> -> memref<80xi32, #tpu.memory_space<vmem>>
      %dma_start3A_181 = arith.constant 0 : i32
      %dma_start3A_182 = arith.constant 0 : i32
      %dma_start3A_183 = tpu.memref_slice %arg2[%dma_start3A_181, %dma_start3A_182] : memref<10000x128xf32, #tpu.memory_space<hbm>> -> memref<10000x128xf32, #tpu.memory_space<hbm>>
      %dma_start3A_184 = tpu.memref_slice %arg7[%dma_start3A_175] : memref<5x!tpu.dma_semaphore, #tpu.memory_space<semaphore_mem>> -> memref<1x!tpu.dma_semaphore, #tpu.memory_space<semaphore_mem>>
      %dma_start3A_185 = tpu.memref_squeeze %dma_start3A_184 : memref<1x!tpu.dma_semaphore, #tpu.memory_space<semaphore_mem>> -> memref<!tpu.dma_semaphore, #tpu.memory_space<semaphore_mem>>
      tpu.enqueue_indirect_dma source(%dma_start3A_183 : memref<10000x128xf32, #tpu.memory_space<hbm>>) target(%dma_start3A_179 : memref<80x128xf32, #tpu.memory_space<vmem>>) offsets(%dma_start3A_180 : memref<80xi32, #tpu.memory_space<vmem>>) semaphore(%dma_start3A_185 : memref<!tpu.dma_semaphore, #tpu.memory_space<semaphore_mem>>)
      %mul3A_186 = arith.constant 5 : i32
      %mul3A_187 = arith.muli %scan3A_97, %mul3A_186 : i32
      %add3A_188 = arith.constant 4 : i32
      %add3A_189 = arith.addi %mul3A_187, %add3A_188 : i32
      %ge3A_190 = arith.constant 1 : i32
      %ge3A_191 = arith.cmpi sge, %scan3A_97, %ge3A_190 : i32
      %convert_element_type3A_192 = arith.extui %ge3A_191 : i1 to i32
      %cond3A_193 = arith.constant 0 : i32
      %cond3A_194 = arith.cmpi ne, %convert_element_type3A_192, %cond3A_193 : i32
      scf.if %cond3A_194 {
        %sub3A = arith.constant 5 : i32
        %sub3A_394 = arith.subi %add3A_189, %sub3A : i32
        %mul3A_395 = arith.constant 80 : i32
        %mul3A_396 = arith.muli %sub3A_394, %mul3A_395 : i32
        %add3A_397 = arith.addi %mul3A_2, %mul3A_396 : i32
        %dma_wait3A_398 = arith.constant 4 : i32
        %dma_wait3A_399 = arith.constant 4 : i32
        %dma_wait3A_400 = arith.constant 0 : i32
        %dma_wait3A_401 = arith.constant 0 : i32
        %dma_wait3A_402 = tpu.memref_slice %arg6[%dma_wait3A_398, %dma_wait3A_400, %dma_wait3A_401] : memref<5x80x128xf32, #tpu.memory_space<vmem>> -> memref<1x80x128xf32, #tpu.memory_space<vmem>>
        %dma_wait3A_403 = tpu.memref_squeeze %dma_wait3A_402 : memref<1x80x128xf32, #tpu.memory_space<vmem>> -> memref<80x128xf32, #tpu.memory_space<vmem>>
        %dma_wait3A_404 = arith.constant 0 : i32
        %dma_wait3A_405 = tpu.memref_slice %arg4[%add3A_397, %dma_wait3A_404] : memref<320000x128xf32, #tpu.memory_space<hbm>> -> memref<80x128xf32, #tpu.memory_space<hbm>>
        %dma_wait3A_406 = tpu.memref_slice %arg8[%dma_wait3A_399] : memref<5x!tpu.dma_semaphore, #tpu.memory_space<semaphore_mem>> -> memref<1x!tpu.dma_semaphore, #tpu.memory_space<semaphore_mem>>
        %dma_wait3A_407 = tpu.memref_squeeze %dma_wait3A_406 : memref<1x!tpu.dma_semaphore, #tpu.memory_space<semaphore_mem>> -> memref<!tpu.dma_semaphore, #tpu.memory_space<semaphore_mem>>
        %dma_wait3A_408 = arith.constant 0 : i32
        %dma_wait3A_409 = tpu.memref_slice %arg4[%add3A_397, %dma_wait3A_408] : memref<320000x128xf32, #tpu.memory_space<hbm>> -> memref<80x128xf32, #tpu.memory_space<hbm>>
        %dma_wait3A_410 = arith.constant 0 : i32
        %dma_wait3A_411 = arith.constant 0 : i32
        %dma_wait3A_412 = tpu.memref_slice %arg6[%dma_wait3A_398, %dma_wait3A_410, %dma_wait3A_411] : memref<5x80x128xf32, #tpu.memory_space<vmem>> -> memref<1x80x128xf32, #tpu.memory_space<vmem>>
        %dma_wait3A_413 = tpu.memref_squeeze %dma_wait3A_412 : memref<1x80x128xf32, #tpu.memory_space<vmem>> -> memref<80x128xf32, #tpu.memory_space<vmem>>
        tpu.wait_dma2 semaphore(%dma_wait3A_407 : memref<!tpu.dma_semaphore, #tpu.memory_space<semaphore_mem>>) src(%dma_wait3A_413 : memref<80x128xf32, #tpu.memory_space<vmem>>) dst(%dma_wait3A_409 : memref<80x128xf32, #tpu.memory_space<hbm>>)
      } else {
      }
      %mul3A_195 = arith.constant 80 : i32
      %mul3A_196 = arith.muli %add3A_189, %mul3A_195 : i32
      %dma_start3A_197 = arith.constant 4 : i32
      %dma_start3A_198 = arith.constant 4 : i32
      %dma_start3A_199 = arith.constant 0 : i32
      %dma_start3A_200 = arith.constant 0 : i32
      %dma_start3A_201 = tpu.memref_slice %arg6[%dma_start3A_197, %dma_start3A_199, %dma_start3A_200] : memref<5x80x128xf32, #tpu.memory_space<vmem>> -> memref<1x80x128xf32, #tpu.memory_space<vmem>>
      %dma_start3A_202 = tpu.memref_squeeze %dma_start3A_201 : memref<1x80x128xf32, #tpu.memory_space<vmem>> -> memref<80x128xf32, #tpu.memory_space<vmem>>
      %dma_start3A_203 = tpu.memref_slice %arg5[%mul3A_196] : memref<10000xi32, #tpu.memory_space<vmem>> -> memref<80xi32, #tpu.memory_space<vmem>>
      %dma_start3A_204 = arith.constant 0 : i32
      %dma_start3A_205 = arith.constant 0 : i32
      %dma_start3A_206 = tpu.memref_slice %arg2[%dma_start3A_204, %dma_start3A_205] : memref<10000x128xf32, #tpu.memory_space<hbm>> -> memref<10000x128xf32, #tpu.memory_space<hbm>>
      %dma_start3A_207 = tpu.memref_slice %arg7[%dma_start3A_198] : memref<5x!tpu.dma_semaphore, #tpu.memory_space<semaphore_mem>> -> memref<1x!tpu.dma_semaphore, #tpu.memory_space<semaphore_mem>>
      %dma_start3A_208 = tpu.memref_squeeze %dma_start3A_207 : memref<1x!tpu.dma_semaphore, #tpu.memory_space<semaphore_mem>> -> memref<!tpu.dma_semaphore, #tpu.memory_space<semaphore_mem>>
      tpu.enqueue_indirect_dma source(%dma_start3A_206 : memref<10000x128xf32, #tpu.memory_space<hbm>>) target(%dma_start3A_202 : memref<80x128xf32, #tpu.memory_space<vmem>>) offsets(%dma_start3A_203 : memref<80xi32, #tpu.memory_space<vmem>>) semaphore(%dma_start3A_208 : memref<!tpu.dma_semaphore, #tpu.memory_space<semaphore_mem>>)
      %mul3A_209 = arith.constant 5 : i32
      %mul3A_210 = arith.muli %scan3A_97, %mul3A_209 : i32
      %add3A_211 = arith.constant 0 : i32
      %add3A_212 = arith.addi %mul3A_210, %add3A_211 : i32
      %mul3A_213 = arith.constant 80 : i32
      %mul3A_214 = arith.muli %add3A_212, %mul3A_213 : i32
      %dma_wait3A_215 = arith.constant 0 : i32
      %dma_wait3A_216 = arith.constant 0 : i32
      %dma_wait3A_217 = arith.constant 0 : i32
      %dma_wait3A_218 = arith.constant 0 : i32
      %dma_wait3A_219 = tpu.memref_slice %arg6[%dma_wait3A_215, %dma_wait3A_217, %dma_wait3A_218] : memref<5x80x128xf32, #tpu.memory_space<vmem>> -> memref<1x80x128xf32, #tpu.memory_space<vmem>>
      %dma_wait3A_220 = tpu.memref_squeeze %dma_wait3A_219 : memref<1x80x128xf32, #tpu.memory_space<vmem>> -> memref<80x128xf32, #tpu.memory_space<vmem>>
      %dma_wait3A_221 = tpu.memref_slice %arg5[%mul3A_214] : memref<10000xi32, #tpu.memory_space<vmem>> -> memref<80xi32, #tpu.memory_space<vmem>>
      %dma_wait3A_222 = arith.constant 0 : i32
      %dma_wait3A_223 = arith.constant 0 : i32
      %dma_wait3A_224 = tpu.memref_slice %arg2[%dma_wait3A_222, %dma_wait3A_223] : memref<10000x128xf32, #tpu.memory_space<hbm>> -> memref<10000x128xf32, #tpu.memory_space<hbm>>
      %dma_wait3A_225 = tpu.memref_slice %arg7[%dma_wait3A_216] : memref<5x!tpu.dma_semaphore, #tpu.memory_space<semaphore_mem>> -> memref<1x!tpu.dma_semaphore, #tpu.memory_space<semaphore_mem>>
      %dma_wait3A_226 = tpu.memref_squeeze %dma_wait3A_225 : memref<1x!tpu.dma_semaphore, #tpu.memory_space<semaphore_mem>> -> memref<!tpu.dma_semaphore, #tpu.memory_space<semaphore_mem>>
      tpu.wait_indirect_dma semaphore(%dma_wait3A_226 : memref<!tpu.dma_semaphore, #tpu.memory_space<semaphore_mem>>) src(%dma_wait3A_224 : memref<10000x128xf32, #tpu.memory_space<hbm>>) dst(%dma_wait3A_220 : memref<80x128xf32, #tpu.memory_space<vmem>>)
      %mul3A_227 = arith.constant 80 : i32
      %mul3A_228 = arith.muli %add3A_212, %mul3A_227 : i32
      %add3A_229 = arith.addi %mul3A_2, %mul3A_228 : i32
      %dma_start3A_230 = arith.constant 0 : i32
      %dma_start3A_231 = arith.constant 0 : i32
      %dma_start3A_232 = arith.constant 0 : i32
      %dma_start3A_233 = arith.constant 0 : i32
      %dma_start3A_234 = tpu.memref_slice %arg6[%dma_start3A_230, %dma_start3A_232, %dma_start3A_233] : memref<5x80x128xf32, #tpu.memory_space<vmem>> -> memref<1x80x128xf32, #tpu.memory_space<vmem>>
      %dma_start3A_235 = tpu.memref_squeeze %dma_start3A_234 : memref<1x80x128xf32, #tpu.memory_space<vmem>> -> memref<80x128xf32, #tpu.memory_space<vmem>>
      %dma_start3A_236 = arith.constant 0 : i32
      %dma_start3A_237 = tpu.memref_slice %arg4[%add3A_229, %dma_start3A_236] : memref<320000x128xf32, #tpu.memory_space<hbm>> -> memref<80x128xf32, #tpu.memory_space<hbm>>
      %dma_start3A_238 = tpu.memref_slice %arg8[%dma_start3A_231] : memref<5x!tpu.dma_semaphore, #tpu.memory_space<semaphore_mem>> -> memref<1x!tpu.dma_semaphore, #tpu.memory_space<semaphore_mem>>
      %dma_start3A_239 = tpu.memref_squeeze %dma_start3A_238 : memref<1x!tpu.dma_semaphore, #tpu.memory_space<semaphore_mem>> -> memref<!tpu.dma_semaphore, #tpu.memory_space<semaphore_mem>>
      %dma_start3A_240 = arith.constant 0 : i32
      %dma_start3A_241 = tpu.memref_slice %arg4[%add3A_229, %dma_start3A_240] : memref<320000x128xf32, #tpu.memory_space<hbm>> -> memref<80x128xf32, #tpu.memory_space<hbm>>
      %dma_start3A_242 = arith.constant 0 : i32
      %dma_start3A_243 = arith.constant 0 : i32
      %dma_start3A_244 = tpu.memref_slice %arg6[%dma_start3A_230, %dma_start3A_242, %dma_start3A_243] : memref<5x80x128xf32, #tpu.memory_space<vmem>> -> memref<1x80x128xf32, #tpu.memory_space<vmem>>
      %dma_start3A_245 = tpu.memref_squeeze %dma_start3A_244 : memref<1x80x128xf32, #tpu.memory_space<vmem>> -> memref<80x128xf32, #tpu.memory_space<vmem>>
      tpu.enqueue_dma source(%dma_start3A_245 : memref<80x128xf32, #tpu.memory_space<vmem>>) target(%dma_start3A_241 : memref<80x128xf32, #tpu.memory_space<hbm>>) target_semaphore(%dma_start3A_239 : memref<!tpu.dma_semaphore, #tpu.memory_space<semaphore_mem>>)
      %mul3A_246 = arith.constant 5 : i32
      %mul3A_247 = arith.muli %scan3A_97, %mul3A_246 : i32
      %add3A_248 = arith.constant 1 : i32
      %add3A_249 = arith.addi %mul3A_247, %add3A_248 : i32
      %mul3A_250 = arith.constant 80 : i32
      %mul3A_251 = arith.muli %add3A_249, %mul3A_250 : i32
      %dma_wait3A_252 = arith.constant 1 : i32
      %dma_wait3A_253 = arith.constant 1 : i32
      %dma_wait3A_254 = arith.constant 0 : i32
      %dma_wait3A_255 = arith.constant 0 : i32
      %dma_wait3A_256 = tpu.memref_slice %arg6[%dma_wait3A_252, %dma_wait3A_254, %dma_wait3A_255] : memref<5x80x128xf32, #tpu.memory_space<vmem>> -> memref<1x80x128xf32, #tpu.memory_space<vmem>>
      %dma_wait3A_257 = tpu.memref_squeeze %dma_wait3A_256 : memref<1x80x128xf32, #tpu.memory_space<vmem>> -> memref<80x128xf32, #tpu.memory_space<vmem>>
      %dma_wait3A_258 = tpu.memref_slice %arg5[%mul3A_251] : memref<10000xi32, #tpu.memory_space<vmem>> -> memref<80xi32, #tpu.memory_space<vmem>>
      %dma_wait3A_259 = arith.constant 0 : i32
      %dma_wait3A_260 = arith.constant 0 : i32
      %dma_wait3A_261 = tpu.memref_slice %arg2[%dma_wait3A_259, %dma_wait3A_260] : memref<10000x128xf32, #tpu.memory_space<hbm>> -> memref<10000x128xf32, #tpu.memory_space<hbm>>
      %dma_wait3A_262 = tpu.memref_slice %arg7[%dma_wait3A_253] : memref<5x!tpu.dma_semaphore, #tpu.memory_space<semaphore_mem>> -> memref<1x!tpu.dma_semaphore, #tpu.memory_space<semaphore_mem>>
      %dma_wait3A_263 = tpu.memref_squeeze %dma_wait3A_262 : memref<1x!tpu.dma_semaphore, #tpu.memory_space<semaphore_mem>> -> memref<!tpu.dma_semaphore, #tpu.memory_space<semaphore_mem>>
      tpu.wait_indirect_dma semaphore(%dma_wait3A_263 : memref<!tpu.dma_semaphore, #tpu.memory_space<semaphore_mem>>) src(%dma_wait3A_261 : memref<10000x128xf32, #tpu.memory_space<hbm>>) dst(%dma_wait3A_257 : memref<80x128xf32, #tpu.memory_space<vmem>>)
      %mul3A_264 = arith.constant 80 : i32
      %mul3A_265 = arith.muli %add3A_249, %mul3A_264 : i32
      %add3A_266 = arith.addi %mul3A_2, %mul3A_265 : i32
      %dma_start3A_267 = arith.constant 1 : i32
      %dma_start3A_268 = arith.constant 1 : i32
      %dma_start3A_269 = arith.constant 0 : i32
      %dma_start3A_270 = arith.constant 0 : i32
      %dma_start3A_271 = tpu.memref_slice %arg6[%dma_start3A_267, %dma_start3A_269, %dma_start3A_270] : memref<5x80x128xf32, #tpu.memory_space<vmem>> -> memref<1x80x128xf32, #tpu.memory_space<vmem>>
      %dma_start3A_272 = tpu.memref_squeeze %dma_start3A_271 : memref<1x80x128xf32, #tpu.memory_space<vmem>> -> memref<80x128xf32, #tpu.memory_space<vmem>>
      %dma_start3A_273 = arith.constant 0 : i32
      %dma_start3A_274 = tpu.memref_slice %arg4[%add3A_266, %dma_start3A_273] : memref<320000x128xf32, #tpu.memory_space<hbm>> -> memref<80x128xf32, #tpu.memory_space<hbm>>
      %dma_start3A_275 = tpu.memref_slice %arg8[%dma_start3A_268] : memref<5x!tpu.dma_semaphore, #tpu.memory_space<semaphore_mem>> -> memref<1x!tpu.dma_semaphore, #tpu.memory_space<semaphore_mem>>
      %dma_start3A_276 = tpu.memref_squeeze %dma_start3A_275 : memref<1x!tpu.dma_semaphore, #tpu.memory_space<semaphore_mem>> -> memref<!tpu.dma_semaphore, #tpu.memory_space<semaphore_mem>>
      %dma_start3A_277 = arith.constant 0 : i32
      %dma_start3A_278 = tpu.memref_slice %arg4[%add3A_266, %dma_start3A_277] : memref<320000x128xf32, #tpu.memory_space<hbm>> -> memref<80x128xf32, #tpu.memory_space<hbm>>
      %dma_start3A_279 = arith.constant 0 : i32
      %dma_start3A_280 = arith.constant 0 : i32
      %dma_start3A_281 = tpu.memref_slice %arg6[%dma_start3A_267, %dma_start3A_279, %dma_start3A_280] : memref<5x80x128xf32, #tpu.memory_space<vmem>> -> memref<1x80x128xf32, #tpu.memory_space<vmem>>
      %dma_start3A_282 = tpu.memref_squeeze %dma_start3A_281 : memref<1x80x128xf32, #tpu.memory_space<vmem>> -> memref<80x128xf32, #tpu.memory_space<vmem>>
      tpu.enqueue_dma source(%dma_start3A_282 : memref<80x128xf32, #tpu.memory_space<vmem>>) target(%dma_start3A_278 : memref<80x128xf32, #tpu.memory_space<hbm>>) target_semaphore(%dma_start3A_276 : memref<!tpu.dma_semaphore, #tpu.memory_space<semaphore_mem>>)
      %mul3A_283 = arith.constant 5 : i32
      %mul3A_284 = arith.muli %scan3A_97, %mul3A_283 : i32
      %add3A_285 = arith.constant 2 : i32
      %add3A_286 = arith.addi %mul3A_284, %add3A_285 : i32
      %mul3A_287 = arith.constant 80 : i32
      %mul3A_288 = arith.muli %add3A_286, %mul3A_287 : i32
      %dma_wait3A_289 = arith.constant 2 : i32
      %dma_wait3A_290 = arith.constant 2 : i32
      %dma_wait3A_291 = arith.constant 0 : i32
      %dma_wait3A_292 = arith.constant 0 : i32
      %dma_wait3A_293 = tpu.memref_slice %arg6[%dma_wait3A_289, %dma_wait3A_291, %dma_wait3A_292] : memref<5x80x128xf32, #tpu.memory_space<vmem>> -> memref<1x80x128xf32, #tpu.memory_space<vmem>>
      %dma_wait3A_294 = tpu.memref_squeeze %dma_wait3A_293 : memref<1x80x128xf32, #tpu.memory_space<vmem>> -> memref<80x128xf32, #tpu.memory_space<vmem>>
      %dma_wait3A_295 = tpu.memref_slice %arg5[%mul3A_288] : memref<10000xi32, #tpu.memory_space<vmem>> -> memref<80xi32, #tpu.memory_space<vmem>>
      %dma_wait3A_296 = arith.constant 0 : i32
      %dma_wait3A_297 = arith.constant 0 : i32
      %dma_wait3A_298 = tpu.memref_slice %arg2[%dma_wait3A_296, %dma_wait3A_297] : memref<10000x128xf32, #tpu.memory_space<hbm>> -> memref<10000x128xf32, #tpu.memory_space<hbm>>
      %dma_wait3A_299 = tpu.memref_slice %arg7[%dma_wait3A_290] : memref<5x!tpu.dma_semaphore, #tpu.memory_space<semaphore_mem>> -> memref<1x!tpu.dma_semaphore, #tpu.memory_space<semaphore_mem>>
      %dma_wait3A_300 = tpu.memref_squeeze %dma_wait3A_299 : memref<1x!tpu.dma_semaphore, #tpu.memory_space<semaphore_mem>> -> memref<!tpu.dma_semaphore, #tpu.memory_space<semaphore_mem>>
      tpu.wait_indirect_dma semaphore(%dma_wait3A_300 : memref<!tpu.dma_semaphore, #tpu.memory_space<semaphore_mem>>) src(%dma_wait3A_298 : memref<10000x128xf32, #tpu.memory_space<hbm>>) dst(%dma_wait3A_294 : memref<80x128xf32, #tpu.memory_space<vmem>>)
      %mul3A_301 = arith.constant 80 : i32
      %mul3A_302 = arith.muli %add3A_286, %mul3A_301 : i32
      %add3A_303 = arith.addi %mul3A_2, %mul3A_302 : i32
      %dma_start3A_304 = arith.constant 2 : i32
      %dma_start3A_305 = arith.constant 2 : i32
      %dma_start3A_306 = arith.constant 0 : i32
      %dma_start3A_307 = arith.constant 0 : i32
      %dma_start3A_308 = tpu.memref_slice %arg6[%dma_start3A_304, %dma_start3A_306, %dma_start3A_307] : memref<5x80x128xf32, #tpu.memory_space<vmem>> -> memref<1x80x128xf32, #tpu.memory_space<vmem>>
      %dma_start3A_309 = tpu.memref_squeeze %dma_start3A_308 : memref<1x80x128xf32, #tpu.memory_space<vmem>> -> memref<80x128xf32, #tpu.memory_space<vmem>>
      %dma_start3A_310 = arith.constant 0 : i32
      %dma_start3A_311 = tpu.memref_slice %arg4[%add3A_303, %dma_start3A_310] : memref<320000x128xf32, #tpu.memory_space<hbm>> -> memref<80x128xf32, #tpu.memory_space<hbm>>
      %dma_start3A_312 = tpu.memref_slice %arg8[%dma_start3A_305] : memref<5x!tpu.dma_semaphore, #tpu.memory_space<semaphore_mem>> -> memref<1x!tpu.dma_semaphore, #tpu.memory_space<semaphore_mem>>
      %dma_start3A_313 = tpu.memref_squeeze %dma_start3A_312 : memref<1x!tpu.dma_semaphore, #tpu.memory_space<semaphore_mem>> -> memref<!tpu.dma_semaphore, #tpu.memory_space<semaphore_mem>>
      %dma_start3A_314 = arith.constant 0 : i32
      %dma_start3A_315 = tpu.memref_slice %arg4[%add3A_303, %dma_start3A_314] : memref<320000x128xf32, #tpu.memory_space<hbm>> -> memref<80x128xf32, #tpu.memory_space<hbm>>
      %dma_start3A_316 = arith.constant 0 : i32
      %dma_start3A_317 = arith.constant 0 : i32
      %dma_start3A_318 = tpu.memref_slice %arg6[%dma_start3A_304, %dma_start3A_316, %dma_start3A_317] : memref<5x80x128xf32, #tpu.memory_space<vmem>> -> memref<1x80x128xf32, #tpu.memory_space<vmem>>
      %dma_start3A_319 = tpu.memref_squeeze %dma_start3A_318 : memref<1x80x128xf32, #tpu.memory_space<vmem>> -> memref<80x128xf32, #tpu.memory_space<vmem>>
      tpu.enqueue_dma source(%dma_start3A_319 : memref<80x128xf32, #tpu.memory_space<vmem>>) target(%dma_start3A_315 : memref<80x128xf32, #tpu.memory_space<hbm>>) target_semaphore(%dma_start3A_313 : memref<!tpu.dma_semaphore, #tpu.memory_space<semaphore_mem>>)
      %mul3A_320 = arith.constant 5 : i32
      %mul3A_321 = arith.muli %scan3A_97, %mul3A_320 : i32
      %add3A_322 = arith.constant 3 : i32
      %add3A_323 = arith.addi %mul3A_321, %add3A_322 : i32
      %mul3A_324 = arith.constant 80 : i32
      %mul3A_325 = arith.muli %add3A_323, %mul3A_324 : i32
      %dma_wait3A_326 = arith.constant 3 : i32
      %dma_wait3A_327 = arith.constant 3 : i32
      %dma_wait3A_328 = arith.constant 0 : i32
      %dma_wait3A_329 = arith.constant 0 : i32
      %dma_wait3A_330 = tpu.memref_slice %arg6[%dma_wait3A_326, %dma_wait3A_328, %dma_wait3A_329] : memref<5x80x128xf32, #tpu.memory_space<vmem>> -> memref<1x80x128xf32, #tpu.memory_space<vmem>>
      %dma_wait3A_331 = tpu.memref_squeeze %dma_wait3A_330 : memref<1x80x128xf32, #tpu.memory_space<vmem>> -> memref<80x128xf32, #tpu.memory_space<vmem>>
      %dma_wait3A_332 = tpu.memref_slice %arg5[%mul3A_325] : memref<10000xi32, #tpu.memory_space<vmem>> -> memref<80xi32, #tpu.memory_space<vmem>>
      %dma_wait3A_333 = arith.constant 0 : i32
      %dma_wait3A_334 = arith.constant 0 : i32
      %dma_wait3A_335 = tpu.memref_slice %arg2[%dma_wait3A_333, %dma_wait3A_334] : memref<10000x128xf32, #tpu.memory_space<hbm>> -> memref<10000x128xf32, #tpu.memory_space<hbm>>
      %dma_wait3A_336 = tpu.memref_slice %arg7[%dma_wait3A_327] : memref<5x!tpu.dma_semaphore, #tpu.memory_space<semaphore_mem>> -> memref<1x!tpu.dma_semaphore, #tpu.memory_space<semaphore_mem>>
      %dma_wait3A_337 = tpu.memref_squeeze %dma_wait3A_336 : memref<1x!tpu.dma_semaphore, #tpu.memory_space<semaphore_mem>> -> memref<!tpu.dma_semaphore, #tpu.memory_space<semaphore_mem>>
      tpu.wait_indirect_dma semaphore(%dma_wait3A_337 : memref<!tpu.dma_semaphore, #tpu.memory_space<semaphore_mem>>) src(%dma_wait3A_335 : memref<10000x128xf32, #tpu.memory_space<hbm>>) dst(%dma_wait3A_331 : memref<80x128xf32, #tpu.memory_space<vmem>>)
      %mul3A_338 = arith.constant 80 : i32
      %mul3A_339 = arith.muli %add3A_323, %mul3A_338 : i32
      %add3A_340 = arith.addi %mul3A_2, %mul3A_339 : i32
      %dma_start3A_341 = arith.constant 3 : i32
      %dma_start3A_342 = arith.constant 3 : i32
      %dma_start3A_343 = arith.constant 0 : i32
      %dma_start3A_344 = arith.constant 0 : i32
      %dma_start3A_345 = tpu.memref_slice %arg6[%dma_start3A_341, %dma_start3A_343, %dma_start3A_344] : memref<5x80x128xf32, #tpu.memory_space<vmem>> -> memref<1x80x128xf32, #tpu.memory_space<vmem>>
      %dma_start3A_346 = tpu.memref_squeeze %dma_start3A_345 : memref<1x80x128xf32, #tpu.memory_space<vmem>> -> memref<80x128xf32, #tpu.memory_space<vmem>>
      %dma_start3A_347 = arith.constant 0 : i32
      %dma_start3A_348 = tpu.memref_slice %arg4[%add3A_340, %dma_start3A_347] : memref<320000x128xf32, #tpu.memory_space<hbm>> -> memref<80x128xf32, #tpu.memory_space<hbm>>
      %dma_start3A_349 = tpu.memref_slice %arg8[%dma_start3A_342] : memref<5x!tpu.dma_semaphore, #tpu.memory_space<semaphore_mem>> -> memref<1x!tpu.dma_semaphore, #tpu.memory_space<semaphore_mem>>
      %dma_start3A_350 = tpu.memref_squeeze %dma_start3A_349 : memref<1x!tpu.dma_semaphore, #tpu.memory_space<semaphore_mem>> -> memref<!tpu.dma_semaphore, #tpu.memory_space<semaphore_mem>>
      %dma_start3A_351 = arith.constant 0 : i32
      %dma_start3A_352 = tpu.memref_slice %arg4[%add3A_340, %dma_start3A_351] : memref<320000x128xf32, #tpu.memory_space<hbm>> -> memref<80x128xf32, #tpu.memory_space<hbm>>
      %dma_start3A_353 = arith.constant 0 : i32
      %dma_start3A_354 = arith.constant 0 : i32
      %dma_start3A_355 = tpu.memref_slice %arg6[%dma_start3A_341, %dma_start3A_353, %dma_start3A_354] : memref<5x80x128xf32, #tpu.memory_space<vmem>> -> memref<1x80x128xf32, #tpu.memory_space<vmem>>
      %dma_start3A_356 = tpu.memref_squeeze %dma_start3A_355 : memref<1x80x128xf32, #tpu.memory_space<vmem>> -> memref<80x128xf32, #tpu.memory_space<vmem>>
      tpu.enqueue_dma source(%dma_start3A_356 : memref<80x128xf32, #tpu.memory_space<vmem>>) target(%dma_start3A_352 : memref<80x128xf32, #tpu.memory_space<hbm>>) target_semaphore(%dma_start3A_350 : memref<!tpu.dma_semaphore, #tpu.memory_space<semaphore_mem>>)
      %mul3A_357 = arith.constant 5 : i32
      %mul3A_358 = arith.muli %scan3A_97, %mul3A_357 : i32
      %add3A_359 = arith.constant 4 : i32
      %add3A_360 = arith.addi %mul3A_358, %add3A_359 : i32
      %mul3A_361 = arith.constant 80 : i32
      %mul3A_362 = arith.muli %add3A_360, %mul3A_361 : i32
      %dma_wait3A_363 = arith.constant 4 : i32
      %dma_wait3A_364 = arith.constant 4 : i32
      %dma_wait3A_365 = arith.constant 0 : i32
      %dma_wait3A_366 = arith.constant 0 : i32
      %dma_wait3A_367 = tpu.memref_slice %arg6[%dma_wait3A_363, %dma_wait3A_365, %dma_wait3A_366] : memref<5x80x128xf32, #tpu.memory_space<vmem>> -> memref<1x80x128xf32, #tpu.memory_space<vmem>>
      %dma_wait3A_368 = tpu.memref_squeeze %dma_wait3A_367 : memref<1x80x128xf32, #tpu.memory_space<vmem>> -> memref<80x128xf32, #tpu.memory_space<vmem>>
      %dma_wait3A_369 = tpu.memref_slice %arg5[%mul3A_362] : memref<10000xi32, #tpu.memory_space<vmem>> -> memref<80xi32, #tpu.memory_space<vmem>>
      %dma_wait3A_370 = arith.constant 0 : i32
      %dma_wait3A_371 = arith.constant 0 : i32
      %dma_wait3A_372 = tpu.memref_slice %arg2[%dma_wait3A_370, %dma_wait3A_371] : memref<10000x128xf32, #tpu.memory_space<hbm>> -> memref<10000x128xf32, #tpu.memory_space<hbm>>
      %dma_wait3A_373 = tpu.memref_slice %arg7[%dma_wait3A_364] : memref<5x!tpu.dma_semaphore, #tpu.memory_space<semaphore_mem>> -> memref<1x!tpu.dma_semaphore, #tpu.memory_space<semaphore_mem>>
      %dma_wait3A_374 = tpu.memref_squeeze %dma_wait3A_373 : memref<1x!tpu.dma_semaphore, #tpu.memory_space<semaphore_mem>> -> memref<!tpu.dma_semaphore, #tpu.memory_space<semaphore_mem>>
      tpu.wait_indirect_dma semaphore(%dma_wait3A_374 : memref<!tpu.dma_semaphore, #tpu.memory_space<semaphore_mem>>) src(%dma_wait3A_372 : memref<10000x128xf32, #tpu.memory_space<hbm>>) dst(%dma_wait3A_368 : memref<80x128xf32, #tpu.memory_space<vmem>>)
      %mul3A_375 = arith.constant 80 : i32
      %mul3A_376 = arith.muli %add3A_360, %mul3A_375 : i32
      %add3A_377 = arith.addi %mul3A_2, %mul3A_376 : i32
      %dma_start3A_378 = arith.constant 4 : i32
      %dma_start3A_379 = arith.constant 4 : i32
      %dma_start3A_380 = arith.constant 0 : i32
      %dma_start3A_381 = arith.constant 0 : i32
      %dma_start3A_382 = tpu.memref_slice %arg6[%dma_start3A_378, %dma_start3A_380, %dma_start3A_381] : memref<5x80x128xf32, #tpu.memory_space<vmem>> -> memref<1x80x128xf32, #tpu.memory_space<vmem>>
      %dma_start3A_383 = tpu.memref_squeeze %dma_start3A_382 : memref<1x80x128xf32, #tpu.memory_space<vmem>> -> memref<80x128xf32, #tpu.memory_space<vmem>>
      %dma_start3A_384 = arith.constant 0 : i32
      %dma_start3A_385 = tpu.memref_slice %arg4[%add3A_377, %dma_start3A_384] : memref<320000x128xf32, #tpu.memory_space<hbm>> -> memref<80x128xf32, #tpu.memory_space<hbm>>
      %dma_start3A_386 = tpu.memref_slice %arg8[%dma_start3A_379] : memref<5x!tpu.dma_semaphore, #tpu.memory_space<semaphore_mem>> -> memref<1x!tpu.dma_semaphore, #tpu.memory_space<semaphore_mem>>
      %dma_start3A_387 = tpu.memref_squeeze %dma_start3A_386 : memref<1x!tpu.dma_semaphore, #tpu.memory_space<semaphore_mem>> -> memref<!tpu.dma_semaphore, #tpu.memory_space<semaphore_mem>>
      %dma_start3A_388 = arith.constant 0 : i32
      %dma_start3A_389 = tpu.memref_slice %arg4[%add3A_377, %dma_start3A_388] : memref<320000x128xf32, #tpu.memory_space<hbm>> -> memref<80x128xf32, #tpu.memory_space<hbm>>
      %dma_start3A_390 = arith.constant 0 : i32
      %dma_start3A_391 = arith.constant 0 : i32
      %dma_start3A_392 = tpu.memref_slice %arg6[%dma_start3A_378, %dma_start3A_390, %dma_start3A_391] : memref<5x80x128xf32, #tpu.memory_space<vmem>> -> memref<1x80x128xf32, #tpu.memory_space<vmem>>
      %dma_start3A_393 = tpu.memref_squeeze %dma_start3A_392 : memref<1x80x128xf32, #tpu.memory_space<vmem>> -> memref<80x128xf32, #tpu.memory_space<vmem>>
      tpu.enqueue_dma source(%dma_start3A_393 : memref<80x128xf32, #tpu.memory_space<vmem>>) target(%dma_start3A_389 : memref<80x128xf32, #tpu.memory_space<hbm>>) target_semaphore(%dma_start3A_387 : memref<!tpu.dma_semaphore, #tpu.memory_space<semaphore_mem>>)
    }
    %scan3A_7 = arith.constant 25 : i32
    %add3A_8 = arith.constant 9600 : i32
    %add3A_9 = arith.addi %mul3A_2, %add3A_8 : i32
    %dma_wait3A = arith.constant 0 : i32
    %dma_wait3A_10 = arith.constant 0 : i32
    %dma_wait3A_11 = arith.constant 0 : i32
    %dma_wait3A_12 = arith.constant 0 : i32
    %dma_wait3A_13 = tpu.memref_slice %arg6[%dma_wait3A, %dma_wait3A_11, %dma_wait3A_12] : memref<5x80x128xf32, #tpu.memory_space<vmem>> -> memref<1x80x128xf32, #tpu.memory_space<vmem>>
    %dma_wait3A_14 = tpu.memref_squeeze %dma_wait3A_13 : memref<1x80x128xf32, #tpu.memory_space<vmem>> -> memref<80x128xf32, #tpu.memory_space<vmem>>
    %dma_wait3A_15 = arith.constant 0 : i32
    %dma_wait3A_16 = tpu.memref_slice %arg4[%add3A_9, %dma_wait3A_15] : memref<320000x128xf32, #tpu.memory_space<hbm>> -> memref<80x128xf32, #tpu.memory_space<hbm>>
    %dma_wait3A_17 = tpu.memref_slice %arg8[%dma_wait3A_10] : memref<5x!tpu.dma_semaphore, #tpu.memory_space<semaphore_mem>> -> memref<1x!tpu.dma_semaphore, #tpu.memory_space<semaphore_mem>>
    %dma_wait3A_18 = tpu.memref_squeeze %dma_wait3A_17 : memref<1x!tpu.dma_semaphore, #tpu.memory_space<semaphore_mem>> -> memref<!tpu.dma_semaphore, #tpu.memory_space<semaphore_mem>>
    %dma_wait3A_19 = arith.constant 0 : i32
    %dma_wait3A_20 = tpu.memref_slice %arg4[%add3A_9, %dma_wait3A_19] : memref<320000x128xf32, #tpu.memory_space<hbm>> -> memref<80x128xf32, #tpu.memory_space<hbm>>
    %dma_wait3A_21 = arith.constant 0 : i32
    %dma_wait3A_22 = arith.constant 0 : i32
    %dma_wait3A_23 = tpu.memref_slice %arg6[%dma_wait3A, %dma_wait3A_21, %dma_wait3A_22] : memref<5x80x128xf32, #tpu.memory_space<vmem>> -> memref<1x80x128xf32, #tpu.memory_space<vmem>>
    %dma_wait3A_24 = tpu.memref_squeeze %dma_wait3A_23 : memref<1x80x128xf32, #tpu.memory_space<vmem>> -> memref<80x128xf32, #tpu.memory_space<vmem>>
    tpu.wait_dma2 semaphore(%dma_wait3A_18 : memref<!tpu.dma_semaphore, #tpu.memory_space<semaphore_mem>>) src(%dma_wait3A_24 : memref<80x128xf32, #tpu.memory_space<vmem>>) dst(%dma_wait3A_20 : memref<80x128xf32, #tpu.memory_space<hbm>>)
    %add3A_25 = arith.constant 9680 : i32
    %add3A_26 = arith.addi %mul3A_2, %add3A_25 : i32
    %dma_wait3A_27 = arith.constant 1 : i32
    %dma_wait3A_28 = arith.constant 1 : i32
    %dma_wait3A_29 = arith.constant 0 : i32
    %dma_wait3A_30 = arith.constant 0 : i32
    %dma_wait3A_31 = tpu.memref_slice %arg6[%dma_wait3A_27, %dma_wait3A_29, %dma_wait3A_30] : memref<5x80x128xf32, #tpu.memory_space<vmem>> -> memref<1x80x128xf32, #tpu.memory_space<vmem>>
    %dma_wait3A_32 = tpu.memref_squeeze %dma_wait3A_31 : memref<1x80x128xf32, #tpu.memory_space<vmem>> -> memref<80x128xf32, #tpu.memory_space<vmem>>
    %dma_wait3A_33 = arith.constant 0 : i32
    %dma_wait3A_34 = tpu.memref_slice %arg4[%add3A_26, %dma_wait3A_33] : memref<320000x128xf32, #tpu.memory_space<hbm>> -> memref<80x128xf32, #tpu.memory_space<hbm>>
    %dma_wait3A_35 = tpu.memref_slice %arg8[%dma_wait3A_28] : memref<5x!tpu.dma_semaphore, #tpu.memory_space<semaphore_mem>> -> memref<1x!tpu.dma_semaphore, #tpu.memory_space<semaphore_mem>>
    %dma_wait3A_36 = tpu.memref_squeeze %dma_wait3A_35 : memref<1x!tpu.dma_semaphore, #tpu.memory_space<semaphore_mem>> -> memref<!tpu.dma_semaphore, #tpu.memory_space<semaphore_mem>>
    %dma_wait3A_37 = arith.constant 0 : i32
    %dma_wait3A_38 = tpu.memref_slice %arg4[%add3A_26, %dma_wait3A_37] : memref<320000x128xf32, #tpu.memory_space<hbm>> -> memref<80x128xf32, #tpu.memory_space<hbm>>
    %dma_wait3A_39 = arith.constant 0 : i32
    %dma_wait3A_40 = arith.constant 0 : i32
    %dma_wait3A_41 = tpu.memref_slice %arg6[%dma_wait3A_27, %dma_wait3A_39, %dma_wait3A_40] : memref<5x80x128xf32, #tpu.memory_space<vmem>> -> memref<1x80x128xf32, #tpu.memory_space<vmem>>
    %dma_wait3A_42 = tpu.memref_squeeze %dma_wait3A_41 : memref<1x80x128xf32, #tpu.memory_space<vmem>> -> memref<80x128xf32, #tpu.memory_space<vmem>>
    tpu.wait_dma2 semaphore(%dma_wait3A_36 : memref<!tpu.dma_semaphore, #tpu.memory_space<semaphore_mem>>) src(%dma_wait3A_42 : memref<80x128xf32, #tpu.memory_space<vmem>>) dst(%dma_wait3A_38 : memref<80x128xf32, #tpu.memory_space<hbm>>)
    %add3A_43 = arith.constant 9760 : i32
    %add3A_44 = arith.addi %mul3A_2, %add3A_43 : i32
    %dma_wait3A_45 = arith.constant 2 : i32
    %dma_wait3A_46 = arith.constant 2 : i32
    %dma_wait3A_47 = arith.constant 0 : i32
    %dma_wait3A_48 = arith.constant 0 : i32
    %dma_wait3A_49 = tpu.memref_slice %arg6[%dma_wait3A_45, %dma_wait3A_47, %dma_wait3A_48] : memref<5x80x128xf32, #tpu.memory_space<vmem>> -> memref<1x80x128xf32, #tpu.memory_space<vmem>>
    %dma_wait3A_50 = tpu.memref_squeeze %dma_wait3A_49 : memref<1x80x128xf32, #tpu.memory_space<vmem>> -> memref<80x128xf32, #tpu.memory_space<vmem>>
    %dma_wait3A_51 = arith.constant 0 : i32
    %dma_wait3A_52 = tpu.memref_slice %arg4[%add3A_44, %dma_wait3A_51] : memref<320000x128xf32, #tpu.memory_space<hbm>> -> memref<80x128xf32, #tpu.memory_space<hbm>>
    %dma_wait3A_53 = tpu.memref_slice %arg8[%dma_wait3A_46] : memref<5x!tpu.dma_semaphore, #tpu.memory_space<semaphore_mem>> -> memref<1x!tpu.dma_semaphore, #tpu.memory_space<semaphore_mem>>
    %dma_wait3A_54 = tpu.memref_squeeze %dma_wait3A_53 : memref<1x!tpu.dma_semaphore, #tpu.memory_space<semaphore_mem>> -> memref<!tpu.dma_semaphore, #tpu.memory_space<semaphore_mem>>
    %dma_wait3A_55 = arith.constant 0 : i32
    %dma_wait3A_56 = tpu.memref_slice %arg4[%add3A_44, %dma_wait3A_55] : memref<320000x128xf32, #tpu.memory_space<hbm>> -> memref<80x128xf32, #tpu.memory_space<hbm>>
    %dma_wait3A_57 = arith.constant 0 : i32
    %dma_wait3A_58 = arith.constant 0 : i32
    %dma_wait3A_59 = tpu.memref_slice %arg6[%dma_wait3A_45, %dma_wait3A_57, %dma_wait3A_58] : memref<5x80x128xf32, #tpu.memory_space<vmem>> -> memref<1x80x128xf32, #tpu.memory_space<vmem>>
    %dma_wait3A_60 = tpu.memref_squeeze %dma_wait3A_59 : memref<1x80x128xf32, #tpu.memory_space<vmem>> -> memref<80x128xf32, #tpu.memory_space<vmem>>
    tpu.wait_dma2 semaphore(%dma_wait3A_54 : memref<!tpu.dma_semaphore, #tpu.memory_space<semaphore_mem>>) src(%dma_wait3A_60 : memref<80x128xf32, #tpu.memory_space<vmem>>) dst(%dma_wait3A_56 : memref<80x128xf32, #tpu.memory_space<hbm>>)
    %add3A_61 = arith.constant 9840 : i32
    %add3A_62 = arith.addi %mul3A_2, %add3A_61 : i32
    %dma_wait3A_63 = arith.constant 3 : i32
    %dma_wait3A_64 = arith.constant 3 : i32
    %dma_wait3A_65 = arith.constant 0 : i32
    %dma_wait3A_66 = arith.constant 0 : i32
    %dma_wait3A_67 = tpu.memref_slice %arg6[%dma_wait3A_63, %dma_wait3A_65, %dma_wait3A_66] : memref<5x80x128xf32, #tpu.memory_space<vmem>> -> memref<1x80x128xf32, #tpu.memory_space<vmem>>
    %dma_wait3A_68 = tpu.memref_squeeze %dma_wait3A_67 : memref<1x80x128xf32, #tpu.memory_space<vmem>> -> memref<80x128xf32, #tpu.memory_space<vmem>>
    %dma_wait3A_69 = arith.constant 0 : i32
    %dma_wait3A_70 = tpu.memref_slice %arg4[%add3A_62, %dma_wait3A_69] : memref<320000x128xf32, #tpu.memory_space<hbm>> -> memref<80x128xf32, #tpu.memory_space<hbm>>
    %dma_wait3A_71 = tpu.memref_slice %arg8[%dma_wait3A_64] : memref<5x!tpu.dma_semaphore, #tpu.memory_space<semaphore_mem>> -> memref<1x!tpu.dma_semaphore, #tpu.memory_space<semaphore_mem>>
    %dma_wait3A_72 = tpu.memref_squeeze %dma_wait3A_71 : memref<1x!tpu.dma_semaphore, #tpu.memory_space<semaphore_mem>> -> memref<!tpu.dma_semaphore, #tpu.memory_space<semaphore_mem>>
    %dma_wait3A_73 = arith.constant 0 : i32
    %dma_wait3A_74 = tpu.memref_slice %arg4[%add3A_62, %dma_wait3A_73] : memref<320000x128xf32, #tpu.memory_space<hbm>> -> memref<80x128xf32, #tpu.memory_space<hbm>>
    %dma_wait3A_75 = arith.constant 0 : i32
    %dma_wait3A_76 = arith.constant 0 : i32
    %dma_wait3A_77 = tpu.memref_slice %arg6[%dma_wait3A_63, %dma_wait3A_75, %dma_wait3A_76] : memref<5x80x128xf32, #tpu.memory_space<vmem>> -> memref<1x80x128xf32, #tpu.memory_space<vmem>>
    %dma_wait3A_78 = tpu.memref_squeeze %dma_wait3A_77 : memref<1x80x128xf32, #tpu.memory_space<vmem>> -> memref<80x128xf32, #tpu.memory_space<vmem>>
    tpu.wait_dma2 semaphore(%dma_wait3A_72 : memref<!tpu.dma_semaphore, #tpu.memory_space<semaphore_mem>>) src(%dma_wait3A_78 : memref<80x128xf32, #tpu.memory_space<vmem>>) dst(%dma_wait3A_74 : memref<80x128xf32, #tpu.memory_space<hbm>>)
    %add3A_79 = arith.constant 9920 : i32
    %add3A_80 = arith.addi %mul3A_2, %add3A_79 : i32
    %dma_wait3A_81 = arith.constant 4 : i32
    %dma_wait3A_82 = arith.constant 4 : i32
    %dma_wait3A_83 = arith.constant 0 : i32
    %dma_wait3A_84 = arith.constant 0 : i32
    %dma_wait3A_85 = tpu.memref_slice %arg6[%dma_wait3A_81, %dma_wait3A_83, %dma_wait3A_84] : memref<5x80x128xf32, #tpu.memory_space<vmem>> -> memref<1x80x128xf32, #tpu.memory_space<vmem>>
    %dma_wait3A_86 = tpu.memref_squeeze %dma_wait3A_85 : memref<1x80x128xf32, #tpu.memory_space<vmem>> -> memref<80x128xf32, #tpu.memory_space<vmem>>
    %dma_wait3A_87 = arith.constant 0 : i32
    %dma_wait3A_88 = tpu.memref_slice %arg4[%add3A_80, %dma_wait3A_87] : memref<320000x128xf32, #tpu.memory_space<hbm>> -> memref<80x128xf32, #tpu.memory_space<hbm>>
    %dma_wait3A_89 = tpu.memref_slice %arg8[%dma_wait3A_82] : memref<5x!tpu.dma_semaphore, #tpu.memory_space<semaphore_mem>> -> memref<1x!tpu.dma_semaphore, #tpu.memory_space<semaphore_mem>>
    %dma_wait3A_90 = tpu.memref_squeeze %dma_wait3A_89 : memref<1x!tpu.dma_semaphore, #tpu.memory_space<semaphore_mem>> -> memref<!tpu.dma_semaphore, #tpu.memory_space<semaphore_mem>>
    %dma_wait3A_91 = arith.constant 0 : i32
    %dma_wait3A_92 = tpu.memref_slice %arg4[%add3A_80, %dma_wait3A_91] : memref<320000x128xf32, #tpu.memory_space<hbm>> -> memref<80x128xf32, #tpu.memory_space<hbm>>
    %dma_wait3A_93 = arith.constant 0 : i32
    %dma_wait3A_94 = arith.constant 0 : i32
    %dma_wait3A_95 = tpu.memref_slice %arg6[%dma_wait3A_81, %dma_wait3A_93, %dma_wait3A_94] : memref<5x80x128xf32, #tpu.memory_space<vmem>> -> memref<1x80x128xf32, #tpu.memory_space<vmem>>
    %dma_wait3A_96 = tpu.memref_squeeze %dma_wait3A_95 : memref<1x80x128xf32, #tpu.memory_space<vmem>> -> memref<80x128xf32, #tpu.memory_space<vmem>>
    tpu.wait_dma2 semaphore(%dma_wait3A_90 : memref<!tpu.dma_semaphore, #tpu.memory_space<semaphore_mem>>) src(%dma_wait3A_96 : memref<80x128xf32, #tpu.memory_space<vmem>>) dst(%dma_wait3A_92 : memref<80x128xf32, #tpu.memory_space<hbm>>)
    return
  }
}

module attributes {stable_mosaic.version = 14 : i64} {
  func.func @_msg_body(%arg0: i32, %arg1: memref<2000x128xf32, #tpu.memory_space<vmem>>, %arg2: memref<2000x128xf32, #tpu.memory_space<vmem>>, %arg3: memref<128x128xf32, #tpu.memory_space<vmem>>, %arg4: memref<2000x128xf32, #tpu.memory_space<vmem>>) attributes {dimension_semantics = [#tpu.dimension_semantics<arbitrary>], iteration_bounds = array<i64: 160>, scalar_prefetch = 0 : i64, scratch_operands = 0 : i64, tpu.core_type = #tpu.core_type<tc>, window_params = [{transform_indices = @transform_0, window_bounds = array<i64: 2000, 128>}, {transform_indices = @transform_1, window_bounds = array<i64: 2000, 128>}, {pipeline_mode = #tpu.pipeline_mode<synchronous>, transform_indices = @transform_2, window_bounds = array<i64: 128, 128>}, {transform_indices = @transform_3, window_bounds = array<i64: 2000, 128>}]} {
    %get3A = arith.constant 0 : index
    %get3A_0 = arith.constant 0 : index
    %get3A_1 = vector.load %arg1[%get3A, %get3A_0] : memref<2000x128xf32, #tpu.memory_space<vmem>>, vector<2000x128xf32>
    %get3A_2 = arith.constant 0 : index
    %get3A_3 = arith.constant 0 : index
    %get3A_4 = vector.load %arg3[%get3A_2, %get3A_3] : memref<128x128xf32, #tpu.memory_space<vmem>>, vector<128x128xf32>
    %dot_general3A = arith.constant dense<0.000000e+00> : vector<2000x128xf32>
    %dot_general3A_5 = tpu.matmul %get3A_1, %get3A_4, %dot_general3A {dimension_numbers = #tpu.dot_dimension_numbers<[1], [0], [0], [1], [0, 0, 1, 1], [], []>, transpose_lhs_hint = false} : vector<2000x128xf32>, vector<128x128xf32>, vector<2000x128xf32> -> vector<2000x128xf32>
    %get3A_6 = arith.constant 0 : index
    %get3A_7 = arith.constant 0 : index
    %get3A_8 = vector.load %arg2[%get3A_6, %get3A_7] : memref<2000x128xf32, #tpu.memory_space<vmem>>, vector<2000x128xf32>
    %mul3A = arith.mulf %dot_general3A_5, %get3A_8 : vector<2000x128xf32>
    %swap3A = arith.constant 0 : index
    %swap3A_9 = arith.constant 0 : index
    %swap3A_10 = vector.load %arg4[%swap3A, %swap3A_9] : memref<2000x128xf32, #tpu.memory_space<vmem>>, vector<2000x128xf32>
    tpu.vector_store %arg4[%swap3A, %swap3A_9], %mul3A {strides = array<i32>} : memref<2000x128xf32, #tpu.memory_space<vmem>>, vector<2000x128xf32>,
    return
  }
  func.func @transform_0(%arg0: i32) -> (i32, i32) {
    %c0_i32 = arith.constant 0 : i32
    %c0_i32_0 = arith.constant 0 : i32
    return %arg0, %c0_i32 : i32, i32
  }
  func.func @transform_1(%arg0: i32) -> (i32, i32) {
    %c0_i32 = arith.constant 0 : i32
    %c0_i32_0 = arith.constant 0 : i32
    return %arg0, %c0_i32 : i32, i32
  }
  func.func @transform_2(%arg0: i32) -> (i32, i32) {
    %c0_i32 = arith.constant 0 : i32
    %c0_i32_0 = arith.constant 0 : i32
    %c0_i32_1 = arith.constant 0 : i32
    return %c0_i32, %c0_i32_0 : i32, i32
  }
  func.func @transform_3(%arg0: i32) -> (i32, i32) {
    %c0_i32 = arith.constant 0 : i32
    %c0_i32_0 = arith.constant 0 : i32
    return %arg0, %c0_i32 : i32, i32
  }
}

module attributes {stable_mosaic.version = 14 : i64} {
  func.func @_combine_body(%arg0: i32, %arg1: memref<2x1024x128xf32, #tpu.memory_space<vmem>>, %arg2: memref<2x1024x128xf32, #tpu.memory_space<vmem>>, %arg3: memref<1024x128xf32, #tpu.memory_space<vmem>>, %arg4: memref<128x128xf32, #tpu.memory_space<vmem>>, %arg5: memref<1x128xf32, #tpu.memory_space<vmem>>, %arg6: memref<1024x128xf32, #tpu.memory_space<vmem>>) attributes {dimension_semantics = [#tpu.dimension_semantics<arbitrary>], iteration_bounds = array<i64: 10>, scalar_prefetch = 0 : i64, scratch_operands = 0 : i64, tpu.core_type = #tpu.core_type<tc>, window_params = [{transform_indices = @transform_0, window_bounds = array<i64: 2, 1024, 128>}, {transform_indices = @transform_1, window_bounds = array<i64: 2, 1024, 128>}, {transform_indices = @transform_2, window_bounds = array<i64: 1024, 128>}, {pipeline_mode = #tpu.pipeline_mode<synchronous>, transform_indices = @transform_3, window_bounds = array<i64: 128, 128>}, {pipeline_mode = #tpu.pipeline_mode<synchronous>, transform_indices = @transform_4, window_bounds = array<i64: 1, 128>}, {transform_indices = @transform_5, window_bounds = array<i64: 1024, 128>}]} {
    %get3A = arith.constant 0 : index
    %get3A_0 = arith.constant 0 : index
    %get3A_1 = arith.constant 0 : index
    %get3A_2 = vector.load %arg1[%get3A, %get3A_0, %get3A_1] : memref<2x1024x128xf32, #tpu.memory_space<vmem>>, vector<1x1024x128xf32>
    %get3A_3 = vector.shape_cast %get3A_2 : vector<1x1024x128xf32> to vector<1024x128xf32>
    %get3A_4 = arith.constant 1 : index
    %get3A_5 = arith.constant 0 : index
    %get3A_6 = arith.constant 0 : index
    %get3A_7 = vector.load %arg1[%get3A_4, %get3A_5, %get3A_6] : memref<2x1024x128xf32, #tpu.memory_space<vmem>>, vector<1x1024x128xf32>
    %get3A_8 = vector.shape_cast %get3A_7 : vector<1x1024x128xf32> to vector<1024x128xf32>
    %add3A = arith.addf %get3A_3, %get3A_8 : vector<1024x128xf32>
    %get3A_9 = arith.constant 0 : index
    %get3A_10 = arith.constant 0 : index
    %get3A_11 = arith.constant 0 : index
    %get3A_12 = vector.load %arg2[%get3A_9, %get3A_10, %get3A_11] : memref<2x1024x128xf32, #tpu.memory_space<vmem>>, vector<1x1024x128xf32>
    %get3A_13 = vector.shape_cast %get3A_12 : vector<1x1024x128xf32> to vector<1024x128xf32>
    %slice3A = vector.extract_strided_slice %get3A_13 {offsets = [0, 0], sizes = [1024, 1], strides = [1, 1]} : vector<1024x128xf32> to vector<1024x1xf32>
    %get3A_14 = arith.constant 1 : index
    %get3A_15 = arith.constant 0 : index
    %get3A_16 = arith.constant 0 : index
    %get3A_17 = vector.load %arg2[%get3A_14, %get3A_15, %get3A_16] : memref<2x1024x128xf32, #tpu.memory_space<vmem>>, vector<1x1024x128xf32>
    %get3A_18 = vector.shape_cast %get3A_17 : vector<1x1024x128xf32> to vector<1024x128xf32>
    %slice3A_19 = vector.extract_strided_slice %get3A_18 {offsets = [0, 0], sizes = [1024, 1], strides = [1, 1]} : vector<1024x128xf32> to vector<1024x1xf32>
    %add3A_20 = arith.addf %slice3A, %slice3A_19 : vector<1024x1xf32>
    %get3A_21 = arith.constant 0 : index
    %get3A_22 = arith.constant 0 : index
    %get3A_23 = vector.load %arg3[%get3A_21, %get3A_22] : memref<1024x128xf32, #tpu.memory_space<vmem>>, vector<1024x128xf32>
    %get3A_24 = arith.constant 0 : index
    %get3A_25 = arith.constant 0 : index
    %get3A_26 = vector.load %arg4[%get3A_24, %get3A_25] : memref<128x128xf32, #tpu.memory_space<vmem>>, vector<128x128xf32>
    %dot_general3A = arith.constant dense<0.000000e+00> : vector<1024x128xf32>
    %dot_general3A_27 = tpu.matmul %get3A_23, %get3A_26, %dot_general3A {dimension_numbers = #tpu.dot_dimension_numbers<[1], [0], [0], [1], [0, 0, 1, 1], [], []>, transpose_lhs_hint = false} : vector<1024x128xf32>, vector<128x128xf32>, vector<1024x128xf32> -> vector<1024x128xf32>
    %max3A = arith.constant 1.000000e+00 : f32
    %max3A_28 = vector.broadcast %max3A : f32 to vector<1024x1xf32>
    %max3A_29 = arith.maximumf %add3A_20, %max3A_28 : vector<1024x1xf32>
    %div3A = vector.broadcast %max3A_29 : vector<1024x1xf32> to vector<1024x128xf32>
    %div3A_30 = arith.divf %add3A, %div3A : vector<1024x128xf32>
    %add3A_31 = arith.addf %div3A_30, %dot_general3A_27 : vector<1024x128xf32>
    %get3A_32 = arith.constant 0 : index
    %get3A_33 = arith.constant 0 : index
    %get3A_34 = vector.load %arg5[%get3A_32, %get3A_33] : memref<1x128xf32, #tpu.memory_space<vmem>>, vector<1x128xf32>
    %add3A_35 = vector.broadcast %get3A_34 : vector<1x128xf32> to vector<1024x128xf32>
    %add3A_36 = arith.addf %add3A_31, %add3A_35 : vector<1024x128xf32>
    %swap3A = arith.constant 0 : index
    %swap3A_37 = arith.constant 0 : index
    %swap3A_38 = vector.load %arg6[%swap3A, %swap3A_37] : memref<1024x128xf32, #tpu.memory_space<vmem>>, vector<1024x128xf32>
    tpu.vector_store %arg6[%swap3A, %swap3A_37], %add3A_36 {strides = array<i32>} : memref<1024x128xf32, #tpu.memory_space<vmem>>, vector<1024x128xf32>,
    return
  }
  func.func @transform_0(%arg0: i32) -> (i32, i32, i32) {
    %c0_i32 = arith.constant 0 : i32
    %c0_i32_0 = arith.constant 0 : i32
    %c0_i32_1 = arith.constant 0 : i32
    return %c0_i32, %arg0, %c0_i32_0 : i32, i32, i32
  }
  func.func @transform_1(%arg0: i32) -> (i32, i32, i32) {
    %c0_i32 = arith.constant 0 : i32
    %c0_i32_0 = arith.constant 0 : i32
    %c0_i32_1 = arith.constant 0 : i32
    return %c0_i32, %arg0, %c0_i32_0 : i32, i32, i32
  }
  func.func @transform_2(%arg0: i32) -> (i32, i32) {
    %c0_i32 = arith.constant 0 : i32
    %c0_i32_0 = arith.constant 0 : i32
    return %arg0, %c0_i32 : i32, i32
  }
  func.func @transform_3(%arg0: i32) -> (i32, i32) {
    %c0_i32 = arith.constant 0 : i32
    %c0_i32_0 = arith.constant 0 : i32
    %c0_i32_1 = arith.constant 0 : i32
    return %c0_i32, %c0_i32_0 : i32, i32
  }
  func.func @transform_4(%arg0: i32) -> (i32, i32) {
    %c0_i32 = arith.constant 0 : i32
    %c0_i32_0 = arith.constant 0 : i32
    %c0_i32_1 = arith.constant 0 : i32
    return %c0_i32, %c0_i32_0 : i32, i32
  }
  func.func @transform_5(%arg0: i32) -> (i32, i32) {
    %c0_i32 = arith.constant 0 : i32
    %c0_i32_0 = arith.constant 0 : i32
    return %arg0, %c0_i32 : i32, i32
  }
}

</mosaic_0001>

<sc_bundles>
// kernel: kernel.10.cloned.1.call-start
scs
__scs_entry_jumppad:
0x0: {  	(pc) =	sbr.rel $0x88, $3  }
0x1: {  	(tag) =	ssettag $0x0;
	lr =	simm.s32 $0x1  }
0x2: {  	[smem:$0x3F9B] =	sst lr;
	_ =	strace $0xD0000000  }
0x3: {  	_ = 	snop  }
0x4: {  	_ = 	snop  }
0x5: {  	_ = 	snop  }
0x6: {  	_ = 	snop  }
0x7: {  	_ = 	snop  }
__scs_overlays_trampoline_lowered:
0x8: {  	[smem:$0x3FAA] =	sst s0  }
0x9: {  	[smem:$0x3FAB] =	sst s1  }
0xa: {  	[smem:$0x3FAC] =	sst s2  }
0xb: {  	[smem:$0x3FAD] =	sst s3  }
0xc: {  	[smem:$0x3FAE] =	sst s4  }
0xd: {  	[smem:$0x3FAF] =	sst s5  }
0xe: {  	[smem:$0x3FB0] =	sst s6  }
0xf: {  	[smem:$0x3FB1] =	sst s7  }
0x10: {  	[smem:$0x3FB2] =	sst s8  }
0x11: {  	[smem:$0x3FB3] =	sst s9;
	s0 =	simm.s32 @!p0 $0x0  }
0x12: {  	s1 =	sld [smem:$0x3F99];
	s0 =	simm.s32 @p0 $0x1  }
0x13: {  	[smem:$0x3FB4] =	sst s0;
	s0 =	simm.s32 @!p1 $0x0  }
0x14: {  	s2 =	sld [smem:$0x3F98];
	s0 =	simm.s32 @p1 $0x1  }
0x15: {  	[smem:$0x3FB5] =	sst s0;
	s0 =	simm.s32 @!p2 $0x0  }
0x16: {  	s3 =	sld [smem:$0x3FDB];
	s0 =	simm.s32 @p2 $0x1  }
0x17: {  	s4 =	simm.s32 $0x1BF5;
	[smem:$0x3FB7] =	sst s0  }
0x18: {  	s0 =	sld [smem:$0x3F9A];
	_ =	swait.ge [sflag:s4], $0x0  }
0x19: {  	s7 =	sld [smem:$0x3F9B]  }
0x1a: {  	s8 =	sadd.s32 $0xFFFFE003, lr  }
0x1b: {  	s9 =	sadd.s32 $0xFFFFFEF7, lr;
	s5 =	simm.s32 $0xFFFFFFFF;
	p2 =	slt.u32 s8, $0xFFFFF086  }
0x1c: {  	p1 =	slt.u32 s9, $0xF7A;
	s5 =	simm.s32 @!p2 $0x0  }
0x1d: {  	s5 =	simm.s32 @p1 $0x1;
	p0 =	seq.s32 s7, s2  }
0x1e: {  	s7 =	smul.u32 @!p0 $0xF7A, s2;
	p2 =	seq.s32 @!p0 s5, $0x0  }
0x1f: {  	s9 =	smul.u32 $0xF7A, s1;
	s8 =	simm.s32 @!p0 $0x1BF5;
	p2 =	por !p2, p0  }
0x20: {  	[sflag:s8] =	ssyncset.s32 @!p0 $0xFFFFF086;
	s6 =	sadd.s32 @!p0 s3, s7;
	s7 =	simm.s32 @!p0 $0x108  }
0x21: {  	s3 =	sadd.s32 s3, s9;
	s6 =	sadd.s32 @!p0 $0x88, s6;
	s7 =	simm.s32 @p2 $0x1082  }
0x22: {  	[simem:s7], [sflag:s8] =	dma.local @!p0 [hbm:s6], $0xF7A  }
0x23: {  	s9 =	sor.u32 $0xD0000000, s2;
	s6 =	simm.s32 $0x108;
	_ =	swait.ge @!p0 [sflag:s8], $0x0  }
0x24: {  	s3 =	sadd.s32 $0x88, s3;
	s6 =	simm.s32 @!p1 $0x1082;
	[sflag:s4] =	ssyncset.s32 $0xFFFFF086  }
0x25: {  	[simem:s6], [sflag:s4] =	dma.local [hbm:s3], $0xF7A  }
0x26: {  	[smem:$0x3F9B] =	sst s1;
	(tag) =	ssettag s2;
	_ =	strace s9  }
0x27: {  	s1 =	sld [smem:$0x3FAB]  }
0x28: {  	s2 =	sld [smem:$0x3FAC]  }
0x29: {  	s4 =	sld [smem:$0x3FAE]  }
0x2a: {  	p0 =	seq.s32 s5, $0x0;
	s5 =	sld [smem:$0x3FAF]  }
0x2b: {  	s6 =	sld [smem:$0x3FB0]  }
0x2c: {  	s7 =	sld [smem:$0x3FB1]  }
0x2d: {  	s3 =	simm.s32 $0x108;
	s8 =	sld [smem:$0x3FB2]  }
0x2e: {  	s3 =	simm.s32 @!p0 $0x1082;
	s9 =	sld [smem:$0x3FB3]  }
0x2f: {  	lr =	sadd.s32 s0, s3;
	s0 =	sld [smem:$0x3FAA]  }
0x30: {  	s3 =	sld [smem:$0x3FAD]  }
0x31: {  	[smem:$0x3FB6] =	sst s10  }
0x32: {  	s10 =	sld [smem:$0x3FB4];
	_ =	sdelay $0x3  }
0x33: {  	p0 =	seq.s32 s10, $0x1;
	s10 =	sld [smem:$0x3FB6];
	_ =	sdelay $0x3  }
0x34: {  	[smem:$0x3FB6] =	sst s10  }
0x35: {  	s10 =	sld [smem:$0x3FB5];
	_ =	sdelay $0x3  }
0x36: {  	p1 =	seq.s32 s10, $0x1;
	s10 =	sld [smem:$0x3FB6];
	_ =	sdelay $0x3  }
0x37: {  	[smem:$0x3FB6] =	sst s10  }
0x38: {  	s10 =	sld [smem:$0x3FB7]  }
0x39: {  	_ = 	snop;
	(pc) =	sbr.ind lr, $3  }
0x3a: {  	_ = 	snop  }
0x3b: {  	_ = 	snop  }
0x3c: {  	p2 =	seq.s32 s10, $0x1;
	s10 =	sld [smem:$0x3FB6]  }
0x3d: {  	_ =	shalt  }
0x3e: {  	_ =	shalt  }
0x3f: {  	_ =	shalt  }
0x40: {  	_ =	shalt  }
0x41: {  	_ =	shalt  }
0x42: {  	_ =	shalt  }
0x43: {  	_ =	shalt  }
0x44: {  	_ =	shalt  }
0x45: {  	_ =	shalt  }
0x46: {  	_ =	shalt  }
0x47: {  	_ =	shalt  }
0x48: {  	_ =	shalt  }
0x49: {  	_ =	shalt  }
0x4a: {  	_ =	shalt  }
0x4b: {  	_ =	shalt  }
0x4c: {  	_ =	shalt  }
0x4d: {  	_ =	shalt  }
0x4e: {  	_ =	shalt  }
0x4f: {  	_ =	shalt  }
0x50: {  	_ =	shalt  }
0x51: {  	_ =	shalt  }
0x52: {  	_ =	shalt  }
0x53: {  	_ =	shalt  }
0x54: {  	_ =	shalt  }
0x55: {  	_ =	shalt  }
0x56: {  	_ =	shalt  }
0x57: {  	_ =	shalt  }
0x58: {  	_ =	shalt  }
0x59: {  	_ =	shalt  }
0x5a: {  	_ =	shalt  }
0x5b: {  	_ =	shalt  }
0x5c: {  	_ =	shalt  }
0x5d: {  	_ =	shalt  }
0x5e: {  	_ =	shalt  }
0x5f: {  	_ =	shalt  }
0x60: {  	_ =	shalt  }
0x61: {  	_ =	shalt  }
0x62: {  	_ =	shalt  }
0x63: {  	_ =	shalt  }
0x64: {  	_ =	shalt  }
0x65: {  	_ =	shalt  }
0x66: {  	_ =	shalt  }
0x67: {  	_ =	shalt  }
0x68: {  	_ =	shalt  }
0x69: {  	_ =	shalt  }
0x6a: {  	_ =	shalt  }
0x6b: {  	_ =	shalt  }
0x6c: {  	_ =	shalt  }
0x6d: {  	_ =	shalt  }
0x6e: {  	_ =	shalt  }
0x6f: {  	_ =	shalt  }
0x70: {  	_ =	shalt  }
0x71: {  	_ =	shalt  }
0x72: {  	_ =	shalt  }
0x73: {  	_ =	shalt  }
0x74: {  	_ =	shalt  }
0x75: {  	_ =	shalt  }
0x76: {  	_ =	shalt  }
0x77: {  	_ =	shalt  }
0x78: {  	_ =	shalt  }
0x79: {  	_ =	shalt  }
0x7a: {  	_ =	shalt  }
0x7b: {  	_ =	shalt  }
0x7c: {  	_ =	shalt  }
0x7d: {  	_ =	shalt  }
0x7e: {  	_ =	shalt  }
0x7f: {  	_ =	shalt  }
0x80: {  	_ =	shalt  }
0x81: {  	_ =	shalt  }
0x82: {  	_ =	shalt  }
0x83: {  	_ =	shalt  }
0x84: {  	_ =	shalt  }
0x85: {  	_ =	shalt  }
0x86: {  	_ =	shalt  }
0x87: {  	_ =	shalt  }
.Lfunc_end0:
.L_simem_size_0:
called_computation.1_lowered:
.L_overlay_start_0:
0x88: {  	s2 =	sld [smem:$0x3FD9]  }
0x89: {  	s3 =	sld [smem:$0x3FFE];
	_ =	sdelay $0x1  }
0x8a: {  	s1 =	srdreg.scid  }
0x8b: {  	s0 =	sand.u32 $0x1, s1  }
0x8c: {  	s17 =	sshll.u32 s0, $0xA;
	s2 =	sadd.s32 s3, s2  }
0x8d: {  	s2 =	sadd.s32 s2, s17  }
0x8e: {  	[smem:$0x3FC2] =	sst s2  }
0x8f: {  	_ = 	snop  }
0x90: {  	s18 =	sld [smem:$0x3FD0];
	(tm) =	ssettm $0x1  }
0x91: {  	s19 =	sld [smem:$0x3FFB];
	_ =	sdelay $0x3  }
0x92: {  	_ =	strace s19  }
0x93: {  	s2 =	sld [smem:$0x3FFC];
	_ =	sdelay $0x3  }
0x94: {  	_ =	strace s2  }
0x95: {  	s2 =	sld [smem:$0x3FFD];
	_ =	sdelay $0x3  }
0x96: {  	_ =	strace s2  }
0x97: {  	_ =	strace $0x8FFFFFFF  }
0x98: {  	s20 =	sld [smem:$0x3FDB];
	_ =	sdelay $0x1  }
0x99: {  	s4 =	simm.s32 $_scs_section_size  }
0x9a: {  	s5 =	simm.s32 $_size__tile_overlayer_lowered;
	s6 =	simm.s32 $_tile_overlayer_lowered  }
0x9b: {  	s7 =	simm.s32 $0x1BFF;
	s21 =	sshll.u32 s6, $0x1;
	s4 =	sadd.s32 s4, s20  }
0x9c: {  	s22 =	simm.s32 $0x0;
	s5 =	sshll.u32 s5, $0x1;
	s6 =	sadd.s32 s21, s4  }
0x9d: {  	[timem:s22], [sflag:s7] =	dma.local [hbm:s6], s5  }
0x9e: {  	_ =	swait.ge [sflag:s7], s5  }
0x9f: {  	s5 =	ssub.s32 $0x0, s5;
	[sflag:s7] =	ssyncset.done $0x0  }
0xa0: {  	[sflag:s7] =	ssyncadd.s32 s5;
	_ =	sdelay $0x1  }
0xa1: {  	s23 =	simm.s32 $0x1B8B  }
0xa2: {  	_ =	swait.ge [sflag:s23], $0x1  }
0xa3: {  	[sflag:s23] =	ssyncset.done $0x0  }
0xa4: {  	[sflag:s23] =	ssyncadd.s32 $0xFFFFFFFF  }
0xa5: {  	s5 =	sld [smem:$0x0]  }
0xa6: {  	s6 =	sand.u32 $0xFFFFFFFE, s1  }
0xa7: {  	p0 =	sne.s32 s1, s6  }
0xa8: {  	s6 =	sshll.u32 @p0 s6, $0xE  }
0xa9: {  	s6 =	sadd.s32 @p0 $0x11B8D, s6;
	s7 =	sshll.u32 @p0 s5, $0x11  }
0xaa: {  	s6 =	sor.u32 @p0 s7, s6  }
0xab: {  	[sflag:s6] =	ssyncadd.remote.s32 @p0 $0x1;
	_ =	sdelay $0x1  }
0xac: {  	s6 =	simm.s32 @p0 $0x1B8D  }
0xad: {  	_ =	swait.eq @p0 [sflag:s6], $0x1  }
0xae: {  	[sflag:s6] =	ssyncadd.s32 @p0 $0xFFFFFFFF  }
0xaf: {  	s7 =	sshll.u32 @!p0 s1, $0xE  }
0xb0: {  	s7 =	sor.u32 @!p0 $0x4000, s7;
	s6 =	simm.s32 @!p0 $0x1B8D  }
0xb1: {  	s5 =	sshll.u32 @!p0 s5, $0x11;
	s7 =	sadd.s32 @!p0 $0x11B8D, s7;
	_ =	swait.eq @!p0 [sflag:s6], $0x1  }
0xb2: {  	s5 =	sor.u32 @!p0 s5, s7;
	[sflag:s6] =	ssyncadd.s32 @!p0 $0xFFFFFFFF  }
0xb3: {  	s25 =	simm.s32 $0x1B8E;
	s24 =	sld [smem:$0x3FFE];
	[sflag:s5] =	ssyncadd.remote.s32 @!p0 $0x1  }
0xb4: {  	s26 =	simm.s32 $execute0_lowered;
	[smem:$0x3FD2] =	sst s25  }
0xb5: {  	s6 =	sshll.u32 s26, $0x1;
	_ =	strace $0x8000004C;
	[dreg:$0x1] =	wrdreg $0xFFFFFFFF  }
0xb6: {  	s28 =	simm.s32 $_size_execute0_lowered;
	s4 =	sadd.s32 s4, s6;
	[dreg:$0x0] =	wrdreg $0x0  }
0xb7: {  	s6 =	sshll.u32 s28, $0x1;
	[dreg:$0x2] =	wrdreg s4  }
0xb8: {  	[dreg:$0x3] =	wrdreg s6  }
0xb9: {  	[dreg:$0x4] =	wrdreg $0xC0  }
0xba: {  	_ =	task [dreg:s22], $0x5FFFF  }
0xbb: {  	[dreg:$0x1] =	wrdreg $0xFFFFFFFF  }
0xbc: {  	[dreg:$0x0] =	wrdreg $0x60  }
0xbd: {  	[dreg:$0x2] =	wrdreg s24  }
0xbe: {  	[dreg:$0x3] =	wrdreg s18  }
0xbf: {  	[dreg:$0x4] =	wrdreg $0x68000  }
0xc0: {  	[dreg:$0x5] =	wrdreg $0xA  }
0xc1: {  	_ =	task.clear_ibuf [dreg:s22], $0x6FFFF;
	_ =	strace $0x9000004C  }
0xc2: {  	s29 =	simm.s32 $0xA;
	_ =	strace $0x8000004E  }
0xc3: {  	_ =	swait.ge [sflag:s29], $0x1  }
0xc4: {  	[sflag:s29] =	ssyncadd.s32 $0xFFFFFFFF  }
0xc5: {  	_ =	strace $0x9000004E  }
0xc6: {  	_ =	sfence  }
0xc7: {  	s30 =	sld [smem:$0x0];
	_ =	sdelay $0x2  }
0xc8: {  	s31 =	sshll.u32 s1, $0xD;
	s1 =	sshrl.u32 s1, $0x2  }
0xc9: {  	s4 =	sand.u32 $0x4000, s31;
	s1 =	sadd.s32 s1, s30  }
0xca: {  	s0 =	sor.u32 s4, s0;
	s1 =	sshll.u32 s1, $0x11  }
0xcb: {  	s0 =	sor.u32 s1, s0  }
0xcc: {  	s0 =	sadd.s32 $0x8F2B, s0  }
0xcd: {  	[sflag:s0] =	ssyncadd.remote.s32 $0x1  }
0xce: {  	_ =	sfence.sel $0xFFFF  }
0xcf: {  	[dreg:$0x0] =	wrdreg $0xFFFFFFFF;
	(pc) =	sbr.abs _section_cstart, $3  }
0xd0: {  	[dreg:$0x1] =	wrdreg $0xFFFFFFFF  }
0xd1: {  	_ =	task.clear_ibuf [dreg:s22], $0x2FFFF;
	_ =	strace $0x9FFFFFFF  }
0xd2: {  	(tm) =	ssettm $0x7FFFFFFF  }
0xd3: {  	_ =	shalt  }
tec
execute0_lowered:
.L_overlay_start_1:
0x0: {  	(tag) =	ssettag $0x1  }
0x1: {  	s0 =	rddreg [dreg:$0x0]  }
0x2: {  	s2 =	rddreg [dreg:$0x1]  }
0x3: {  	s3 =	rddreg [dreg:$0x2]  }
0x4: {  	s11 =	stileid.u32;
	s5 =	srdreg.scid;
	s4 =	simm.s32 $0x0  }
0x5: {  	s16 =	simm.s32 $0x180;
	s18 =	simm.s32 $0x4000;
	s17 =	simm.s32 $0x200  }
0x6: {  	s28 =	simm.s32 $0x3;
	s29 =	simm.s32 $0x8;
	s1 =	smul.u32 $0x4E200, s11  }
0x7: {  	s30 =	simm.s32 $0x4;
	s31 =	simm.s32 $0x9;
	s6 =	smul.u32 $0x2800, s11  }
0x8: {  	s5 =	sand.u32 $0x1, s5;
	[smem:$0x7FF] =	sst s4;
	s8 =	smul.u32 $0x50000, s11  }
0x9: {  	s22 =	sshll.u32 s11, $0x6;
	s24 =	sshll.u32 s11, $0x10;
	s7 =	smul.u32 $0x28000, s5  }
0xa: {  	_ =	strace $0x8000004D;
	s10 =	ssub.s32 $0x2, s5;
	s23 =	smul.u32 $0x27100, s5  }
0xb: {  	s5 =	sshll.u32 s5, $0xF;
	s1 =	sadd.s32 s1, s0;
	s9 =	sadd.s32 s6, s0  }
0xc: {  	s19 =	sshrl.u32 s10, $0x1;
	s8 =	sshrl.u32 s8, $0x2;
	s6 =	sadd.s32 s6, s7  }
0xd: {  	s20 =	ssub.s32 s10, s19;
	s8 =	sadd.s32 s8, s3;
	s21 =	sadd.s32 $0x4ECE00, s9  }
0xe: {  	s10 =	sor.u32 $0x1C10, s22;
	s7 =	sor.u32 s5, s24;
	s25 =	sadd.s32 s23, s1  }
0xf: {  	s19 =	simm.s32 $0x5400;
	s23 =	simm.s32 $0x6;
	s24 =	simm.s32 $0x28  }
0x10: {  	s1 =	simm.s32 $0xA;
	s9 =	simm.s32 $0x0;
	[dreg:$0x4] =	wrdreg s21  }
0x11: {  	s22 =	simm.s32 $0x5400;
	s26 =	smax.u32 s20, $0x1;
	[dreg:$0x5] =	wrdreg s10  }
0x12: {  	s0 =	sadd.s32 s6, s0;
	s6 =	sshrl.u32 s8, $0x3;
	[dreg:$0x7] =	wrdreg s26  }
0x13: {  	s8 =	simm.s32 $0x10;
	s0 =	sadd.s32 $0x1000, s0;
	[dreg:$0x9] =	wrdreg s6  }
0x14: {  	s26 =	simm.s32 $0x7;
	[dreg:$0x6] =	wrdreg s0;
	s0 =	sadd.s32 $0x565200, s25  }
0x15: {  	s25 =	simm.s32 $0x2;
	[dreg:$0x8] =	wrdreg s0;
	s0 =	simm.s32 $0x5  }
.LBB2_1:
0x16: {  	[dreg:$0xa] =	wrdreg s9  }
0x17: {  	s5 =	rddreg [dreg:$0x4];
	p0 =	por $0x1, $0x1;
	s9 =	sand.u32 $0x380, s4  }
0x18: {  	[spmem:s6], [sflag:s10] =	dma.local [hbm:s5], $0x2800  }
0x19: {  	s13 =	simm.s32 $0x100;
	s21 =	simm.s32 $0x180;
	_ =	swait.ge [sflag:s8], $0x2800  }
0x1a: {  	s6 =	sand.u32 $0xFC00, s4;
	s10 =	simm.s32 $0x80;
	[sflag:s8] =	ssyncset.done $0x0  }
0x1b: {  	s14 =	sand.u32 $0x1FC00, s13;
	s5 =	sadd.s32 s7, s6;
	[sflag:s8] =	ssyncadd.s32 $0xFFFFD800  }
0x1c: {  	s11 =	sand.u32 $0x1FC00, s10;
	s8 =	simm.s32 @!p0 $0xB;
	[bflag:$0x0] =	sbarrier.arrive $0xFFFF  }
0x1d: {  	s6 =	sand.u32 $0x380, s10;
	s5 =	sor.u32 s9, s5;
	_ =	swait.ge @!p0 [sflag:s8], $0x1400  }
0x1e: {  	s10 =	simm.s32 $0x400;
	s5 =	sshrl.u32 s5, $0x3;
	[sflag:s8] =	ssyncset.done @!p0 $0x0  }
0x1f: {  	s20 =	sadd.s32 s7, s14;
	s5 =	sadd.s32 s2, s5;
	[sflag:s8] =	ssyncadd.s32 @!p0 $0xFFFFEC00  }
0x20: {  	[tilespmem:s4], [sflag:$0x1] =	stream.linear.gather [hbm4b:s5+s4], $0x80, $0x38;
	[tilespmem:$0x1A800] =	vst v63  }
0x21: {  	s12 =	sadd.s32 s7, s11;
	s9 =	rddreg [dreg:$0x8];
	s8 =	simm.s32 @!p0 $0xC  }
0x22: {  	[tilespmem:s10], [sflag:$0x6] =	stream.linear.gather [hbm4b:s9+s4], $0x1400, $0x38;
	[tilespmem:$0x1A800] =	vst v63  }
0x23: {  	s14 =	simm.s32 $0x100;
	s5 =	sor.u32 s6, s12;
	_ =	swait.ge @!p0 [sflag:s8], $0x1400  }
0x24: {  	s11 =	simm.s32 @!p0 $0xD;
	s5 =	sshrl.u32 s5, $0x3;
	[sflag:s8] =	ssyncset.done @!p0 $0x0  }
0x25: {  	s12 =	simm.s32 $0x80;
	s5 =	sadd.s32 s2, s5;
	[sflag:s8] =	ssyncadd.s32 @!p0 $0xFFFFEC00  }
0x26: {  	[tilespmem:s12], [sflag:$0x2] =	stream.linear.gather [hbm4b:s5+s4], $0x80, $0x38;
	[tilespmem:$0x1A800] =	vst v63  }
0x27: {  	s15 =	sadd.s32 $0x280, s9;
	s6 =	sand.u32 $0x380, s13;
	s13 =	simm.s32 $0x1800  }
0x28: {  	[tilespmem:s13], [sflag:$0x7] =	stream.linear.gather [hbm4b:s15+s4], $0x1400, $0x38;
	[tilespmem:$0x1A800] =	vst v63  }
0x29: {  	s5 =	sor.u32 s6, s20;
	s20 =	sadd.s32 $0x500, s9;
	_ =	swait.ge @!p0 [sflag:s11], $0x1400  }
0x2a: {  	s5 =	sshrl.u32 s5, $0x3;
	s15 =	sand.u32 $0x1FC00, s21;
	[sflag:s11] =	ssyncset.done @!p0 $0x0  }
0x2b: {  	s5 =	sadd.s32 s2, s5;
	s6 =	sadd.s32 s7, s15;
	[sflag:s11] =	ssyncadd.s32 @!p0 $0xFFFFEC00  }
0x2c: {  	[tilespmem:s14], [sflag:$0x3] =	stream.linear.gather [hbm4b:s5+s4], $0x80, $0x38;
	[tilespmem:$0x1A800] =	vst v63  }
0x2d: {  	s15 =	simm.s32 $0x2C00;
	s11 =	simm.s32 @!p0 $0xE;
	s5 =	sand.u32 $0x380, s21  }
0x2e: {  	[tilespmem:s15], [sflag:$0x8] =	stream.linear.gather [hbm4b:s20+s4], $0x1400, $0x38;
	[tilespmem:$0x1A800] =	vst v63  }
0x2f: {  	s8 =	simm.s32 @!p0 $0xF;
	s5 =	sor.u32 s5, s6;
	_ =	swait.ge @!p0 [sflag:s11], $0x1400  }
0x30: {  	s21 =	simm.s32 $0x200;
	s5 =	sshrl.u32 s5, $0x3;
	[sflag:s11] =	ssyncset.done @!p0 $0x0  }
0x31: {  	s20 =	sand.u32 $0x1FC00, s21;
	s5 =	sadd.s32 s2, s5;
	[sflag:s11] =	ssyncadd.s32 @!p0 $0xFFFFEC00  }
0x32: {  	[tilespmem:s16], [sflag:$0x4] =	stream.linear.gather [hbm4b:s5+s4], $0x80, $0x38;
	[tilespmem:$0x1A800] =	vst v63  }
0x33: {  	s21 =	sand.u32 $0x380, s21;
	s6 =	sadd.s32 s7, s20;
	s16 =	sadd.s32 $0x780, s9  }
0x34: {  	[tilespmem:s18], [sflag:$0x9] =	stream.linear.gather [hbm4b:s16+s4], $0x1400, $0x38;
	[tilespmem:$0x1A800] =	vst v63  }
0x35: {  	s5 =	sor.u32 s21, s6;
	_ =	swait.ge @!p0 [sflag:s8], $0x1400  }
0x36: {  	s5 =	sshrl.u32 s5, $0x3;
	[sflag:s8] =	ssyncset.done @!p0 $0x0  }
0x37: {  	s5 =	sadd.s32 s2, s5;
	[sflag:s8] =	ssyncadd.s32 @!p0 $0xFFFFEC00  }
0x38: {  	[tilespmem:s17], [sflag:$0x5] =	stream.linear.gather [hbm4b:s5+s4], $0x80, $0x38;
	[tilespmem:$0x1A800] =	vst v63  }
0x39: {  	s20 =	sadd.s32 $0xA00, s9;
	s21 =	simm.s32 $0x1  }
0x3a: {  	[tilespmem:s19], [sflag:$0xA] =	stream.linear.gather [hbm4b:s20+s4], $0x1400, $0x38;
	[tilespmem:$0x1A800] =	vst v63  }
0x3b: {  	_ =	swait.ge [sflag:s21], $0x80  }
0x3c: {  	[sflag:s21] =	ssyncset.done $0x0  }
0x3d: {  	[sflag:s21] =	ssyncadd.s32 $0xFFFFFF80  }
0x3e: {  	_ =	swait.ge [sflag:s23], $0x1400  }
0x3f: {  	[sflag:s23] =	ssyncset.done $0x0  }
0x40: {  	[sflag:s23] =	ssyncadd.s32 $0xFFFFEC00  }
0x41: {  	[spmem:s3] =	stream.indirect.scatter.add.f32 [tilespmem:s10], [sflag:$0xB], $0x80, s4, s24, $0xb8;
	[tilespmem:$0x1A800] =	vst v63  }
0x42: {  	_ =	swait.ge [sflag:s25], $0x80  }
0x43: {  	[sflag:s25] =	ssyncset.done $0x0  }
0x44: {  	[sflag:s25] =	ssyncadd.s32 $0xFFFFFF80  }
0x45: {  	_ =	swait.ge [sflag:s26], $0x1400  }
0x46: {  	[sflag:s26] =	ssyncset.done $0x0  }
0x47: {  	[sflag:s26] =	ssyncadd.s32 $0xFFFFEC00  }
0x48: {  	[spmem:s3] =	stream.indirect.scatter.add.f32 [tilespmem:s13], [sflag:$0xC], $0x80, s12, s24, $0xb8;
	[tilespmem:$0x1A800] =	vst v63  }
0x49: {  	_ =	swait.ge [sflag:s28], $0x80  }
0x4a: {  	[sflag:s28] =	ssyncset.done $0x0  }
0x4b: {  	[sflag:s28] =	ssyncadd.s32 $0xFFFFFF80  }
0x4c: {  	_ =	swait.ge [sflag:s29], $0x1400  }
0x4d: {  	s6 =	simm.s32 $0x500;
	[sflag:s29] =	ssyncset.done $0x0  }
0x4e: {  	s8 =	simm.s32 $0x280;
	p0 =	por $0x0, $0x0;
	[sflag:s29] =	ssyncadd.s32 $0xFFFFEC00  }
0x4f: {  	[spmem:s3] =	stream.indirect.scatter.add.f32 [tilespmem:s15], [sflag:$0xD], $0x80, s14, s24, $0xb8;
	[tilespmem:$0x1A800] =	vst v63  }
0x50: {  	s5 =	sadd.s32 $0xC80, s9;
	s12 =	sand.u32 $0x380, s8;
	_ =	swait.ge [sflag:s30], $0x80  }
.LBB2_2:
0x51: {  	s10 =	simm.s32 @!p0 $0xB  }
0x52: {  	s9 =	sand.u32 $0xFC00, s8;
	[sflag:s30] =	ssyncset.done $0x0;
	s11 =	smov.u32 s6  }
0x53: {  	s6 =	sadd.s32 $0x280, s6;
	s9 =	sadd.s32 s7, s9;
	[sflag:s30] =	ssyncadd.s32 $0xFFFFFF80  }
0x54: {  	p1 =	sne.s32 s6, $0x7D00;
	s9 =	sor.u32 s12, s9;
	_ =	swait.ge [sflag:s31], $0x1400  }
0x55: {  	s19 =	simm.s32 $0x180;
	[sflag:s31] =	ssyncset.done $0x0  }
0x56: {  	s20 =	simm.s32 $0x4000;
	s9 =	sshrl.u32 s9, $0x3;
	[sflag:s31] =	ssyncadd.s32 $0xFFFFEC00  }
0x57: {  	[spmem:s3] =	stream.indirect.scatter.add.f32 [tilespmem:s20], [sflag:$0xE], $0x80, s19, s24, $0xb8;
	[tilespmem:$0x1A800] =	vst v63  }
0x58: {  	s12 =	sadd.s32 $0x80, s8;
	_ =	swait.ge [sflag:s0], $0x80  }
0x59: {  	s13 =	sand.u32 $0x1FC00, s12;
	[sflag:s0] =	ssyncset.done $0x0  }
0x5a: {  	s12 =	sand.u32 $0x380, s12;
	s13 =	sadd.s32 s7, s13;
	[sflag:s0] =	ssyncadd.s32 $0xFFFFFF80  }
0x5b: {  	s12 =	sor.u32 s12, s13;
	_ =	swait.ge [sflag:s1], $0x1400  }
0x5c: {  	[sflag:s1] =	ssyncset.done $0x0  }
0x5d: {  	s21 =	simm.s32 $0x200;
	s12 =	sshrl.u32 s12, $0x3;
	[sflag:s1] =	ssyncadd.s32 $0xFFFFEC00  }
0x5e: {  	[spmem:s3] =	stream.indirect.scatter.add.f32 [tilespmem:s22], [sflag:$0xF], $0x80, s21, s24, $0xb8;
	[tilespmem:$0x1A800] =	vst v63  }
0x5f: {  	s14 =	sadd.s32 $0x280, s5;
	_ =	swait.ge @!p0 [sflag:s10], $0x1400  }
0x60: {  	s16 =	simm.s32 $0x400;
	s15 =	sadd.s32 $0x180, s8;
	[sflag:s10] =	ssyncset.done @!p0 $0x0  }
0x61: {  	s9 =	sadd.s32 s2, s9;
	[sflag:s10] =	ssyncadd.s32 @!p0 $0xFFFFEC00;
	s10 =	sadd.s32 $0x100, s8  }
0x62: {  	[tilespmem:s4], [sflag:$0x1] =	stream.linear.gather [hbm4b:s9+s4], $0x80, $0x38;
	[tilespmem:$0x1A800] =	vst v63  }
0x63: {  	s17 =	simm.s32 $0x80;
	s9 =	simm.s32 @!p0 $0xC;
	s13 =	sand.u32 $0x1FC00, s10  }
0x64: {  	s18 =	simm.s32 $0x100;
	s12 =	sadd.s32 s2, s12;
	s13 =	sadd.s32 s7, s13  }
0x65: {  	[tilespmem:s16], [sflag:$0x6] =	stream.linear.gather [hbm4b:s5+s4], $0x1400, $0x38;
	[tilespmem:$0x1A800] =	vst v63  }
0x66: {  	s8 =	sadd.s32 $0x200, s8;
	s10 =	sand.u32 $0x380, s10;
	_ =	swait.ge @!p0 [sflag:s9], $0x1400  }
0x67: {  	s10 =	sor.u32 s10, s13;
	s13 =	sand.u32 $0x380, s15;
	[sflag:s9] =	ssyncset.done @!p0 $0x0  }
0x68: {  	[sflag:s9] =	ssyncadd.s32 @!p0 $0xFFFFEC00;
	s9 =	sshrl.u32 s10, $0x3;
	s10 =	sand.u32 $0x1FC00, s15  }
0x69: {  	[tilespmem:s17], [sflag:$0x2] =	stream.linear.gather [hbm4b:s12+s4], $0x80, $0x38;
	[tilespmem:$0x1A800] =	vst v63  }
0x6a: {  	s15 =	simm.s32 $0x1800;
	s12 =	simm.s32 @!p0 $0xD;
	s10 =	sadd.s32 s7, s10  }
0x6b: {  	[tilespmem:s15], [sflag:$0x7] =	stream.linear.gather [hbm4b:s14+s4], $0x1400, $0x38;
	[tilespmem:$0x1A800] =	vst v63  }
0x6c: {  	s9 =	sadd.s32 s2, s9;
	s10 =	sor.u32 s13, s10;
	_ =	swait.ge @!p0 [sflag:s12], $0x1400  }
0x6d: {  	s13 =	sand.u32 $0x1FC00, s8;
	s14 =	sadd.s32 $0x500, s5;
	[sflag:s12] =	ssyncset.done @!p0 $0x0  }
0x6e: {  	s8 =	sand.u32 $0x380, s8;
	[sflag:s12] =	ssyncadd.s32 @!p0 $0xFFFFEC00;
	s12 =	simm.s32 @!p0 $0xE  }
0x6f: {  	[tilespmem:s18], [sflag:$0x3] =	stream.linear.gather [hbm4b:s9+s4], $0x80, $0x38;
	[tilespmem:$0x1A800] =	vst v63  }
0x70: {  	s9 =	sshrl.u32 s10, $0x3;
	s10 =	sadd.s32 s7, s13;
	s13 =	simm.s32 $0x2C00  }
0x71: {  	[tilespmem:s13], [sflag:$0x8] =	stream.linear.gather [hbm4b:s14+s4], $0x1400, $0x38;
	[tilespmem:$0x1A800] =	vst v63  }
0x72: {  	s10 =	sor.u32 s8, s10;
	s8 =	smov.u32 s11;
	_ =	swait.ge @!p0 [sflag:s12], $0x1400  }
0x73: {  	s9 =	sadd.s32 s2, s9;
	s10 =	sshrl.u32 s10, $0x3;
	[sflag:s12] =	ssyncset.done @!p0 $0x0  }
0x74: {  	s11 =	simm.s32 @!p0 $0xF;
	[sflag:s12] =	ssyncadd.s32 @!p0 $0xFFFFEC00  }
0x75: {  	[tilespmem:s19], [sflag:$0x4] =	stream.linear.gather [hbm4b:s9+s4], $0x80, $0x38;
	[tilespmem:$0x1A800] =	vst v63  }
0x76: {  	s9 =	sadd.s32 $0x780, s5  }
0x77: {  	[tilespmem:s20], [sflag:$0x9] =	stream.linear.gather [hbm4b:s9+s4], $0x1400, $0x38;
	[tilespmem:$0x1A800] =	vst v63  }
0x78: {  	_ =	swait.ge @!p0 [sflag:s11], $0x1400  }
0x79: {  	[sflag:s11] =	ssyncset.done @!p0 $0x0  }
0x7a: {  	s9 =	sadd.s32 s2, s10;
	[sflag:s11] =	ssyncadd.s32 @!p0 $0xFFFFEC00  }
0x7b: {  	[tilespmem:s21], [sflag:$0x5] =	stream.linear.gather [hbm4b:s9+s4], $0x80, $0x38;
	[tilespmem:$0x1A800] =	vst v63  }
0x7c: {  	s9 =	sadd.s32 $0xA00, s5  }
0x7d: {  	[tilespmem:s22], [sflag:$0xA] =	stream.linear.gather [hbm4b:s9+s4], $0x1400, $0x38;
	[tilespmem:$0x1A800] =	vst v63  }
0x7e: {  	s9 =	simm.s32 $0x1  }
0x7f: {  	_ =	swait.ge [sflag:s9], $0x80  }
0x80: {  	[sflag:s9] =	ssyncset.done $0x0  }
0x81: {  	[sflag:s9] =	ssyncadd.s32 $0xFFFFFF80  }
0x82: {  	_ =	swait.ge [sflag:s23], $0x1400  }
0x83: {  	[sflag:s23] =	ssyncset.done $0x0  }
0x84: {  	[sflag:s23] =	ssyncadd.s32 $0xFFFFEC00  }
0x85: {  	[spmem:s3] =	stream.indirect.scatter.add.f32 [tilespmem:s16], [sflag:$0xB], $0x80, s4, s24, $0xb8;
	[tilespmem:$0x1A800] =	vst v63  }
0x86: {  	_ =	swait.ge [sflag:s25], $0x80  }
0x87: {  	[sflag:s25] =	ssyncset.done $0x0  }
0x88: {  	[sflag:s25] =	ssyncadd.s32 $0xFFFFFF80  }
0x89: {  	_ =	swait.ge [sflag:s26], $0x1400  }
0x8a: {  	[sflag:s26] =	ssyncset.done $0x0  }
0x8b: {  	[sflag:s26] =	ssyncadd.s32 $0xFFFFEC00  }
0x8c: {  	[spmem:s3] =	stream.indirect.scatter.add.f32 [tilespmem:s15], [sflag:$0xC], $0x80, s17, s24, $0xb8;
	[tilespmem:$0x1A800] =	vst v63  }
0x8d: {  	_ =	swait.ge [sflag:s28], $0x80  }
0x8e: {  	[sflag:s28] =	ssyncset.done $0x0  }
0x8f: {  	[sflag:s28] =	ssyncadd.s32 $0xFFFFFF80  }
.Ltmp0:
0x90: {  	_ =	swait.ge [sflag:s29], $0x1400;
	(pc) =	sbr.rel @p1 .LBB2_2-.Ltmp0, $4  }
0x91: {  	[sflag:s29] =	ssyncset.done $0x0  }
0x92: {  	s5 =	sadd.s32 $0xC80, s5;
	[sflag:s29] =	ssyncadd.s32 $0xFFFFEC00  }
0x93: {  	[spmem:s3] =	stream.indirect.scatter.add.f32 [tilespmem:s13], [sflag:$0xD], $0x80, s18, s24, $0xb8;
	[tilespmem:$0x1A800] =	vst v63  }
0x94: {  	s12 =	sand.u32 $0x380, s8;
	p0 =	seq.s32 s8, $0x0;
	_ =	swait.ge [sflag:s30], $0x80  }
0x95: {  	[sflag:s30] =	ssyncset.done $0x0  }
0x96: {  	[sflag:s30] =	ssyncadd.s32 $0xFFFFFF80  }
0x97: {  	_ =	swait.ge [sflag:s31], $0x1400  }
0x98: {  	[sflag:s31] =	ssyncset.done $0x0  }
0x99: {  	s17 =	simm.s32 $0x180;
	s19 =	simm.s32 $0x4000;
	[sflag:s31] =	ssyncadd.s32 $0xFFFFEC00  }
0x9a: {  	[spmem:s3] =	stream.indirect.scatter.add.f32 [tilespmem:s19], [sflag:$0xE], $0x80, s17, s24, $0xb8;
	[tilespmem:$0x1A800] =	vst v63  }
0x9b: {  	_ =	swait.ge [sflag:s0], $0x80  }
0x9c: {  	s6 =	sand.u32 $0xFC00, s8;
	[sflag:s0] =	ssyncset.done $0x0  }
0x9d: {  	s9 =	simm.s32 @!p0 $0xB;
	s20 =	simm.s32 $0x200;
	[sflag:s0] =	ssyncadd.s32 $0xFFFFFF80  }
0x9e: {  	s21 =	simm.s32 $0x5400;
	s10 =	sadd.s32 $0x80, s8;
	_ =	swait.ge [sflag:s1], $0x1400  }
0x9f: {  	s11 =	simm.s32 $0x400;
	s18 =	sadd.s32 $0x100, s8;
	[sflag:s1] =	ssyncset.done $0x0  }
0xa0: {  	s13 =	simm.s32 $0x1800;
	s6 =	sadd.s32 s7, s6;
	[sflag:s1] =	ssyncadd.s32 $0xFFFFEC00  }
0xa1: {  	[spmem:s3] =	stream.indirect.scatter.add.f32 [tilespmem:s21], [sflag:$0xF], $0x80, s20, s24, $0xb8;
	[tilespmem:$0x1A800] =	vst v63  }
0xa2: {  	s14 =	sand.u32 $0x1FC00, s10;
	s6 =	sor.u32 s12, s6;
	_ =	swait.ge @!p0 [sflag:s9], $0x1400  }
0xa3: {  	s16 =	sand.u32 $0x380, s10;
	s6 =	sshrl.u32 s6, $0x3;
	[sflag:s9] =	ssyncset.done @!p0 $0x0  }
0xa4: {  	s10 =	simm.s32 @!p0 $0xC;
	s6 =	sadd.s32 s2, s6;
	[sflag:s9] =	ssyncadd.s32 @!p0 $0xFFFFEC00  }
0xa5: {  	[tilespmem:s4], [sflag:$0x1] =	stream.linear.gather [hbm4b:s6+s4], $0x80, $0x38;
	[tilespmem:$0x1A800] =	vst v63  }
0xa6: {  	s15 =	sadd.s32 s7, s14;
	s12 =	simm.s32 $0x80;
	s14 =	sand.u32 $0x1FC00, s18  }
0xa7: {  	[tilespmem:s11], [sflag:$0x6] =	stream.linear.gather [hbm4b:s5+s4], $0x1400, $0x38;
	[tilespmem:$0x1A800] =	vst v63  }
0xa8: {  	s9 =	sand.u32 $0x380, s18;
	s6 =	sor.u32 s16, s15;
	_ =	swait.ge @!p0 [sflag:s10], $0x1400  }
0xa9: {  	s18 =	sadd.s32 $0x500, s5;
	s6 =	sshrl.u32 s6, $0x3;
	[sflag:s10] =	ssyncset.done @!p0 $0x0  }
0xaa: {  	s15 =	sadd.s32 $0x280, s5;
	s6 =	sadd.s32 s2, s6;
	[sflag:s10] =	ssyncadd.s32 @!p0 $0xFFFFEC00  }
0xab: {  	[tilespmem:s12], [sflag:$0x2] =	stream.linear.gather [hbm4b:s6+s4], $0x80, $0x38;
	[tilespmem:$0x1A800] =	vst v63  }
0xac: {  	s10 =	simm.s32 @!p0 $0xD;
	s6 =	sadd.s32 s7, s14;
	s14 =	simm.s32 $0x100  }
0xad: {  	[tilespmem:s13], [sflag:$0x7] =	stream.linear.gather [hbm4b:s15+s4], $0x1400, $0x38;
	[tilespmem:$0x1A800] =	vst v63  }
0xae: {  	s6 =	sor.u32 s9, s6;
	s9 =	sadd.s32 $0x180, s8;
	_ =	swait.ge @!p0 [sflag:s10], $0x1400  }
0xaf: {  	s6 =	sshrl.u32 s6, $0x3;
	s16 =	sand.u32 $0x1FC00, s9;
	[sflag:s10] =	ssyncset.done @!p0 $0x0  }
0xb0: {  	s15 =	simm.s32 $0x2C00;
	s6 =	sadd.s32 s2, s6;
	[sflag:s10] =	ssyncadd.s32 @!p0 $0xFFFFEC00  }
0xb1: {  	[tilespmem:s14], [sflag:$0x3] =	stream.linear.gather [hbm4b:s6+s4], $0x80, $0x38;
	[tilespmem:$0x1A800] =	vst v63  }
0xb2: {  	s9 =	sand.u32 $0x380, s9;
	s10 =	simm.s32 @!p0 $0xE;
	s6 =	sadd.s32 s7, s16  }
0xb3: {  	[tilespmem:s15], [sflag:$0x8] =	stream.linear.gather [hbm4b:s18+s4], $0x1400, $0x38;
	[tilespmem:$0x1A800] =	vst v63  }
0xb4: {  	s8 =	sadd.s32 $0x200, s8;
	s6 =	sor.u32 s9, s6;
	_ =	swait.ge @!p0 [sflag:s10], $0x1400  }
0xb5: {  	s16 =	sand.u32 $0x1FC00, s8;
	s6 =	sshrl.u32 s6, $0x3;
	[sflag:s10] =	ssyncset.done @!p0 $0x0  }
0xb6: {  	s8 =	sand.u32 $0x380, s8;
	s6 =	sadd.s32 s2, s6;
	[sflag:s10] =	ssyncadd.s32 @!p0 $0xFFFFEC00  }
0xb7: {  	[tilespmem:s17], [sflag:$0x4] =	stream.linear.gather [hbm4b:s6+s4], $0x80, $0x38;
	[tilespmem:$0x1A800] =	vst v63  }
0xb8: {  	s9 =	simm.s32 @!p0 $0xF;
	s18 =	sadd.s32 $0x780, s5;
	s6 =	sadd.s32 s7, s16  }
0xb9: {  	[tilespmem:s19], [sflag:$0x9] =	stream.linear.gather [hbm4b:s18+s4], $0x1400, $0x38;
	[tilespmem:$0x1A800] =	vst v63  }
0xba: {  	s6 =	sor.u32 s8, s6;
	_ =	swait.ge @!p0 [sflag:s9], $0x1400  }
0xbb: {  	s6 =	sshrl.u32 s6, $0x3;
	[sflag:s9] =	ssyncset.done @!p0 $0x0  }
0xbc: {  	s6 =	sadd.s32 s2, s6;
	[sflag:s9] =	ssyncadd.s32 @!p0 $0xFFFFEC00  }
0xbd: {  	[tilespmem:s20], [sflag:$0x5] =	stream.linear.gather [hbm4b:s6+s4], $0x80, $0x38;
	[tilespmem:$0x1A800] =	vst v63  }
0xbe: {  	s8 =	sadd.s32 $0xA00, s5;
	s9 =	simm.s32 $0x1  }
0xbf: {  	[tilespmem:s21], [sflag:$0xA] =	stream.linear.gather [hbm4b:s8+s4], $0x1400, $0x38;
	[tilespmem:$0x1A800] =	vst v63  }
0xc0: {  	_ =	swait.ge [sflag:s9], $0x80  }
0xc1: {  	[sflag:s9] =	ssyncset.done $0x0  }
0xc2: {  	[sflag:s9] =	ssyncadd.s32 $0xFFFFFF80  }
0xc3: {  	_ =	swait.ge [sflag:s23], $0x1400  }
0xc4: {  	[sflag:s23] =	ssyncset.done $0x0  }
0xc5: {  	[sflag:s23] =	ssyncadd.s32 $0xFFFFEC00  }
0xc6: {  	[spmem:s3] =	stream.indirect.scatter.add.f32 [tilespmem:s11], [sflag:$0xB], $0x80, s4, s24, $0xb8;
	[tilespmem:$0x1A800] =	vst v63  }
0xc7: {  	_ =	swait.ge [sflag:s25], $0x80  }
0xc8: {  	[sflag:s25] =	ssyncset.done $0x0  }
0xc9: {  	[sflag:s25] =	ssyncadd.s32 $0xFFFFFF80  }
0xca: {  	_ =	swait.ge [sflag:s26], $0x1400  }
0xcb: {  	[sflag:s26] =	ssyncset.done $0x0  }
0xcc: {  	[sflag:s26] =	ssyncadd.s32 $0xFFFFEC00  }
0xcd: {  	[spmem:s3] =	stream.indirect.scatter.add.f32 [tilespmem:s13], [sflag:$0xC], $0x80, s12, s24, $0xb8;
	[tilespmem:$0x1A800] =	vst v63  }
0xce: {  	_ =	swait.ge [sflag:s28], $0x80  }
0xcf: {  	[sflag:s28] =	ssyncset.done $0x0  }
0xd0: {  	[sflag:s28] =	ssyncadd.s32 $0xFFFFFF80  }
0xd1: {  	_ =	swait.ge [sflag:s29], $0x1400  }
0xd2: {  	[sflag:s29] =	ssyncset.done $0x0  }
0xd3: {  	[sflag:s29] =	ssyncadd.s32 $0xFFFFEC00  }
0xd4: {  	[spmem:s3] =	stream.indirect.scatter.add.f32 [tilespmem:s15], [sflag:$0xD], $0x80, s14, s24, $0xb8;
	[tilespmem:$0x1A800] =	vst v63  }
0xd5: {  	_ =	swait.ge [sflag:s30], $0x80  }
0xd6: {  	[sflag:s30] =	ssyncset.done $0x0  }
0xd7: {  	[sflag:s30] =	ssyncadd.s32 $0xFFFFFF80  }
0xd8: {  	_ =	swait.ge [sflag:s31], $0x1400  }
0xd9: {  	[sflag:s31] =	ssyncset.done $0x0  }
0xda: {  	[sflag:s31] =	ssyncadd.s32 $0xFFFFEC00  }
0xdb: {  	[spmem:s3] =	stream.indirect.scatter.add.f32 [tilespmem:s19], [sflag:$0xE], $0x80, s17, s24, $0xb8;
	[tilespmem:$0x1A800] =	vst v63  }
0xdc: {  	_ =	swait.ge [sflag:s0], $0x80  }
0xdd: {  	[sflag:s0] =	ssyncset.done $0x0  }
0xde: {  	[sflag:s0] =	ssyncadd.s32 $0xFFFFFF80  }
0xdf: {  	_ =	swait.ge [sflag:s1], $0x1400  }
0xe0: {  	[sflag:s1] =	ssyncset.done $0x0  }
0xe1: {  	s10 =	simm.s32 $0xB;
	[sflag:s1] =	ssyncadd.s32 $0xFFFFEC00  }
0xe2: {  	[spmem:s3] =	stream.indirect.scatter.add.f32 [tilespmem:s21], [sflag:$0xF], $0x80, s20, s24, $0xb8;
	[tilespmem:$0x1A800] =	vst v63  }
0xe3: {  	_ =	swait.ge [sflag:s10], $0x1400  }
0xe4: {  	[sflag:s10] =	ssyncset.done $0x0  }
0xe5: {  	s11 =	simm.s32 $0xC;
	[sflag:s10] =	ssyncadd.s32 $0xFFFFEC00  }
0xe6: {  	_ =	swait.ge [sflag:s11], $0x1400  }
0xe7: {  	[sflag:s11] =	ssyncset.done $0x0  }
0xe8: {  	s12 =	simm.s32 $0xD;
	[sflag:s11] =	ssyncadd.s32 $0xFFFFEC00  }
0xe9: {  	_ =	swait.ge [sflag:s12], $0x1400  }
0xea: {  	[sflag:s12] =	ssyncset.done $0x0  }
0xeb: {  	s13 =	simm.s32 $0xE;
	[sflag:s12] =	ssyncadd.s32 $0xFFFFEC00  }
0xec: {  	_ =	swait.ge [sflag:s13], $0x1400  }
0xed: {  	[sflag:s13] =	ssyncset.done $0x0  }
0xee: {  	s14 =	simm.s32 $0xF;
	[sflag:s13] =	ssyncadd.s32 $0xFFFFEC00  }
0xef: {  	_ =	swait.ge [sflag:s14], $0x1400  }
0xf0: {  	[sflag:s14] =	ssyncset.done $0x0  }
0xf1: {  	[sflag:s14] =	ssyncadd.s32 $0xFFFFEC00  }
0xf2: {  	[bflag:$0x0] =	sbarrier.arrive $0xFFFF  }
0xf3: {  	s10 =	rddreg [dreg:$0x5]  }
0xf4: {  	s15 =	rddreg [dreg:$0x6]  }
0xf5: {  	s8 =	simm.s32 $0x10;
	s6 =	rddreg [dreg:$0x9]  }
0xf6: {  	[hbm:s15], [sflag:s10] =	dma.local [spmem:s6], $0x2800  }
0xf7: {  	_ =	swait.ge [sflag:s8], $0x2800  }
0xf8: {  	s20 =	rddreg [dreg:$0xa]  }
0xf9: {  	s21 =	rddreg [dreg:$0x7];
	s9 =	sadd.s32 $0x1, s20  }
0xfa: {  	p0 =	sne.s32 s9, s21  }
.Ltmp1:
0xfb: {  	_ = 	snop;
	(pc) =	sbr.rel @p0 .LBB2_1-.Ltmp1, $3  }
0xfc: {  	_ =	sdelay $0x1  }
0xfd: {  	s16 =	simm.s32 $0x180;
	s18 =	simm.s32 $0x4000;
	[sflag:s8] =	ssyncset.done $0x0  }
0xfe: {  	s17 =	simm.s32 $0x200;
	s19 =	simm.s32 $0x5400;
	[sflag:s8] =	ssyncadd.s32 $0xFFFFD800  }
0xff: {  	_ =	sfence.sel $0x180000  }
0x100: {  	[bflag:$0x0] =	sbarrier.arrive $0xFFFF  }
0x101: {  	_ =	strace $0x9000004D  }
0x102: {  	s0 =	stileid.u32;
	[bflag:$0x2] =	sbarrier.arrive $0xFFFF  }
0x103: {  	p0 =	sne.s32 s0, $0x0;
	s0 =	rddreg [dreg:$0x3]  }
0x104: {  	s0 =	sadd.s32 @!p0 $0x100000, s0  }
0x105: {  	[sflag:s0] =	ssyncadd.tile.s32 @!p0 $0x1;
	_ =	shalt  }
.Lfunc_end2:
_tile_overlayer_lowered:
.L_overlay_start_2:
0x106: {  	(tag) =	ssettag $0x2  }
0x107: {  	s0 =	rddreg [dreg:$0x0];
	s2 =	stileid.u32  }
0x108: {  	s1 =	rddreg [dreg:$0x1];
	p0 =	sne.s32 s2, $0x0  }
0x109: {  	s3 =	rddreg [dreg:$0x2];
	[bflag:$0x3] =	sbarrier.arrive $0xFFFF;
	s2 =	simm.s32 @!p0 $0x1C10  }
0x10a: {  	[timem:s3], [sflag:s2] =	dma.local @!p0 [hbm:s0], s1  }
0x10b: {  	s0 =	simm.s32 @!p0 $0x10  }
0x10c: {  	_ =	swait.ge @!p0 [sflag:s0], s1  }
0x10d: {  	s1 =	ssub.s32 @!p0 $0x0, s1;
	[sflag:s0] =	ssyncset.done @!p0 $0x0  }
0x10e: {  	[sflag:s0] =	ssyncadd.s32 @!p0 s1  }
0x10f: {  	[bflag:$0x3] =	sbarrier.arrive $0xFFFF  }
0x110: {  	_ =	shalt  }

// kernel: kernel.13.cloned.1.call-start
scs
__scs_entry_jumppad:
0x0: {  	(pc) =	sbr.rel $0x88, $3  }
0x1: {  	(tag) =	ssettag $0x0;
	lr =	simm.s32 $0x1  }
0x2: {  	[smem:$0x3F9B] =	sst lr;
	_ =	strace $0xD0000000  }
0x3: {  	_ = 	snop  }
0x4: {  	_ = 	snop  }
0x5: {  	_ = 	snop  }
0x6: {  	_ = 	snop  }
0x7: {  	_ = 	snop  }
__scs_overlays_trampoline_lowered:
0x8: {  	[smem:$0x3FAA] =	sst s0  }
0x9: {  	[smem:$0x3FAB] =	sst s1  }
0xa: {  	[smem:$0x3FAC] =	sst s2  }
0xb: {  	[smem:$0x3FAD] =	sst s3  }
0xc: {  	[smem:$0x3FAE] =	sst s4  }
0xd: {  	[smem:$0x3FAF] =	sst s5  }
0xe: {  	[smem:$0x3FB0] =	sst s6  }
0xf: {  	[smem:$0x3FB1] =	sst s7  }
0x10: {  	[smem:$0x3FB2] =	sst s8  }
0x11: {  	[smem:$0x3FB3] =	sst s9;
	s0 =	simm.s32 @!p0 $0x0  }
0x12: {  	s1 =	sld [smem:$0x3F99];
	s0 =	simm.s32 @p0 $0x1  }
0x13: {  	[smem:$0x3FB4] =	sst s0;
	s0 =	simm.s32 @!p1 $0x0  }
0x14: {  	s2 =	sld [smem:$0x3F98];
	s0 =	simm.s32 @p1 $0x1  }
0x15: {  	[smem:$0x3FB5] =	sst s0;
	s0 =	simm.s32 @!p2 $0x0  }
0x16: {  	s3 =	sld [smem:$0x3FDB];
	s0 =	simm.s32 @p2 $0x1  }
0x17: {  	s4 =	simm.s32 $0x1BF5;
	[smem:$0x3FB7] =	sst s0  }
0x18: {  	s0 =	sld [smem:$0x3F9A];
	_ =	swait.ge [sflag:s4], $0x0  }
0x19: {  	s7 =	sld [smem:$0x3F9B]  }
0x1a: {  	s8 =	sadd.s32 $0xFFFFE003, lr  }
0x1b: {  	s9 =	sadd.s32 $0xFFFFFEF7, lr;
	s5 =	simm.s32 $0xFFFFFFFF;
	p2 =	slt.u32 s8, $0xFFFFF086  }
0x1c: {  	p1 =	slt.u32 s9, $0xF7A;
	s5 =	simm.s32 @!p2 $0x0  }
0x1d: {  	s5 =	simm.s32 @p1 $0x1;
	p0 =	seq.s32 s7, s2  }
0x1e: {  	s7 =	smul.u32 @!p0 $0xF7A, s2;
	p2 =	seq.s32 @!p0 s5, $0x0  }
0x1f: {  	s9 =	smul.u32 $0xF7A, s1;
	s8 =	simm.s32 @!p0 $0x1BF5;
	p2 =	por !p2, p0  }
0x20: {  	[sflag:s8] =	ssyncset.s32 @!p0 $0xFFFFF086;
	s6 =	sadd.s32 @!p0 s3, s7;
	s7 =	simm.s32 @!p0 $0x108  }
0x21: {  	s3 =	sadd.s32 s3, s9;
	s6 =	sadd.s32 @!p0 $0x88, s6;
	s7 =	simm.s32 @p2 $0x1082  }
0x22: {  	[simem:s7], [sflag:s8] =	dma.local @!p0 [hbm:s6], $0xF7A  }
0x23: {  	s9 =	sor.u32 $0xD0000000, s2;
	s6 =	simm.s32 $0x108;
	_ =	swait.ge @!p0 [sflag:s8], $0x0  }
0x24: {  	s3 =	sadd.s32 $0x88, s3;
	s6 =	simm.s32 @!p1 $0x1082;
	[sflag:s4] =	ssyncset.s32 $0xFFFFF086  }
0x25: {  	[simem:s6], [sflag:s4] =	dma.local [hbm:s3], $0xF7A  }
0x26: {  	[smem:$0x3F9B] =	sst s1;
	(tag) =	ssettag s2;
	_ =	strace s9  }
0x27: {  	s1 =	sld [smem:$0x3FAB]  }
0x28: {  	s2 =	sld [smem:$0x3FAC]  }
0x29: {  	s4 =	sld [smem:$0x3FAE]  }
0x2a: {  	p0 =	seq.s32 s5, $0x0;
	s5 =	sld [smem:$0x3FAF]  }
0x2b: {  	s6 =	sld [smem:$0x3FB0]  }
0x2c: {  	s7 =	sld [smem:$0x3FB1]  }
0x2d: {  	s3 =	simm.s32 $0x108;
	s8 =	sld [smem:$0x3FB2]  }
0x2e: {  	s3 =	simm.s32 @!p0 $0x1082;
	s9 =	sld [smem:$0x3FB3]  }
0x2f: {  	lr =	sadd.s32 s0, s3;
	s0 =	sld [smem:$0x3FAA]  }
0x30: {  	s3 =	sld [smem:$0x3FAD]  }
0x31: {  	[smem:$0x3FB6] =	sst s10  }
0x32: {  	s10 =	sld [smem:$0x3FB4];
	_ =	sdelay $0x3  }
0x33: {  	p0 =	seq.s32 s10, $0x1;
	s10 =	sld [smem:$0x3FB6];
	_ =	sdelay $0x3  }
0x34: {  	[smem:$0x3FB6] =	sst s10  }
0x35: {  	s10 =	sld [smem:$0x3FB5];
	_ =	sdelay $0x3  }
0x36: {  	p1 =	seq.s32 s10, $0x1;
	s10 =	sld [smem:$0x3FB6];
	_ =	sdelay $0x3  }
0x37: {  	[smem:$0x3FB6] =	sst s10  }
0x38: {  	s10 =	sld [smem:$0x3FB7]  }
0x39: {  	_ = 	snop;
	(pc) =	sbr.ind lr, $3  }
0x3a: {  	_ = 	snop  }
0x3b: {  	_ = 	snop  }
0x3c: {  	p2 =	seq.s32 s10, $0x1;
	s10 =	sld [smem:$0x3FB6]  }
0x3d: {  	_ =	shalt  }
0x3e: {  	_ =	shalt  }
0x3f: {  	_ =	shalt  }
0x40: {  	_ =	shalt  }
0x41: {  	_ =	shalt  }
0x42: {  	_ =	shalt  }
0x43: {  	_ =	shalt  }
0x44: {  	_ =	shalt  }
0x45: {  	_ =	shalt  }
0x46: {  	_ =	shalt  }
0x47: {  	_ =	shalt  }
0x48: {  	_ =	shalt  }
0x49: {  	_ =	shalt  }
0x4a: {  	_ =	shalt  }
0x4b: {  	_ =	shalt  }
0x4c: {  	_ =	shalt  }
0x4d: {  	_ =	shalt  }
0x4e: {  	_ =	shalt  }
0x4f: {  	_ =	shalt  }
0x50: {  	_ =	shalt  }
0x51: {  	_ =	shalt  }
0x52: {  	_ =	shalt  }
0x53: {  	_ =	shalt  }
0x54: {  	_ =	shalt  }
0x55: {  	_ =	shalt  }
0x56: {  	_ =	shalt  }
0x57: {  	_ =	shalt  }
0x58: {  	_ =	shalt  }
0x59: {  	_ =	shalt  }
0x5a: {  	_ =	shalt  }
0x5b: {  	_ =	shalt  }
0x5c: {  	_ =	shalt  }
0x5d: {  	_ =	shalt  }
0x5e: {  	_ =	shalt  }
0x5f: {  	_ =	shalt  }
0x60: {  	_ =	shalt  }
0x61: {  	_ =	shalt  }
0x62: {  	_ =	shalt  }
0x63: {  	_ =	shalt  }
0x64: {  	_ =	shalt  }
0x65: {  	_ =	shalt  }
0x66: {  	_ =	shalt  }
0x67: {  	_ =	shalt  }
0x68: {  	_ =	shalt  }
0x69: {  	_ =	shalt  }
0x6a: {  	_ =	shalt  }
0x6b: {  	_ =	shalt  }
0x6c: {  	_ =	shalt  }
0x6d: {  	_ =	shalt  }
0x6e: {  	_ =	shalt  }
0x6f: {  	_ =	shalt  }
0x70: {  	_ =	shalt  }
0x71: {  	_ =	shalt  }
0x72: {  	_ =	shalt  }
0x73: {  	_ =	shalt  }
0x74: {  	_ =	shalt  }
0x75: {  	_ =	shalt  }
0x76: {  	_ =	shalt  }
0x77: {  	_ =	shalt  }
0x78: {  	_ =	shalt  }
0x79: {  	_ =	shalt  }
0x7a: {  	_ =	shalt  }
0x7b: {  	_ =	shalt  }
0x7c: {  	_ =	shalt  }
0x7d: {  	_ =	shalt  }
0x7e: {  	_ =	shalt  }
0x7f: {  	_ =	shalt  }
0x80: {  	_ =	shalt  }
0x81: {  	_ =	shalt  }
0x82: {  	_ =	shalt  }
0x83: {  	_ =	shalt  }
0x84: {  	_ =	shalt  }
0x85: {  	_ =	shalt  }
0x86: {  	_ =	shalt  }
0x87: {  	_ =	shalt  }
.Lfunc_end0:
.L_simem_size_0:
called_computation.2_lowered:
.L_overlay_start_0:
0x88: {  	s2 =	sld [smem:$0x3FD9]  }
0x89: {  	s3 =	sld [smem:$0x3FFE];
	_ =	sdelay $0x1  }
0x8a: {  	s1 =	srdreg.scid  }
0x8b: {  	s0 =	sand.u32 $0x1, s1  }
0x8c: {  	s17 =	sshll.u32 s0, $0xA;
	s2 =	sadd.s32 s3, s2  }
0x8d: {  	s2 =	sadd.s32 s2, s17  }
0x8e: {  	[smem:$0x3FC2] =	sst s2  }
0x8f: {  	_ = 	snop  }
0x90: {  	s18 =	sld [smem:$0x3FD0];
	(tm) =	ssettm $0x1  }
0x91: {  	s19 =	sld [smem:$0x3FFB];
	_ =	sdelay $0x3  }
0x92: {  	_ =	strace s19  }
0x93: {  	s2 =	sld [smem:$0x3FFC];
	_ =	sdelay $0x3  }
0x94: {  	_ =	strace s2  }
0x95: {  	s2 =	sld [smem:$0x3FFD];
	_ =	sdelay $0x3  }
0x96: {  	_ =	strace s2  }
0x97: {  	_ =	strace $0x8FFFFFFF  }
0x98: {  	s20 =	sld [smem:$0x3FDB];
	_ =	sdelay $0x1  }
0x99: {  	s4 =	simm.s32 $_scs_section_size  }
0x9a: {  	s5 =	simm.s32 $_size__tile_overlayer_lowered;
	s6 =	simm.s32 $_tile_overlayer_lowered  }
0x9b: {  	s7 =	simm.s32 $0x1BFF;
	s21 =	sshll.u32 s6, $0x1;
	s4 =	sadd.s32 s4, s20  }
0x9c: {  	s22 =	simm.s32 $0x0;
	s5 =	sshll.u32 s5, $0x1;
	s6 =	sadd.s32 s21, s4  }
0x9d: {  	[timem:s22], [sflag:s7] =	dma.local [hbm:s6], s5  }
0x9e: {  	_ =	swait.ge [sflag:s7], s5  }
0x9f: {  	s5 =	ssub.s32 $0x0, s5;
	[sflag:s7] =	ssyncset.done $0x0  }
0xa0: {  	[sflag:s7] =	ssyncadd.s32 s5;
	_ =	sdelay $0x1  }
0xa1: {  	s23 =	simm.s32 $0x1B8B  }
0xa2: {  	_ =	swait.ge [sflag:s23], $0x1  }
0xa3: {  	[sflag:s23] =	ssyncset.done $0x0  }
0xa4: {  	[sflag:s23] =	ssyncadd.s32 $0xFFFFFFFF  }
0xa5: {  	s5 =	sld [smem:$0x0]  }
0xa6: {  	s6 =	sand.u32 $0xFFFFFFFE, s1  }
0xa7: {  	p0 =	sne.s32 s1, s6  }
0xa8: {  	s6 =	sshll.u32 @p0 s6, $0xE  }
0xa9: {  	s6 =	sadd.s32 @p0 $0x11B8D, s6;
	s7 =	sshll.u32 @p0 s5, $0x11  }
0xaa: {  	s6 =	sor.u32 @p0 s7, s6  }
0xab: {  	[sflag:s6] =	ssyncadd.remote.s32 @p0 $0x1;
	_ =	sdelay $0x1  }
0xac: {  	s6 =	simm.s32 @p0 $0x1B8D  }
0xad: {  	_ =	swait.eq @p0 [sflag:s6], $0x1  }
0xae: {  	[sflag:s6] =	ssyncadd.s32 @p0 $0xFFFFFFFF  }
0xaf: {  	s7 =	sshll.u32 @!p0 s1, $0xE  }
0xb0: {  	s7 =	sor.u32 @!p0 $0x4000, s7;
	s6 =	simm.s32 @!p0 $0x1B8D  }
0xb1: {  	s5 =	sshll.u32 @!p0 s5, $0x11;
	s7 =	sadd.s32 @!p0 $0x11B8D, s7;
	_ =	swait.eq @!p0 [sflag:s6], $0x1  }
0xb2: {  	s5 =	sor.u32 @!p0 s5, s7;
	[sflag:s6] =	ssyncadd.s32 @!p0 $0xFFFFFFFF  }
0xb3: {  	s25 =	simm.s32 $0x1B8E;
	s24 =	sld [smem:$0x3FFE];
	[sflag:s5] =	ssyncadd.remote.s32 @!p0 $0x1  }
0xb4: {  	s26 =	simm.s32 $execute0_lowered;
	[smem:$0x3FD2] =	sst s25  }
0xb5: {  	s6 =	sshll.u32 s26, $0x1;
	_ =	strace $0x80000049;
	[dreg:$0x1] =	wrdreg $0xFFFFFFFF  }
0xb6: {  	s28 =	simm.s32 $_size_execute0_lowered;
	s4 =	sadd.s32 s4, s6;
	[dreg:$0x0] =	wrdreg $0x0  }
0xb7: {  	s6 =	sshll.u32 s28, $0x1;
	[dreg:$0x2] =	wrdreg s4  }
0xb8: {  	[dreg:$0x3] =	wrdreg s6  }
0xb9: {  	[dreg:$0x4] =	wrdreg $0xC0  }
0xba: {  	_ =	task [dreg:s22], $0x5FFFF  }
0xbb: {  	[dreg:$0x1] =	wrdreg $0xFFFFFFFF  }
0xbc: {  	[dreg:$0x0] =	wrdreg $0x60  }
0xbd: {  	[dreg:$0x2] =	wrdreg s18  }
0xbe: {  	[dreg:$0x3] =	wrdreg s24  }
0xbf: {  	[dreg:$0x4] =	wrdreg $0x18000  }
0xc0: {  	[dreg:$0x5] =	wrdreg $0x9  }
0xc1: {  	_ =	task.clear_ibuf [dreg:s22], $0x6FFFF;
	_ =	strace $0x90000049  }
0xc2: {  	s29 =	simm.s32 $0x9;
	_ =	strace $0x8000004B  }
0xc3: {  	_ =	swait.ge [sflag:s29], $0x1  }
0xc4: {  	[sflag:s29] =	ssyncadd.s32 $0xFFFFFFFF  }
0xc5: {  	_ =	strace $0x9000004B  }
0xc6: {  	_ =	sfence  }
0xc7: {  	s30 =	sld [smem:$0x0];
	_ =	sdelay $0x2  }
0xc8: {  	s31 =	sshll.u32 s1, $0xD;
	s1 =	sshrl.u32 s1, $0x2  }
0xc9: {  	s4 =	sand.u32 $0x4000, s31;
	s1 =	sadd.s32 s1, s30  }
0xca: {  	s0 =	sor.u32 s4, s0;
	s1 =	sshll.u32 s1, $0x11  }
0xcb: {  	s0 =	sor.u32 s1, s0  }
0xcc: {  	s0 =	sadd.s32 $0x8F2B, s0  }
0xcd: {  	[sflag:s0] =	ssyncadd.remote.s32 $0x1  }
0xce: {  	_ =	sfence.sel $0xFFFF  }
0xcf: {  	[dreg:$0x0] =	wrdreg $0xFFFFFFFF;
	(pc) =	sbr.abs _section_cstart, $3  }
0xd0: {  	[dreg:$0x1] =	wrdreg $0xFFFFFFFF  }
0xd1: {  	_ =	task.clear_ibuf [dreg:s22], $0x2FFFF;
	_ =	strace $0x9FFFFFFF  }
0xd2: {  	(tm) =	ssettm $0x7FFFFFFF  }
0xd3: {  	_ =	shalt  }
tec
execute0_lowered:
.L_overlay_start_1:
0x0: {  	(tag) =	ssettag $0x1  }
0x1: {  	s2 =	rddreg [dreg:$0x0]  }
0x2: {  	s0 =	rddreg [dreg:$0x1]  }
0x3: {  	s3 =	rddreg [dreg:$0x2]  }
0x4: {  	s10 =	stileid.u32;
	s1 =	srdreg.scid  }
0x5: {  	s4 =	simm.s32 $0x0;
	s12 =	simm.s32 $0xB;
	s13 =	simm.s32 $0x400  }
0x6: {  	s14 =	simm.s32 $0x80;
	s15 =	simm.s32 $0x100;
	s16 =	simm.s32 $0x180  }
0x7: {  	s17 =	simm.s32 $0x200;
	s18 =	simm.s32 $0x1;
	s19 =	simm.s32 $0x28  }
0x8: {  	s20 =	simm.s32 $0x2;
	s28 =	simm.s32 $0x9;
	s29 =	simm.s32 $0xA  }
0x9: {  	s30 =	simm.s32 $0x0;
	s5 =	smul.u32 $0x2800, s10;
	s1 =	sand.u32 $0x1, s1  }
0xa: {  	[smem:$0x7FF] =	sst s4;
	s7 =	smul.u32 $0x50000, s10;
	s9 =	sadd.s32 $0x514E00, s0  }
0xb: {  	s24 =	sshll.u32 s10, $0x6;
	s25 =	sshll.u32 s10, $0x10;
	s6 =	smul.u32 $0x28000, s1  }
0xc: {  	_ =	strace $0x8000004A;
	[dreg:$0x4] =	wrdreg s9;
	s21 =	ssub.s32 $0x2, s1  }
0xd: {  	s1 =	sshll.u32 s1, $0xF;
	s8 =	sadd.s32 s5, s0;
	s22 =	sshrl.u32 s21, $0x1  }
0xe: {  	s7 =	sshrl.u32 s7, $0x2;
	s5 =	sadd.s32 s5, s6;
	s23 =	ssub.s32 s21, s22  }
0xf: {  	s11 =	sadd.s32 s7, s3;
	s26 =	sadd.s32 $0x4ECE00, s8;
	s7 =	sor.u32 $0x1C0B, s24  }
0x10: {  	s8 =	sor.u32 s1, s25;
	s21 =	simm.s32 $0x3;
	s22 =	simm.s32 $0x4  }
0x11: {  	s0 =	sadd.s32 s5, s0;
	[dreg:$0x5] =	wrdreg s26;
	s31 =	smax.u32 s23, $0x1  }
0x12: {  	s11 =	sshrl.u32 s11, $0x3;
	s0 =	sadd.s32 $0x515200, s0;
	[dreg:$0x7] =	wrdreg s31  }
0x13: {  	s23 =	simm.s32 $0x5;
	s26 =	simm.s32 $0x8;
	[dreg:$0x6] =	wrdreg s0  }
.LBB2_1:
0x14: {  	s0 =	rddreg [dreg:$0x5]  }
0x15: {  	[spmem:s11], [sflag:s7] =	dma.local [hbm:s0], $0x2800  }
0x16: {  	_ =	swait.ge [sflag:s12], $0x2800  }
0x17: {  	s24 =	sand.u32 $0xFC00, s4;
	[sflag:s12] =	ssyncset.done $0x0  }
0x18: {  	p0 =	por $0x1, $0x1;
	s10 =	rddreg [dreg:$0x4];
	[sflag:s12] =	ssyncadd.s32 $0xFFFFD800  }
0x19: {  	[tilespmem:s13], [sflag:$0xB] =	stream.linear.gather [hbm4b:s10+s4], $0x1400, $0x38;
	[tilespmem:$0x15800] =	vst v63  }
0x1a: {  	s1 =	sand.u32 $0x380, s4;
	s25 =	simm.s32 $0x80;
	_ =	swait.ge [sflag:s12], $0x1400  }
0x1b: {  	s0 =	sadd.s32 s8, s24;
	s5 =	simm.s32 @!p0 $0x6;
	[sflag:s12] =	ssyncset.done $0x0  }
0x1c: {  	s6 =	sand.u32 $0x1FC00, s25;
	s0 =	sor.u32 s1, s0;
	[sflag:s12] =	ssyncadd.s32 $0xFFFFEC00  }
0x1d: {  	s9 =	sadd.s32 s8, s6;
	s1 =	sand.u32 $0x380, s25;
	[bflag:$0x0] =	sbarrier.arrive $0xFFFF  }
0x1e: {  	s6 =	simm.s32 $0x180;
	s0 =	sshrl.u32 s0, $0x3;
	_ =	swait.ge @!p0 [sflag:s5], $0x1400  }
0x1f: {  	s0 =	sadd.s32 s2, s0;
	s10 =	simm.s32 $0x100;
	[sflag:s5] =	ssyncset.done @!p0 $0x0  }
0x20: {  	s24 =	sand.u32 $0x1FC00, s10;
	[sflag:s5] =	ssyncadd.s32 @!p0 $0xFFFFEC00;
	s5 =	simm.s32 @!p0 $0x7  }
0x21: {  	[tilespmem:s4], [sflag:$0x1] =	stream.linear.gather [hbm4b:s0+s4], $0x80, $0x38;
	[tilespmem:$0x15800] =	vst v63  }
0x22: {  	s25 =	sadd.s32 s8, s24;
	s0 =	sor.u32 s1, s9;
	_ =	swait.ge @!p0 [sflag:s5], $0x1400  }
0x23: {  	s1 =	sand.u32 $0x380, s10;
	s0 =	sshrl.u32 s0, $0x3;
	[sflag:s5] =	ssyncset.done @!p0 $0x0  }
0x24: {  	s0 =	sadd.s32 s2, s0;
	[sflag:s5] =	ssyncadd.s32 @!p0 $0xFFFFEC00;
	s5 =	simm.s32 @!p0 $0x8  }
0x25: {  	[tilespmem:s14], [sflag:$0x2] =	stream.linear.gather [hbm4b:s0+s4], $0x80, $0x38;
	[tilespmem:$0x15800] =	vst v63  }
0x26: {  	s9 =	sand.u32 $0x1FC00, s6;
	s0 =	sor.u32 s1, s25;
	_ =	swait.ge @!p0 [sflag:s5], $0x1400  }
0x27: {  	s10 =	simm.s32 $0x200;
	s0 =	sshrl.u32 s0, $0x3;
	[sflag:s5] =	ssyncset.done @!p0 $0x0  }
0x28: {  	s24 =	sand.u32 $0x1FC00, s10;
	s0 =	sadd.s32 s2, s0;
	[sflag:s5] =	ssyncadd.s32 @!p0 $0xFFFFEC00  }
0x29: {  	[tilespmem:s15], [sflag:$0x3] =	stream.linear.gather [hbm4b:s0+s4], $0x80, $0x38;
	[tilespmem:$0x15800] =	vst v63  }
0x2a: {  	s1 =	sand.u32 $0x380, s6;
	s5 =	sadd.s32 s8, s9;
	s0 =	simm.s32 @!p0 $0x9  }
0x2b: {  	s25 =	sand.u32 $0x380, s10;
	s1 =	sor.u32 s1, s5;
	_ =	swait.ge @!p0 [sflag:s0], $0x1400  }
0x2c: {  	s5 =	simm.s32 @!p0 $0xA;
	s1 =	sshrl.u32 s1, $0x3;
	[sflag:s0] =	ssyncset.done @!p0 $0x0  }
0x2d: {  	s1 =	sadd.s32 s2, s1;
	[sflag:s0] =	ssyncadd.s32 @!p0 $0xFFFFEC00;
	s0 =	sadd.s32 s8, s24  }
0x2e: {  	[tilespmem:s16], [sflag:$0x4] =	stream.linear.gather [hbm4b:s1+s4], $0x80, $0x38;
	[tilespmem:$0x15800] =	vst v63  }
0x2f: {  	s0 =	sor.u32 s25, s0;
	_ =	swait.ge @!p0 [sflag:s5], $0x1400  }
0x30: {  	s0 =	sshrl.u32 s0, $0x3;
	[sflag:s5] =	ssyncset.done @!p0 $0x0  }
0x31: {  	s0 =	sadd.s32 s2, s0;
	[sflag:s5] =	ssyncadd.s32 @!p0 $0xFFFFEC00  }
0x32: {  	[tilespmem:s17], [sflag:$0x5] =	stream.linear.gather [hbm4b:s0+s4], $0x80, $0x38;
	[tilespmem:$0x15800] =	vst v63  }
0x33: {  	_ =	swait.ge [sflag:s18], $0x80  }
0x34: {  	[sflag:s18] =	ssyncset.done $0x0  }
0x35: {  	[sflag:s18] =	ssyncadd.s32 $0xFFFFFF80  }
0x36: {  	[spmem:s3] =	stream.indirect.scatter.add.f32 [tilespmem:s13], [sflag:$0x6], $0x80, s4, s19, $0xb8;
	[tilespmem:$0x15800] =	vst v63  }
0x37: {  	_ =	swait.ge [sflag:s20], $0x80  }
0x38: {  	[sflag:s20] =	ssyncset.done $0x0  }
0x39: {  	[sflag:s20] =	ssyncadd.s32 $0xFFFFFF80  }
0x3a: {  	[spmem:s3] =	stream.indirect.scatter.add.f32 [tilespmem:s13], [sflag:$0x7], $0x80, s14, s19, $0xb8;
	[tilespmem:$0x15800] =	vst v63  }
0x3b: {  	_ =	swait.ge [sflag:s21], $0x80  }
0x3c: {  	[sflag:s21] =	ssyncset.done $0x0  }
0x3d: {  	s0 =	simm.s32 $0x280;
	[sflag:s21] =	ssyncadd.s32 $0xFFFFFF80  }
0x3e: {  	[spmem:s3] =	stream.indirect.scatter.add.f32 [tilespmem:s13], [sflag:$0x8], $0x80, s15, s19, $0xb8;
	[tilespmem:$0x15800] =	vst v63  }
0x3f: {  	s31 =	simm.s32 $0x500;
	s5 =	sand.u32 $0x380, s0;
	_ =	swait.ge [sflag:s22], $0x80  }
.LBB2_2:
0x40: {  	s6 =	sand.u32 $0xFC00, s0  }
0x41: {  	s9 =	sadd.s32 $0x180, s0;
	s1 =	smov.u32 s31;
	s31 =	sadd.s32 $0x280, s31  }
0x42: {  	s10 =	sadd.s32 $0x80, s0;
	s6 =	sadd.s32 s8, s6;
	[sflag:s22] =	ssyncset.done $0x0  }
0x43: {  	s5 =	sor.u32 s5, s6;
	s6 =	sand.u32 $0x1FC00, s10;
	[sflag:s22] =	ssyncadd.s32 $0xFFFFFF80  }
0x44: {  	[spmem:s3] =	stream.indirect.scatter.add.f32 [tilespmem:s13], [sflag:$0x9], $0x80, s16, s19, $0xb8;
	[tilespmem:$0x15800] =	vst v63  }
0x45: {  	s10 =	sand.u32 $0x380, s10;
	s6 =	sadd.s32 s8, s6;
	_ =	swait.ge [sflag:s23], $0x80  }
0x46: {  	p0 =	seq.s32 s0, $0x0;
	s6 =	sor.u32 s10, s6;
	[sflag:s23] =	ssyncset.done $0x0  }
0x47: {  	s5 =	sshrl.u32 s5, $0x3;
	s10 =	simm.s32 @!p0 $0x6;
	[sflag:s23] =	ssyncadd.s32 $0xFFFFFF80  }
0x48: {  	[spmem:s3] =	stream.indirect.scatter.add.f32 [tilespmem:s13], [sflag:$0xA], $0x80, s17, s19, $0xb8;
	[tilespmem:$0x15800] =	vst v63  }
0x49: {  	s24 =	sadd.s32 $0x200, s0;
	s5 =	sadd.s32 s2, s5;
	_ =	swait.ge @!p0 [sflag:s10], $0x1400  }
0x4a: {  	s0 =	sadd.s32 $0x100, s0;
	s25 =	sand.u32 $0x380, s24;
	[sflag:s10] =	ssyncset.done @!p0 $0x0  }
0x4b: {  	s6 =	sshrl.u32 s6, $0x3;
	[sflag:s10] =	ssyncadd.s32 @!p0 $0xFFFFEC00;
	s10 =	simm.s32 @!p0 $0x7  }
0x4c: {  	[tilespmem:s4], [sflag:$0x1] =	stream.linear.gather [hbm4b:s5+s4], $0x80, $0x38;
	[tilespmem:$0x15800] =	vst v63  }
0x4d: {  	s5 =	sadd.s32 s2, s6;
	s6 =	sand.u32 $0x1FC00, s0;
	_ =	swait.ge @!p0 [sflag:s10], $0x1400  }
0x4e: {  	s0 =	sand.u32 $0x380, s0;
	s6 =	sadd.s32 s8, s6;
	[sflag:s10] =	ssyncset.done @!p0 $0x0  }
0x4f: {  	s0 =	sor.u32 s0, s6;
	[sflag:s10] =	ssyncadd.s32 @!p0 $0xFFFFEC00;
	s10 =	simm.s32 @!p0 $0x8  }
0x50: {  	[tilespmem:s14], [sflag:$0x2] =	stream.linear.gather [hbm4b:s5+s4], $0x80, $0x38;
	[tilespmem:$0x15800] =	vst v63  }
0x51: {  	s0 =	sshrl.u32 s0, $0x3;
	s5 =	simm.s32 @!p0 $0x9;
	_ =	swait.ge @!p0 [sflag:s10], $0x1400  }
0x52: {  	s6 =	sand.u32 $0x1FC00, s9;
	s9 =	sand.u32 $0x380, s9;
	[sflag:s10] =	ssyncset.done @!p0 $0x0  }
0x53: {  	s6 =	sadd.s32 s8, s6;
	s0 =	sadd.s32 s2, s0;
	[sflag:s10] =	ssyncadd.s32 @!p0 $0xFFFFEC00  }
0x54: {  	[tilespmem:s15], [sflag:$0x3] =	stream.linear.gather [hbm4b:s0+s4], $0x80, $0x38;
	[tilespmem:$0x15800] =	vst v63  }
0x55: {  	s0 =	sor.u32 s9, s6;
	s6 =	simm.s32 @!p0 $0xA;
	_ =	swait.ge @!p0 [sflag:s5], $0x1400  }
0x56: {  	s9 =	sand.u32 $0x1FC00, s24;
	s0 =	sshrl.u32 s0, $0x3;
	[sflag:s5] =	ssyncset.done @!p0 $0x0  }
0x57: {  	s0 =	sadd.s32 s2, s0;
	[sflag:s5] =	ssyncadd.s32 @!p0 $0xFFFFEC00;
	s5 =	sadd.s32 s8, s9  }
0x58: {  	[tilespmem:s16], [sflag:$0x4] =	stream.linear.gather [hbm4b:s0+s4], $0x80, $0x38;
	[tilespmem:$0x15800] =	vst v63  }
0x59: {  	p1 =	sne.s32 s31, $0x7D00;
	s0 =	sor.u32 s25, s5;
	_ =	swait.ge @!p0 [sflag:s6], $0x1400  }
0x5a: {  	s5 =	sshrl.u32 s0, $0x3;
	s0 =	smov.u32 s1;
	[sflag:s6] =	ssyncset.done @!p0 $0x0  }
0x5b: {  	s1 =	sadd.s32 s2, s5;
	[sflag:s6] =	ssyncadd.s32 @!p0 $0xFFFFEC00  }
0x5c: {  	[tilespmem:s17], [sflag:$0x5] =	stream.linear.gather [hbm4b:s1+s4], $0x80, $0x38;
	[tilespmem:$0x15800] =	vst v63  }
0x5d: {  	_ =	swait.ge [sflag:s18], $0x80  }
0x5e: {  	[sflag:s18] =	ssyncset.done $0x0  }
0x5f: {  	[sflag:s18] =	ssyncadd.s32 $0xFFFFFF80  }
0x60: {  	[spmem:s3] =	stream.indirect.scatter.add.f32 [tilespmem:s13], [sflag:$0x6], $0x80, s4, s19, $0xb8;
	[tilespmem:$0x15800] =	vst v63  }
0x61: {  	_ =	swait.ge [sflag:s20], $0x80  }
0x62: {  	[sflag:s20] =	ssyncset.done $0x0  }
0x63: {  	[sflag:s20] =	ssyncadd.s32 $0xFFFFFF80  }
0x64: {  	[spmem:s3] =	stream.indirect.scatter.add.f32 [tilespmem:s13], [sflag:$0x7], $0x80, s14, s19, $0xb8;
	[tilespmem:$0x15800] =	vst v63  }
.Ltmp0:
0x65: {  	_ =	swait.ge [sflag:s21], $0x80;
	(pc) =	sbr.rel @p1 .LBB2_2-.Ltmp0, $4  }
0x66: {  	[sflag:s21] =	ssyncset.done $0x0  }
0x67: {  	[sflag:s21] =	ssyncadd.s32 $0xFFFFFF80  }
0x68: {  	[spmem:s3] =	stream.indirect.scatter.add.f32 [tilespmem:s13], [sflag:$0x8], $0x80, s15, s19, $0xb8;
	[tilespmem:$0x15800] =	vst v63  }
0x69: {  	s5 =	sand.u32 $0x380, s0;
	_ =	swait.ge [sflag:s22], $0x80  }
0x6a: {  	[sflag:s22] =	ssyncset.done $0x0  }
0x6b: {  	s1 =	sand.u32 $0xFC00, s0;
	p0 =	seq.s32 s0, $0x0;
	[sflag:s22] =	ssyncadd.s32 $0xFFFFFF80  }
0x6c: {  	[spmem:s3] =	stream.indirect.scatter.add.f32 [tilespmem:s13], [sflag:$0x9], $0x80, s16, s19, $0xb8;
	[tilespmem:$0x15800] =	vst v63  }
0x6d: {  	s24 =	sadd.s32 $0x80, s0;
	s9 =	sadd.s32 $0x100, s0;
	_ =	swait.ge [sflag:s23], $0x80  }
0x6e: {  	s1 =	sadd.s32 s8, s1;
	s6 =	simm.s32 @!p0 $0x6;
	[sflag:s23] =	ssyncset.done $0x0  }
0x6f: {  	s25 =	sand.u32 $0x1FC00, s24;
	s10 =	sand.u32 $0x1FC00, s9;
	[sflag:s23] =	ssyncadd.s32 $0xFFFFFF80  }
0x70: {  	[spmem:s3] =	stream.indirect.scatter.add.f32 [tilespmem:s13], [sflag:$0xA], $0x80, s17, s19, $0xb8;
	[tilespmem:$0x15800] =	vst v63  }
0x71: {  	s1 =	sor.u32 s5, s1;
	s31 =	sadd.s32 s8, s25;
	_ =	swait.ge @!p0 [sflag:s6], $0x1400  }
0x72: {  	s5 =	sand.u32 $0x380, s24;
	s1 =	sshrl.u32 s1, $0x3;
	[sflag:s6] =	ssyncset.done @!p0 $0x0  }
0x73: {  	s1 =	sadd.s32 s2, s1;
	[sflag:s6] =	ssyncadd.s32 @!p0 $0xFFFFEC00;
	s6 =	simm.s32 @!p0 $0x7  }
0x74: {  	[tilespmem:s4], [sflag:$0x1] =	stream.linear.gather [hbm4b:s1+s4], $0x80, $0x38;
	[tilespmem:$0x15800] =	vst v63  }
0x75: {  	s24 =	sadd.s32 s8, s10;
	s1 =	sor.u32 s5, s31;
	_ =	swait.ge @!p0 [sflag:s6], $0x1400  }
0x76: {  	s5 =	sand.u32 $0x380, s9;
	s1 =	sshrl.u32 s1, $0x3;
	[sflag:s6] =	ssyncset.done @!p0 $0x0  }
0x77: {  	s1 =	sadd.s32 s2, s1;
	[sflag:s6] =	ssyncadd.s32 @!p0 $0xFFFFEC00;
	s6 =	simm.s32 @!p0 $0x8  }
0x78: {  	[tilespmem:s14], [sflag:$0x2] =	stream.linear.gather [hbm4b:s1+s4], $0x80, $0x38;
	[tilespmem:$0x15800] =	vst v63  }
0x79: {  	s1 =	sor.u32 s5, s24;
	_ =	swait.ge @!p0 [sflag:s6], $0x1400  }
0x7a: {  	s25 =	sadd.s32 $0x180, s0;
	s1 =	sshrl.u32 s1, $0x3;
	[sflag:s6] =	ssyncset.done @!p0 $0x0  }
0x7b: {  	s31 =	sand.u32 $0x1FC00, s25;
	s1 =	sadd.s32 s2, s1;
	[sflag:s6] =	ssyncadd.s32 @!p0 $0xFFFFEC00  }
0x7c: {  	[tilespmem:s15], [sflag:$0x3] =	stream.linear.gather [hbm4b:s1+s4], $0x80, $0x38;
	[tilespmem:$0x15800] =	vst v63  }
0x7d: {  	s5 =	sand.u32 $0x380, s25;
	s6 =	sadd.s32 s8, s31;
	s1 =	simm.s32 @!p0 $0x9  }
0x7e: {  	s5 =	sor.u32 s5, s6;
	_ =	swait.ge @!p0 [sflag:s1], $0x1400  }
0x7f: {  	s6 =	sadd.s32 $0x200, s0;
	s5 =	sshrl.u32 s5, $0x3;
	[sflag:s1] =	ssyncset.done @!p0 $0x0  }
0x80: {  	s9 =	sand.u32 $0x1FC00, s6;
	s5 =	sadd.s32 s2, s5;
	[sflag:s1] =	ssyncadd.s32 @!p0 $0xFFFFEC00  }
0x81: {  	[tilespmem:s16], [sflag:$0x4] =	stream.linear.gather [hbm4b:s5+s4], $0x80, $0x38;
	[tilespmem:$0x15800] =	vst v63  }
0x82: {  	s0 =	sand.u32 $0x380, s6;
	s1 =	sadd.s32 s8, s9;
	s5 =	simm.s32 @!p0 $0xA  }
0x83: {  	s0 =	sor.u32 s0, s1;
	_ =	swait.ge @!p0 [sflag:s5], $0x1400  }
0x84: {  	s0 =	sshrl.u32 s0, $0x3;
	[sflag:s5] =	ssyncset.done @!p0 $0x0  }
0x85: {  	s0 =	sadd.s32 s2, s0;
	[sflag:s5] =	ssyncadd.s32 @!p0 $0xFFFFEC00  }
0x86: {  	[tilespmem:s17], [sflag:$0x5] =	stream.linear.gather [hbm4b:s0+s4], $0x80, $0x38;
	[tilespmem:$0x15800] =	vst v63  }
0x87: {  	_ =	swait.ge [sflag:s18], $0x80  }
0x88: {  	[sflag:s18] =	ssyncset.done $0x0  }
0x89: {  	[sflag:s18] =	ssyncadd.s32 $0xFFFFFF80  }
0x8a: {  	[spmem:s3] =	stream.indirect.scatter.add.f32 [tilespmem:s13], [sflag:$0x6], $0x80, s4, s19, $0xb8;
	[tilespmem:$0x15800] =	vst v63  }
0x8b: {  	_ =	swait.ge [sflag:s20], $0x80  }
0x8c: {  	[sflag:s20] =	ssyncset.done $0x0  }
0x8d: {  	[sflag:s20] =	ssyncadd.s32 $0xFFFFFF80  }
0x8e: {  	[spmem:s3] =	stream.indirect.scatter.add.f32 [tilespmem:s13], [sflag:$0x7], $0x80, s14, s19, $0xb8;
	[tilespmem:$0x15800] =	vst v63  }
0x8f: {  	_ =	swait.ge [sflag:s21], $0x80  }
0x90: {  	[sflag:s21] =	ssyncset.done $0x0  }
0x91: {  	[sflag:s21] =	ssyncadd.s32 $0xFFFFFF80  }
0x92: {  	[spmem:s3] =	stream.indirect.scatter.add.f32 [tilespmem:s13], [sflag:$0x8], $0x80, s15, s19, $0xb8;
	[tilespmem:$0x15800] =	vst v63  }
0x93: {  	_ =	swait.ge [sflag:s22], $0x80  }
0x94: {  	[sflag:s22] =	ssyncset.done $0x0  }
0x95: {  	[sflag:s22] =	ssyncadd.s32 $0xFFFFFF80  }
0x96: {  	[spmem:s3] =	stream.indirect.scatter.add.f32 [tilespmem:s13], [sflag:$0x9], $0x80, s16, s19, $0xb8;
	[tilespmem:$0x15800] =	vst v63  }
0x97: {  	_ =	swait.ge [sflag:s23], $0x80  }
0x98: {  	[sflag:s23] =	ssyncset.done $0x0  }
0x99: {  	s10 =	simm.s32 $0x6;
	[sflag:s23] =	ssyncadd.s32 $0xFFFFFF80  }
0x9a: {  	[spmem:s3] =	stream.indirect.scatter.add.f32 [tilespmem:s13], [sflag:$0xA], $0x80, s17, s19, $0xb8;
	[tilespmem:$0x15800] =	vst v63  }
0x9b: {  	_ =	swait.ge [sflag:s10], $0x1400  }
0x9c: {  	[sflag:s10] =	ssyncset.done $0x0  }
0x9d: {  	s24 =	simm.s32 $0x7;
	[sflag:s10] =	ssyncadd.s32 $0xFFFFEC00  }
0x9e: {  	_ =	swait.ge [sflag:s24], $0x1400  }
0x9f: {  	[sflag:s24] =	ssyncset.done $0x0  }
0xa0: {  	[sflag:s24] =	ssyncadd.s32 $0xFFFFEC00  }
0xa1: {  	_ =	swait.ge [sflag:s26], $0x1400  }
0xa2: {  	[sflag:s26] =	ssyncset.done $0x0  }
0xa3: {  	[sflag:s26] =	ssyncadd.s32 $0xFFFFEC00  }
0xa4: {  	_ =	swait.ge [sflag:s28], $0x1400  }
0xa5: {  	[sflag:s28] =	ssyncset.done $0x0  }
0xa6: {  	[sflag:s28] =	ssyncadd.s32 $0xFFFFEC00  }
0xa7: {  	_ =	swait.ge [sflag:s29], $0x1400  }
0xa8: {  	[sflag:s29] =	ssyncset.done $0x0  }
0xa9: {  	[sflag:s29] =	ssyncadd.s32 $0xFFFFEC00  }
0xaa: {  	[bflag:$0x0] =	sbarrier.arrive $0xFFFF  }
0xab: {  	s25 =	rddreg [dreg:$0x6]  }
0xac: {  	[hbm:s25], [sflag:s7] =	dma.local [spmem:s11], $0x2800  }
0xad: {  	_ =	swait.ge [sflag:s12], $0x2800  }
0xae: {  	s30 =	sadd.s32 $0x1, s30;
	s31 =	rddreg [dreg:$0x7]  }
0xaf: {  	p0 =	sne.s32 s30, s31  }
.Ltmp1:
0xb0: {  	_ = 	snop;
	(pc) =	sbr.rel @p0 .LBB2_1-.Ltmp1, $3  }
0xb1: {  	_ =	sdelay $0x1  }
0xb2: {  	[sflag:s12] =	ssyncset.done $0x0  }
0xb3: {  	[sflag:s12] =	ssyncadd.s32 $0xFFFFD800  }
0xb4: {  	_ =	sfence.sel $0x180000  }
0xb5: {  	[bflag:$0x0] =	sbarrier.arrive $0xFFFF  }
0xb6: {  	_ =	strace $0x9000004A  }
0xb7: {  	s0 =	stileid.u32;
	[bflag:$0x2] =	sbarrier.arrive $0xFFFF  }
0xb8: {  	p0 =	sne.s32 s0, $0x0;
	s0 =	rddreg [dreg:$0x3]  }
0xb9: {  	s0 =	sadd.s32 @!p0 $0x100000, s0  }
0xba: {  	[sflag:s0] =	ssyncadd.tile.s32 @!p0 $0x1;
	_ =	shalt  }
.Lfunc_end2:
_tile_overlayer_lowered:
.L_overlay_start_2:
0xbb: {  	(tag) =	ssettag $0x2  }
0xbc: {  	s0 =	rddreg [dreg:$0x0];
	s2 =	stileid.u32  }
0xbd: {  	s1 =	rddreg [dreg:$0x1];
	p0 =	sne.s32 s2, $0x0  }
0xbe: {  	s3 =	rddreg [dreg:$0x2];
	[bflag:$0x3] =	sbarrier.arrive $0xFFFF;
	s2 =	simm.s32 @!p0 $0x1C0B  }
0xbf: {  	[timem:s3], [sflag:s2] =	dma.local @!p0 [hbm:s0], s1  }
0xc0: {  	s0 =	simm.s32 @!p0 $0xB  }
0xc1: {  	_ =	swait.ge @!p0 [sflag:s0], s1  }
0xc2: {  	s1 =	ssub.s32 @!p0 $0x0, s1;
	[sflag:s0] =	ssyncset.done @!p0 $0x0  }
0xc3: {  	[sflag:s0] =	ssyncadd.s32 @!p0 s1  }
0xc4: {  	[bflag:$0x3] =	sbarrier.arrive $0xFFFF  }
0xc5: {  	_ =	shalt  }

// kernel: kernel.7.cloned.1.call-start
scs
__scs_entry_jumppad:
0x0: {  	(pc) =	sbr.rel $0x88, $3  }
0x1: {  	(tag) =	ssettag $0x0;
	lr =	simm.s32 $0x1  }
0x2: {  	[smem:$0x3F9B] =	sst lr;
	_ =	strace $0xD0000000  }
0x3: {  	_ = 	snop  }
0x4: {  	_ = 	snop  }
0x5: {  	_ = 	snop  }
0x6: {  	_ = 	snop  }
0x7: {  	_ = 	snop  }
__scs_overlays_trampoline_lowered:
0x8: {  	[smem:$0x3FAA] =	sst s0  }
0x9: {  	[smem:$0x3FAB] =	sst s1  }
0xa: {  	[smem:$0x3FAC] =	sst s2  }
0xb: {  	[smem:$0x3FAD] =	sst s3  }
0xc: {  	[smem:$0x3FAE] =	sst s4  }
0xd: {  	[smem:$0x3FAF] =	sst s5  }
0xe: {  	[smem:$0x3FB0] =	sst s6  }
0xf: {  	[smem:$0x3FB1] =	sst s7  }
0x10: {  	[smem:$0x3FB2] =	sst s8  }
0x11: {  	[smem:$0x3FB3] =	sst s9;
	s0 =	simm.s32 @!p0 $0x0  }
0x12: {  	s1 =	sld [smem:$0x3F99];
	s0 =	simm.s32 @p0 $0x1  }
0x13: {  	[smem:$0x3FB4] =	sst s0;
	s0 =	simm.s32 @!p1 $0x0  }
0x14: {  	s2 =	sld [smem:$0x3F98];
	s0 =	simm.s32 @p1 $0x1  }
0x15: {  	[smem:$0x3FB5] =	sst s0;
	s0 =	simm.s32 @!p2 $0x0  }
0x16: {  	s3 =	sld [smem:$0x3FDB];
	s0 =	simm.s32 @p2 $0x1  }
0x17: {  	s4 =	simm.s32 $0x1BF5;
	[smem:$0x3FB7] =	sst s0  }
0x18: {  	s0 =	sld [smem:$0x3F9A];
	_ =	swait.ge [sflag:s4], $0x0  }
0x19: {  	s7 =	sld [smem:$0x3F9B]  }
0x1a: {  	s8 =	sadd.s32 $0xFFFFE003, lr  }
0x1b: {  	s9 =	sadd.s32 $0xFFFFFEF7, lr;
	s5 =	simm.s32 $0xFFFFFFFF;
	p2 =	slt.u32 s8, $0xFFFFF086  }
0x1c: {  	p1 =	slt.u32 s9, $0xF7A;
	s5 =	simm.s32 @!p2 $0x0  }
0x1d: {  	s5 =	simm.s32 @p1 $0x1;
	p0 =	seq.s32 s7, s2  }
0x1e: {  	s7 =	smul.u32 @!p0 $0xF7A, s2;
	p2 =	seq.s32 @!p0 s5, $0x0  }
0x1f: {  	s9 =	smul.u32 $0xF7A, s1;
	s8 =	simm.s32 @!p0 $0x1BF5;
	p2 =	por !p2, p0  }
0x20: {  	[sflag:s8] =	ssyncset.s32 @!p0 $0xFFFFF086;
	s6 =	sadd.s32 @!p0 s3, s7;
	s7 =	simm.s32 @!p0 $0x108  }
0x21: {  	s3 =	sadd.s32 s3, s9;
	s6 =	sadd.s32 @!p0 $0x88, s6;
	s7 =	simm.s32 @p2 $0x1082  }
0x22: {  	[simem:s7], [sflag:s8] =	dma.local @!p0 [hbm:s6], $0xF7A  }
0x23: {  	s9 =	sor.u32 $0xD0000000, s2;
	s6 =	simm.s32 $0x108;
	_ =	swait.ge @!p0 [sflag:s8], $0x0  }
0x24: {  	s3 =	sadd.s32 $0x88, s3;
	s6 =	simm.s32 @!p1 $0x1082;
	[sflag:s4] =	ssyncset.s32 $0xFFFFF086  }
0x25: {  	[simem:s6], [sflag:s4] =	dma.local [hbm:s3], $0xF7A  }
0x26: {  	[smem:$0x3F9B] =	sst s1;
	(tag) =	ssettag s2;
	_ =	strace s9  }
0x27: {  	s1 =	sld [smem:$0x3FAB]  }
0x28: {  	s2 =	sld [smem:$0x3FAC]  }
0x29: {  	s4 =	sld [smem:$0x3FAE]  }
0x2a: {  	p0 =	seq.s32 s5, $0x0;
	s5 =	sld [smem:$0x3FAF]  }
0x2b: {  	s6 =	sld [smem:$0x3FB0]  }
0x2c: {  	s7 =	sld [smem:$0x3FB1]  }
0x2d: {  	s3 =	simm.s32 $0x108;
	s8 =	sld [smem:$0x3FB2]  }
0x2e: {  	s3 =	simm.s32 @!p0 $0x1082;
	s9 =	sld [smem:$0x3FB3]  }
0x2f: {  	lr =	sadd.s32 s0, s3;
	s0 =	sld [smem:$0x3FAA]  }
0x30: {  	s3 =	sld [smem:$0x3FAD]  }
0x31: {  	[smem:$0x3FB6] =	sst s10  }
0x32: {  	s10 =	sld [smem:$0x3FB4];
	_ =	sdelay $0x3  }
0x33: {  	p0 =	seq.s32 s10, $0x1;
	s10 =	sld [smem:$0x3FB6];
	_ =	sdelay $0x3  }
0x34: {  	[smem:$0x3FB6] =	sst s10  }
0x35: {  	s10 =	sld [smem:$0x3FB5];
	_ =	sdelay $0x3  }
0x36: {  	p1 =	seq.s32 s10, $0x1;
	s10 =	sld [smem:$0x3FB6];
	_ =	sdelay $0x3  }
0x37: {  	[smem:$0x3FB6] =	sst s10  }
0x38: {  	s10 =	sld [smem:$0x3FB7]  }
0x39: {  	_ = 	snop;
	(pc) =	sbr.ind lr, $3  }
0x3a: {  	_ = 	snop  }
0x3b: {  	_ = 	snop  }
0x3c: {  	p2 =	seq.s32 s10, $0x1;
	s10 =	sld [smem:$0x3FB6]  }
0x3d: {  	_ =	shalt  }
0x3e: {  	_ =	shalt  }
0x3f: {  	_ =	shalt  }
0x40: {  	_ =	shalt  }
0x41: {  	_ =	shalt  }
0x42: {  	_ =	shalt  }
0x43: {  	_ =	shalt  }
0x44: {  	_ =	shalt  }
0x45: {  	_ =	shalt  }
0x46: {  	_ =	shalt  }
0x47: {  	_ =	shalt  }
0x48: {  	_ =	shalt  }
0x49: {  	_ =	shalt  }
0x4a: {  	_ =	shalt  }
0x4b: {  	_ =	shalt  }
0x4c: {  	_ =	shalt  }
0x4d: {  	_ =	shalt  }
0x4e: {  	_ =	shalt  }
0x4f: {  	_ =	shalt  }
0x50: {  	_ =	shalt  }
0x51: {  	_ =	shalt  }
0x52: {  	_ =	shalt  }
0x53: {  	_ =	shalt  }
0x54: {  	_ =	shalt  }
0x55: {  	_ =	shalt  }
0x56: {  	_ =	shalt  }
0x57: {  	_ =	shalt  }
0x58: {  	_ =	shalt  }
0x59: {  	_ =	shalt  }
0x5a: {  	_ =	shalt  }
0x5b: {  	_ =	shalt  }
0x5c: {  	_ =	shalt  }
0x5d: {  	_ =	shalt  }
0x5e: {  	_ =	shalt  }
0x5f: {  	_ =	shalt  }
0x60: {  	_ =	shalt  }
0x61: {  	_ =	shalt  }
0x62: {  	_ =	shalt  }
0x63: {  	_ =	shalt  }
0x64: {  	_ =	shalt  }
0x65: {  	_ =	shalt  }
0x66: {  	_ =	shalt  }
0x67: {  	_ =	shalt  }
0x68: {  	_ =	shalt  }
0x69: {  	_ =	shalt  }
0x6a: {  	_ =	shalt  }
0x6b: {  	_ =	shalt  }
0x6c: {  	_ =	shalt  }
0x6d: {  	_ =	shalt  }
0x6e: {  	_ =	shalt  }
0x6f: {  	_ =	shalt  }
0x70: {  	_ =	shalt  }
0x71: {  	_ =	shalt  }
0x72: {  	_ =	shalt  }
0x73: {  	_ =	shalt  }
0x74: {  	_ =	shalt  }
0x75: {  	_ =	shalt  }
0x76: {  	_ =	shalt  }
0x77: {  	_ =	shalt  }
0x78: {  	_ =	shalt  }
0x79: {  	_ =	shalt  }
0x7a: {  	_ =	shalt  }
0x7b: {  	_ =	shalt  }
0x7c: {  	_ =	shalt  }
0x7d: {  	_ =	shalt  }
0x7e: {  	_ =	shalt  }
0x7f: {  	_ =	shalt  }
0x80: {  	_ =	shalt  }
0x81: {  	_ =	shalt  }
0x82: {  	_ =	shalt  }
0x83: {  	_ =	shalt  }
0x84: {  	_ =	shalt  }
0x85: {  	_ =	shalt  }
0x86: {  	_ =	shalt  }
0x87: {  	_ =	shalt  }
.Lfunc_end0:
.L_simem_size_0:
called_computation_lowered:
.L_overlay_start_0:
0x88: {  	s2 =	sld [smem:$0x3FD9]  }
0x89: {  	s3 =	sld [smem:$0x3FFE];
	_ =	sdelay $0x1  }
0x8a: {  	s1 =	srdreg.scid  }
0x8b: {  	s0 =	sand.u32 $0x1, s1  }
0x8c: {  	s17 =	sshll.u32 s0, $0xA;
	s2 =	sadd.s32 s3, s2  }
0x8d: {  	s2 =	sadd.s32 s2, s17  }
0x8e: {  	[smem:$0x3FC2] =	sst s2  }
0x8f: {  	_ = 	snop  }
0x90: {  	s2 =	sld [smem:$0x3FC9];
	(tm) =	ssettm $0x1  }
0x91: {  	s18 =	sld [smem:$0x3FFB];
	_ =	sdelay $0x3  }
0x92: {  	_ =	strace s18  }
0x93: {  	s3 =	sld [smem:$0x3FFC];
	_ =	sdelay $0x3  }
0x94: {  	_ =	strace s3  }
0x95: {  	s3 =	sld [smem:$0x3FFD];
	_ =	sdelay $0x3  }
0x96: {  	_ =	strace s3  }
0x97: {  	_ =	strace $0x8FFFFFFF  }
0x98: {  	s19 =	sld [smem:$0x3FDB];
	_ =	sdelay $0x1  }
0x99: {  	s4 =	simm.s32 $_scs_section_size  }
0x9a: {  	s5 =	simm.s32 $_size__tile_overlayer_lowered;
	s6 =	simm.s32 $_tile_overlayer_lowered  }
0x9b: {  	s22 =	simm.s32 $0x1BFF;
	s21 =	sshll.u32 s6, $0x1;
	s3 =	sadd.s32 s4, s19  }
0x9c: {  	s7 =	simm.s32 $0x0;
	s20 =	sshll.u32 s5, $0x1;
	s5 =	sadd.s32 s21, s3  }
0x9d: {  	[timem:s7], [sflag:s22] =	dma.local [hbm:s5], s20  }
0x9e: {  	_ =	swait.ge [sflag:s22], s20  }
0x9f: {  	s4 =	ssub.s32 $0x0, s20;
	[sflag:s22] =	ssyncset.done $0x0  }
0xa0: {  	[sflag:s22] =	ssyncadd.s32 s4;
	_ =	sdelay $0x1  }
0xa1: {  	s23 =	simm.s32 $0x1B8B  }
0xa2: {  	_ =	swait.ge [sflag:s23], $0x1  }
0xa3: {  	[sflag:s23] =	ssyncset.done $0x0  }
0xa4: {  	s25 =	simm.s32 $0x1B8E;
	s24 =	sld [smem:$0x3FFE];
	[sflag:s23] =	ssyncadd.s32 $0xFFFFFFFF  }
0xa5: {  	s26 =	simm.s32 $execute0_lowered;
	[smem:$0x3FD2] =	sst s25  }
0xa6: {  	s5 =	sshll.u32 s26, $0x1;
	_ =	strace $0x80000046;
	[dreg:$0x1] =	wrdreg $0xFFFFFFFF  }
0xa7: {  	s28 =	simm.s32 $_size_execute0_lowered;
	s3 =	sadd.s32 s3, s5;
	[dreg:$0x0] =	wrdreg $0x0  }
0xa8: {  	s5 =	sshll.u32 s28, $0x1;
	[dreg:$0x2] =	wrdreg s3  }
0xa9: {  	[dreg:$0x3] =	wrdreg s5  }
0xaa: {  	[dreg:$0x4] =	wrdreg $0xC0  }
0xab: {  	_ =	task [dreg:s7], $0x5FFFF  }
0xac: {  	[dreg:$0x1] =	wrdreg $0xFFFFFFFF  }
0xad: {  	[dreg:$0x0] =	wrdreg $0x60  }
0xae: {  	[dreg:$0x2] =	wrdreg s2  }
0xaf: {  	[dreg:$0x3] =	wrdreg s24  }
0xb0: {  	[dreg:$0x4] =	wrdreg $0xA  }
0xb1: {  	_ =	task.clear_ibuf [dreg:s7], $0x5FFFF;
	_ =	strace $0x90000046  }
0xb2: {  	s29 =	simm.s32 $0xA;
	_ =	strace $0x80000048  }
0xb3: {  	_ =	swait.ge [sflag:s29], $0x1  }
0xb4: {  	[sflag:s29] =	ssyncadd.s32 $0xFFFFFFFF  }
0xb5: {  	_ =	strace $0x90000048  }
0xb6: {  	_ =	sfence  }
0xb7: {  	s30 =	sld [smem:$0x0];
	_ =	sdelay $0x2  }
0xb8: {  	s31 =	sshll.u32 s1, $0xD;
	s1 =	sshrl.u32 s1, $0x2  }
0xb9: {  	s3 =	sand.u32 $0x4000, s31;
	s1 =	sadd.s32 s1, s30  }
0xba: {  	s0 =	sor.u32 s3, s0;
	s1 =	sshll.u32 s1, $0x11  }
0xbb: {  	s0 =	sor.u32 s1, s0  }
0xbc: {  	s0 =	sadd.s32 $0x8F2B, s0  }
0xbd: {  	[sflag:s0] =	ssyncadd.remote.s32 $0x1  }
0xbe: {  	_ =	sfence.sel $0xFFFF  }
0xbf: {  	[dreg:$0x0] =	wrdreg $0xFFFFFFFF;
	(pc) =	sbr.abs _section_cstart, $3  }
0xc0: {  	[dreg:$0x1] =	wrdreg $0xFFFFFFFF  }
0xc1: {  	_ =	task.clear_ibuf [dreg:s7], $0x2FFFF;
	_ =	strace $0x9FFFFFFF  }
0xc2: {  	(tm) =	ssettm $0x7FFFFFFF  }
0xc3: {  	_ =	shalt  }
tec
execute0_lowered:
.L_overlay_start_1:
0x0: {  	(tag) =	ssettag $0x1  }
0x1: {  	s1 =	srdreg.scid;
	s2 =	rddreg [dreg:$0x0]  }
0x2: {  	s0 =	stileid.u32;
	s6 =	rddreg [dreg:$0x1]  }
0x3: {  	s4 =	simm.s32 $0x0;
	s31 =	simm.s32 $0x50;
	s11 =	simm.s32 $0x2780  }
0x4: {  	s10 =	simm.s32 $0x1;
	s12 =	simm.s32 $0x4F80;
	s13 =	simm.s32 $0x7780  }
0x5: {  	s14 =	simm.s32 $0x9F80;
	s15 =	simm.s32 $0x6;
	s16 =	simm.s32 $0x7  }
0x6: {  	s17 =	simm.s32 $0x8;
	s18 =	simm.s32 $0x9;
	s19 =	simm.s32 $0xA  }
0x7: {  	s20 =	simm.s32 $0x0;
	s5 =	sand.u32 $0x1, s1;
	[smem:$0x7FF] =	sst s4  }
0x8: {  	s29 =	sshll.u32 s0, $0x1;
	_ =	strace $0x80000047;
	[dreg:$0x3] =	wrdreg s31  }
0x9: {  	s1 =	sor.u32 s5, s29;
	s8 =	ssub.s32 $0x2, s5;
	[dreg:$0x4] =	wrdreg s11  }
0xa: {  	s5 =	sadd.s32 $0xAE00, s6;
	[dreg:$0x5] =	wrdreg s12;
	s3 =	smul.u32 $0x2710, s1  }
0xb: {  	s11 =	simm.s32 $0x2;
	s12 =	simm.s32 $0x3;
	[dreg:$0x6] =	wrdreg s13  }
0xc: {  	s13 =	simm.s32 $0x4;
	[dreg:$0x7] =	wrdreg s14;
	s7 =	sshrl.u32 s3, $0x3  }
0xd: {  	s14 =	simm.s32 $0x5;
	s9 =	sshrl.u32 s8, $0x1;
	s7 =	sadd.s32 s7, s6  }
0xe: {  	s8 =	ssub.s32 s8, s9;
	s9 =	simm.s32 $0xC780;
	s30 =	sadd.s32 $0x1000, s7  }
0xf: {  	s7 =	smax.u32 s8, $0x1;
	s8 =	simm.s32 $0xB;
	[dreg:$0x8] =	wrdreg s30  }
.LBB2_1:
0x10: {  	s0 =	rddreg [dreg:$0x8]  }
0x11: {  	[tilespmem:s4], [sflag:$0xB] =	stream.linear.gather [hbm4b:s0+s4], $0x2710, $0x38;
	[tilespmem:$0xEF80] =	vst v63  }
0x12: {  	_ =	swait.ge [sflag:s8], $0x2710  }
0x13: {  	p0 =	por $0x0, $0x0;
	[sflag:s8] =	ssyncset.done $0x0  }
0x14: {  	s21 =	simm.s32 @p0 $0x6;
	[sflag:s8] =	ssyncadd.s32 $0xFFFFD8F0  }
0x15: {  	_ =	swait.ge @p0 [sflag:s21], $0x2800  }
0x16: {  	s22 =	simm.s32 @p0 $0x0;
	s23 =	simm.s32 @p0 $0x50;
	[sflag:s21] =	ssyncset.done @p0 $0x0  }
0x17: {  	s24 =	simm.s32 @p0 $0x7;
	[sflag:s21] =	ssyncadd.s32 @p0 $0xFFFFD800;
	s21 =	simm.s32 @p0 $0x2780  }
0x18: {  	[tilespmem:s21], [sflag:$0x1] =	stream.indirect.gather @p0 [hbm4b:s2+s23], $0x80, s22, s23, $0xb8;
	[tilespmem:$0xEF80] =	vst v63  }
0x19: {  	_ =	swait.ge @p0 [sflag:s24], $0x2800  }
0x1a: {  	s21 =	simm.s32 @p0 $0x50;
	[sflag:s24] =	ssyncset.done @p0 $0x0  }
0x1b: {  	s22 =	simm.s32 @p0 $0x4F80;
	[sflag:s24] =	ssyncadd.s32 @p0 $0xFFFFD800;
	s24 =	simm.s32 @p0 $0x8  }
0x1c: {  	[tilespmem:s22], [sflag:$0x2] =	stream.indirect.gather @p0 [hbm4b:s2+s23], $0x80, s21, s23, $0xb8;
	[tilespmem:$0xEF80] =	vst v63  }
0x1d: {  	_ =	swait.ge @p0 [sflag:s24], $0x2800  }
0x1e: {  	s21 =	simm.s32 @p0 $0xA0;
	[sflag:s24] =	ssyncset.done @p0 $0x0  }
0x1f: {  	s22 =	simm.s32 @p0 $0x7780;
	[sflag:s24] =	ssyncadd.s32 @p0 $0xFFFFD800;
	s24 =	simm.s32 @p0 $0x9  }
0x20: {  	[tilespmem:s22], [sflag:$0x3] =	stream.indirect.gather @p0 [hbm4b:s2+s23], $0x80, s21, s23, $0xb8;
	[tilespmem:$0xEF80] =	vst v63  }
0x21: {  	_ =	swait.ge @p0 [sflag:s24], $0x2800  }
0x22: {  	s25 =	simm.s32 @p0 $0xA;
	[sflag:s24] =	ssyncset.done @p0 $0x0  }
0x23: {  	s21 =	simm.s32 $0xF0;
	s22 =	simm.s32 @p0 $0x9F80;
	[sflag:s24] =	ssyncadd.s32 @p0 $0xFFFFD800  }
0x24: {  	[tilespmem:s22], [sflag:$0x4] =	stream.indirect.gather @p0 [hbm4b:s2+s23], $0x80, s21, s23, $0xb8;
	[tilespmem:$0xEF80] =	vst v63  }
0x25: {  	_ =	swait.ge @p0 [sflag:s25], $0x2800  }
0x26: {  	s21 =	simm.s32 @!p0 $0x50;
	[sflag:s25] =	ssyncset.done @p0 $0x0  }
0x27: {  	s22 =	simm.s32 @!p0 $0x0;
	s23 =	simm.s32 @!p0 $0x2780;
	[sflag:s25] =	ssyncadd.s32 @p0 $0xFFFFD800  }
0x28: {  	[tilespmem:s23], [sflag:$0x1] =	stream.indirect.gather @!p0 [hbm4b:s2+s21], $0x80, s22, s21, $0xb8;
	[tilespmem:$0xEF80] =	vst v63  }
0x29: {  	s23 =	simm.s32 @!p0 $0x4F80  }
0x2a: {  	[tilespmem:s23], [sflag:$0x2] =	stream.indirect.gather @!p0 [hbm4b:s2+s21], $0x80, s21, s21, $0xb8;
	[tilespmem:$0xEF80] =	vst v63  }
0x2b: {  	s24 =	simm.s32 @!p0 $0x7780;
	s22 =	simm.s32 @p0 $0x0;
	s23 =	simm.s32 @!p0 $0xA0  }
0x2c: {  	[tilespmem:s24], [sflag:$0x3] =	stream.indirect.gather @!p0 [hbm4b:s2+s21], $0x80, s23, s21, $0xb8;
	[tilespmem:$0xEF80] =	vst v63  }
0x2d: {  	s22 =	simm.s32 @!p0 $0x0;
	s23 =	simm.s32 @!p0 $0xF0;
	s24 =	simm.s32 @!p0 $0x9F80  }
0x2e: {  	[tilespmem:s24], [sflag:$0x4] =	stream.indirect.gather @!p0 [hbm4b:s2+s21], $0x80, s23, s21, $0xb8;
	[tilespmem:$0xEF80] =	vst v63  }
0x2f: {  	s29 =	rddreg [dreg:$0x3];
	s30 =	sadd.s32 s3, s22;
	s24 =	sadd.s32 $0x140, s22  }
0x30: {  	[tilespmem:s9], [sflag:$0x5] =	stream.indirect.gather [hbm4b:s2+s29], $0x80, s24, s29, $0xb8;
	[tilespmem:$0xEF80] =	vst v63  }
0x31: {  	s21 =	sshll.u32 s30, $0x4;
	s23 =	simm.s32 @p0 $0x50;
	_ =	swait.ge [sflag:s10], $0x2800  }
0x32: {  	s22 =	simm.s32 $0x280;
	s21 =	sadd.s32 s5, s21;
	[sflag:s10] =	ssyncset.done $0x0  }
0x33: {  	s23 =	simm.s32 @!p0 $0x50;
	s0 =	rddreg [dreg:$0x4];
	[sflag:s10] =	ssyncadd.s32 $0xFFFFD800  }
0x34: {  	[hbm4b:s21+s4] =	stream.linear.scatter [tilespmem:s0], [sflag:$0x6], $0x2800, $0x38;
	[tilespmem:$0xEF80] =	vst v63  }
0x35: {  	s1 =	sadd.s32 s3, s23;
	s23 =	simm.s32 @p0 $0xA0;
	_ =	swait.ge [sflag:s11], $0x2800  }
0x36: {  	s23 =	simm.s32 @!p0 $0xA0;
	s21 =	sshll.u32 s1, $0x4;
	[sflag:s11] =	ssyncset.done $0x0  }
0x37: {  	s21 =	sadd.s32 s5, s21;
	s6 =	rddreg [dreg:$0x5];
	[sflag:s11] =	ssyncadd.s32 $0xFFFFD800  }
0x38: {  	[hbm4b:s21+s4] =	stream.linear.scatter [tilespmem:s6], [sflag:$0x7], $0x2800, $0x38;
	[tilespmem:$0xEF80] =	vst v63  }
0x39: {  	s25 =	sadd.s32 s3, s23;
	s23 =	simm.s32 $0xF0;
	_ =	swait.ge [sflag:s12], $0x2800  }
0x3a: {  	s23 =	simm.s32 @!p0 $0xF0;
	s21 =	sshll.u32 s25, $0x4;
	[sflag:s12] =	ssyncset.done $0x0  }
0x3b: {  	s21 =	sadd.s32 s5, s21;
	s26 =	rddreg [dreg:$0x6];
	[sflag:s12] =	ssyncadd.s32 $0xFFFFD800  }
0x3c: {  	[hbm4b:s21+s4] =	stream.linear.scatter [tilespmem:s26], [sflag:$0x8], $0x2800, $0x38;
	[tilespmem:$0xEF80] =	vst v63  }
0x3d: {  	s30 =	sadd.s32 s3, s24;
	s28 =	sadd.s32 s3, s23;
	_ =	swait.ge [sflag:s13], $0x2800  }
0x3e: {  	s31 =	sshll.u32 s30, $0x4;
	s21 =	sshll.u32 s28, $0x4;
	[sflag:s13] =	ssyncset.done $0x0  }
0x3f: {  	s21 =	sadd.s32 s5, s21;
	s29 =	rddreg [dreg:$0x7];
	[sflag:s13] =	ssyncadd.s32 $0xFFFFD800  }
0x40: {  	[hbm4b:s21+s4] =	stream.linear.scatter [tilespmem:s29], [sflag:$0x9], $0x2800, $0x38;
	[tilespmem:$0xEF80] =	vst v63  }
0x41: {  	p0 =	por $0x1, $0x1;
	s23 =	simm.s32 $0x410;
	s21 =	simm.s32 $0x280  }
.LBB2_2:
0x42: {  	_ =	swait.ge [sflag:s14], $0x2800  }
0x43: {  	s26 =	simm.s32 @p0 $0x6;
	s24 =	sadd.s32 @p0 $0xFFFFFF10, s21;
	[sflag:s14] =	ssyncset.done $0x0  }
0x44: {  	s25 =	sadd.s32 s5, s31;
	s24 =	simm.s32 @!p0 $0x0;
	[sflag:s14] =	ssyncadd.s32 $0xFFFFD800  }
0x45: {  	[hbm4b:s25+s4] =	stream.linear.scatter [tilespmem:s9], [sflag:$0xA], $0x2800, $0x38;
	[tilespmem:$0xEF80] =	vst v63  }
0x46: {  	s31 =	sadd.s32 @p0 $0xFFFFFF10, s22;
	s30 =	sadd.s32 s3, s24;
	_ =	swait.ge @p0 [sflag:s26], $0x2800  }
0x47: {  	s1 =	simm.s32 @p0 $0x50;
	s25 =	sshll.u32 s30, $0x4;
	[sflag:s26] =	ssyncset.done @p0 $0x0  }
0x48: {  	s30 =	simm.s32 @p0 $0x7;
	[sflag:s26] =	ssyncadd.s32 @p0 $0xFFFFD800;
	s26 =	simm.s32 @p0 $0x2780  }
0x49: {  	[tilespmem:s26], [sflag:$0x1] =	stream.indirect.gather @p0 [hbm4b:s2+s1], $0x80, s31, s1, $0xb8;
	[tilespmem:$0xEF80] =	vst v63  }
0x4a: {  	s28 =	sadd.s32 @p0 $0xFFFFFF60, s21;
	s0 =	simm.s32 @p0 $0x4F80;
	_ =	swait.ge @p0 [sflag:s30], $0x2800  }
0x4b: {  	s28 =	simm.s32 @!p0 $0x50;
	s31 =	sadd.s32 @p0 $0xFFFFFF60, s22;
	[sflag:s30] =	ssyncset.done @p0 $0x0  }
0x4c: {  	s26 =	sadd.s32 s3, s28;
	s28 =	simm.s32 @p0 $0x8;
	[sflag:s30] =	ssyncadd.s32 @p0 $0xFFFFD800  }
0x4d: {  	[tilespmem:s0], [sflag:$0x2] =	stream.indirect.gather @p0 [hbm4b:s2+s1], $0x80, s31, s1, $0xb8;
	[tilespmem:$0xEF80] =	vst v63  }
0x4e: {  	_ =	swait.ge @p0 [sflag:s28], $0x2800  }
0x4f: {  	s30 =	simm.s32 @p0 $0x7780;
	[sflag:s28] =	ssyncset.done @p0 $0x0  }
0x50: {  	s0 =	sadd.s32 @p0 $0xFFFFFFB0, s22;
	[sflag:s28] =	ssyncadd.s32 @p0 $0xFFFFD800;
	s28 =	simm.s32 @p0 $0x9  }
0x51: {  	[tilespmem:s30], [sflag:$0x3] =	stream.indirect.gather @p0 [hbm4b:s2+s1], $0x80, s0, s1, $0xb8;
	[tilespmem:$0xEF80] =	vst v63  }
0x52: {  	s6 =	sadd.s32 @p0 $0xFFFFFFB0, s21;
	_ =	swait.ge @p0 [sflag:s28], $0x2800  }
0x53: {  	s6 =	simm.s32 @!p0 $0xA0;
	[sflag:s28] =	ssyncset.done @p0 $0x0  }
0x54: {  	s31 =	simm.s32 @p0 $0xA;
	s0 =	simm.s32 @p0 $0x9F80;
	[sflag:s28] =	ssyncadd.s32 @p0 $0xFFFFD800  }
0x55: {  	[tilespmem:s0], [sflag:$0x4] =	stream.indirect.gather @p0 [hbm4b:s2+s1], $0x80, s22, s1, $0xb8;
	[tilespmem:$0xEF80] =	vst v63  }
0x56: {  	s6 =	sadd.s32 s3, s6;
	_ =	swait.ge @p0 [sflag:s31], $0x2800  }
0x57: {  	s30 =	sshll.u32 s6, $0x4;
	s6 =	simm.s32 @!p0 $0x2780;
	[sflag:s31] =	ssyncset.done @p0 $0x0  }
0x58: {  	s0 =	simm.s32 @!p0 $0x50;
	s1 =	simm.s32 @!p0 $0x0;
	[sflag:s31] =	ssyncadd.s32 @p0 $0xFFFFD800  }
0x59: {  	[tilespmem:s6], [sflag:$0x1] =	stream.indirect.gather @!p0 [hbm4b:s2+s0], $0x80, s1, s0, $0xb8;
	[tilespmem:$0xEF80] =	vst v63  }
0x5a: {  	s29 =	smov.u32 s23;
	s21 =	simm.s32 @!p0 $0xF0;
	s1 =	simm.s32 @!p0 $0x4F80  }
0x5b: {  	[tilespmem:s1], [sflag:$0x2] =	stream.indirect.gather @!p0 [hbm4b:s2+s0], $0x80, s0, s0, $0xb8;
	[tilespmem:$0xEF80] =	vst v63  }
0x5c: {  	s21 =	sadd.s32 s3, s21;
	s6 =	simm.s32 @!p0 $0x7780;
	s1 =	simm.s32 @!p0 $0xA0  }
0x5d: {  	[tilespmem:s6], [sflag:$0x3] =	stream.indirect.gather @!p0 [hbm4b:s2+s0], $0x80, s1, s0, $0xb8;
	[tilespmem:$0xEF80] =	vst v63  }
0x5e: {  	s28 =	sshll.u32 s21, $0x4;
	s1 =	simm.s32 @!p0 $0xF0;
	s6 =	simm.s32 @!p0 $0x9F80  }
0x5f: {  	[tilespmem:s6], [sflag:$0x4] =	stream.indirect.gather @!p0 [hbm4b:s2+s0], $0x80, s1, s0, $0xb8;
	[tilespmem:$0xEF80] =	vst v63  }
0x60: {  	s21 =	smov.u32 s29;
	s29 =	rddreg [dreg:$0x3];
	s6 =	sadd.s32 $0x140, s24  }
0x61: {  	[tilespmem:s9], [sflag:$0x5] =	stream.indirect.gather [hbm4b:s2+s29], $0x80, s6, s29, $0xb8;
	[tilespmem:$0xEF80] =	vst v63  }
0x62: {  	_ =	swait.ge [sflag:s10], $0x2800  }
0x63: {  	[sflag:s10] =	ssyncset.done $0x0  }
0x64: {  	s29 =	sadd.s32 s5, s25;
	s24 =	rddreg [dreg:$0x4];
	[sflag:s10] =	ssyncadd.s32 $0xFFFFD800  }
0x65: {  	[hbm4b:s29+s4] =	stream.linear.scatter [tilespmem:s24], [sflag:$0x6], $0x2800, $0x38;
	[tilespmem:$0xEF80] =	vst v63  }
0x66: {  	_ =	swait.ge [sflag:s11], $0x2800  }
0x67: {  	s26 =	sshll.u32 s26, $0x4;
	s0 =	sadd.s32 s3, s6;
	[sflag:s11] =	ssyncset.done $0x0  }
0x68: {  	s24 =	sadd.s32 s5, s26;
	s6 =	rddreg [dreg:$0x5];
	[sflag:s11] =	ssyncadd.s32 $0xFFFFD800  }
0x69: {  	[hbm4b:s24+s4] =	stream.linear.scatter [tilespmem:s6], [sflag:$0x7], $0x2800, $0x38;
	[tilespmem:$0xEF80] =	vst v63  }
0x6a: {  	s23 =	sadd.s32 $0x190, s23;
	_ =	swait.ge [sflag:s12], $0x2800  }
0x6b: {  	p1 =	sne.s32 s23, $0x2800;
	[sflag:s12] =	ssyncset.done $0x0  }
0x6c: {  	s26 =	sadd.s32 s5, s30;
	s25 =	rddreg [dreg:$0x6];
	[sflag:s12] =	ssyncadd.s32 $0xFFFFD800  }
0x6d: {  	[hbm4b:s26+s4] =	stream.linear.scatter [tilespmem:s25], [sflag:$0x8], $0x2800, $0x38;
	[tilespmem:$0xEF80] =	vst v63  }
.Ltmp0:
0x6e: {  	_ = 	snop;
	(pc) =	sbr.rel @p1 .LBB2_2-.Ltmp0, $4  }
0x6f: {  	s22 =	sadd.s32 $0x190, s22;
	_ =	swait.ge [sflag:s13], $0x2800  }
0x70: {  	p0 =	sne.s32 s21, $0xF0;
	s31 =	sshll.u32 s0, $0x4;
	[sflag:s13] =	ssyncset.done $0x0  }
0x71: {  	s30 =	sadd.s32 s5, s28;
	s29 =	rddreg [dreg:$0x7];
	[sflag:s13] =	ssyncadd.s32 $0xFFFFD800  }
0x72: {  	[hbm4b:s30+s4] =	stream.linear.scatter [tilespmem:s29], [sflag:$0x9], $0x2800, $0x38;
	[tilespmem:$0xEF80] =	vst v63  }
0x73: {  	_ =	swait.ge [sflag:s14], $0x2800  }
0x74: {  	[sflag:s14] =	ssyncset.done $0x0  }
0x75: {  	s0 =	simm.s32 @p0 $0x6;
	s1 =	sadd.s32 s5, s31;
	[sflag:s14] =	ssyncadd.s32 $0xFFFFD800  }
0x76: {  	[hbm4b:s1+s4] =	stream.linear.scatter [tilespmem:s9], [sflag:$0xA], $0x2800, $0x38;
	[tilespmem:$0xEF80] =	vst v63  }
0x77: {  	_ =	swait.ge @p0 [sflag:s0], $0x2800  }
0x78: {  	s6 =	simm.s32 @p0 $0x50;
	[sflag:s0] =	ssyncset.done @p0 $0x0  }
0x79: {  	s1 =	sadd.s32 @p0 $0xFFFFFF10, s22;
	[sflag:s0] =	ssyncadd.s32 @p0 $0xFFFFD800;
	s0 =	simm.s32 @p0 $0x2780  }
0x7a: {  	[tilespmem:s0], [sflag:$0x1] =	stream.indirect.gather @p0 [hbm4b:s2+s6], $0x80, s1, s6, $0xb8;
	[tilespmem:$0xEF80] =	vst v63  }
0x7b: {  	s0 =	simm.s32 @p0 $0x7  }
0x7c: {  	_ =	swait.ge @p0 [sflag:s0], $0x2800  }
0x7d: {  	[sflag:s0] =	ssyncset.done @p0 $0x0  }
0x7e: {  	s1 =	sadd.s32 @p0 $0xFFFFFF60, s22;
	[sflag:s0] =	ssyncadd.s32 @p0 $0xFFFFD800;
	s0 =	simm.s32 @p0 $0x4F80  }
0x7f: {  	[tilespmem:s0], [sflag:$0x2] =	stream.indirect.gather @p0 [hbm4b:s2+s6], $0x80, s1, s6, $0xb8;
	[tilespmem:$0xEF80] =	vst v63  }
0x80: {  	s0 =	simm.s32 @p0 $0x8  }
0x81: {  	_ =	swait.ge @p0 [sflag:s0], $0x2800  }
0x82: {  	[sflag:s0] =	ssyncset.done @p0 $0x0  }
0x83: {  	s1 =	sadd.s32 @p0 $0xFFFFFFB0, s22;
	[sflag:s0] =	ssyncadd.s32 @p0 $0xFFFFD800;
	s0 =	simm.s32 @p0 $0x7780  }
0x84: {  	[tilespmem:s0], [sflag:$0x3] =	stream.indirect.gather @p0 [hbm4b:s2+s6], $0x80, s1, s6, $0xb8;
	[tilespmem:$0xEF80] =	vst v63  }
0x85: {  	s0 =	simm.s32 @p0 $0x9  }
0x86: {  	_ =	swait.ge @p0 [sflag:s0], $0x2800  }
0x87: {  	[sflag:s0] =	ssyncset.done @p0 $0x0  }
0x88: {  	[sflag:s0] =	ssyncadd.s32 @p0 $0xFFFFD800;
	s0 =	simm.s32 @p0 $0x9F80  }
0x89: {  	[tilespmem:s0], [sflag:$0x4] =	stream.indirect.gather @p0 [hbm4b:s2+s6], $0x80, s22, s6, $0xb8;
	[tilespmem:$0xEF80] =	vst v63  }
0x8a: {  	s0 =	simm.s32 @p0 $0xA  }
0x8b: {  	_ =	swait.ge @p0 [sflag:s0], $0x2800  }
0x8c: {  	s1 =	simm.s32 @!p0 $0x50;
	[sflag:s0] =	ssyncset.done @p0 $0x0  }
0x8d: {  	s6 =	simm.s32 @!p0 $0x0;
	[sflag:s0] =	ssyncadd.s32 @p0 $0xFFFFD800;
	s0 =	simm.s32 @!p0 $0x2780  }
0x8e: {  	[tilespmem:s0], [sflag:$0x1] =	stream.indirect.gather @!p0 [hbm4b:s2+s1], $0x80, s6, s1, $0xb8;
	[tilespmem:$0xEF80] =	vst v63  }
0x8f: {  	s0 =	simm.s32 @!p0 $0x4F80  }
0x90: {  	[tilespmem:s0], [sflag:$0x2] =	stream.indirect.gather @!p0 [hbm4b:s2+s1], $0x80, s1, s1, $0xb8;
	[tilespmem:$0xEF80] =	vst v63  }
0x91: {  	s6 =	simm.s32 @!p0 $0x7780;
	s0 =	simm.s32 @!p0 $0xA0  }
0x92: {  	[tilespmem:s6], [sflag:$0x3] =	stream.indirect.gather @!p0 [hbm4b:s2+s1], $0x80, s0, s1, $0xb8;
	[tilespmem:$0xEF80] =	vst v63  }
0x93: {  	s0 =	simm.s32 @!p0 $0xF0;
	s6 =	simm.s32 @!p0 $0x9F80  }
0x94: {  	[tilespmem:s6], [sflag:$0x4] =	stream.indirect.gather @!p0 [hbm4b:s2+s1], $0x80, s0, s1, $0xb8;
	[tilespmem:$0xEF80] =	vst v63  }
0x95: {  	s0 =	sadd.s32 @p0 $0xFFFFFF10, s21  }
0x96: {  	s0 =	simm.s32 @!p0 $0x0  }
0x97: {  	s23 =	rddreg [dreg:$0x3];
	s24 =	sadd.s32 $0x140, s0  }
0x98: {  	[tilespmem:s9], [sflag:$0x5] =	stream.indirect.gather [hbm4b:s2+s23], $0x80, s24, s23, $0xb8;
	[tilespmem:$0xEF80] =	vst v63  }
0x99: {  	s0 =	sadd.s32 s3, s0;
	_ =	swait.ge [sflag:s10], $0x2800  }
0x9a: {  	s0 =	sshll.u32 s0, $0x4;
	[sflag:s10] =	ssyncset.done $0x0  }
0x9b: {  	s0 =	sadd.s32 s5, s0;
	s25 =	rddreg [dreg:$0x4];
	[sflag:s10] =	ssyncadd.s32 $0xFFFFD800  }
0x9c: {  	[hbm4b:s0+s4] =	stream.linear.scatter [tilespmem:s25], [sflag:$0x6], $0x2800, $0x38;
	[tilespmem:$0xEF80] =	vst v63  }
0x9d: {  	s0 =	sadd.s32 @p0 $0xFFFFFF60, s21  }
0x9e: {  	s0 =	simm.s32 @!p0 $0x50  }
0x9f: {  	_ =	swait.ge [sflag:s11], $0x2800;
	s0 =	sadd.s32 s3, s0  }
0xa0: {  	[sflag:s11] =	ssyncset.done $0x0;
	s0 =	sshll.u32 s0, $0x4  }
0xa1: {  	s26 =	rddreg [dreg:$0x5];
	[sflag:s11] =	ssyncadd.s32 $0xFFFFD800;
	s0 =	sadd.s32 s5, s0  }
0xa2: {  	[hbm4b:s0+s4] =	stream.linear.scatter [tilespmem:s26], [sflag:$0x7], $0x2800, $0x38;
	[tilespmem:$0xEF80] =	vst v63  }
0xa3: {  	s0 =	sadd.s32 @p0 $0xFFFFFFB0, s21  }
0xa4: {  	s0 =	simm.s32 @!p0 $0xA0  }
0xa5: {  	_ =	swait.ge [sflag:s12], $0x2800;
	s0 =	sadd.s32 s3, s0  }
0xa6: {  	s21 =	simm.s32 @!p0 $0xF0;
	[sflag:s12] =	ssyncset.done $0x0;
	s0 =	sshll.u32 s0, $0x4  }
0xa7: {  	s28 =	rddreg [dreg:$0x6];
	[sflag:s12] =	ssyncadd.s32 $0xFFFFD800;
	s0 =	sadd.s32 s5, s0  }
0xa8: {  	[hbm4b:s0+s4] =	stream.linear.scatter [tilespmem:s28], [sflag:$0x8], $0x2800, $0x38;
	[tilespmem:$0xEF80] =	vst v63  }
0xa9: {  	s29 =	sadd.s32 s3, s21;
	_ =	swait.ge [sflag:s13], $0x2800  }
0xaa: {  	s0 =	sshll.u32 s29, $0x4;
	[sflag:s13] =	ssyncset.done $0x0  }
0xab: {  	s0 =	sadd.s32 s5, s0;
	s30 =	rddreg [dreg:$0x7];
	[sflag:s13] =	ssyncadd.s32 $0xFFFFD800  }
0xac: {  	[hbm4b:s0+s4] =	stream.linear.scatter [tilespmem:s30], [sflag:$0x9], $0x2800, $0x38;
	[tilespmem:$0xEF80] =	vst v63  }
0xad: {  	s31 =	sadd.s32 s3, s24;
	_ =	swait.ge [sflag:s14], $0x2800  }
0xae: {  	s0 =	sshll.u32 s31, $0x4;
	[sflag:s14] =	ssyncset.done $0x0  }
0xaf: {  	s0 =	sadd.s32 s5, s0;
	[sflag:s14] =	ssyncadd.s32 $0xFFFFD800  }
0xb0: {  	[hbm4b:s0+s4] =	stream.linear.scatter [tilespmem:s9], [sflag:$0xA], $0x2800, $0x38;
	[tilespmem:$0xEF80] =	vst v63  }
0xb1: {  	_ =	swait.ge [sflag:s15], $0x2800  }
0xb2: {  	[sflag:s15] =	ssyncset.done $0x0  }
0xb3: {  	[sflag:s15] =	ssyncadd.s32 $0xFFFFD800  }
0xb4: {  	_ =	swait.ge [sflag:s16], $0x2800  }
0xb5: {  	[sflag:s16] =	ssyncset.done $0x0  }
0xb6: {  	[sflag:s16] =	ssyncadd.s32 $0xFFFFD800  }
0xb7: {  	_ =	swait.ge [sflag:s17], $0x2800  }
0xb8: {  	[sflag:s17] =	ssyncset.done $0x0  }
0xb9: {  	s20 =	sadd.s32 $0x1, s20;
	[sflag:s17] =	ssyncadd.s32 $0xFFFFD800  }
0xba: {  	p0 =	sne.s32 s20, s7;
	_ =	swait.ge [sflag:s18], $0x2800  }
.Ltmp1:
0xbb: {  	[sflag:s18] =	ssyncset.done $0x0;
	(pc) =	sbr.rel @p0 .LBB2_1-.Ltmp1, $4  }
0xbc: {  	[sflag:s18] =	ssyncadd.s32 $0xFFFFD800  }
0xbd: {  	_ =	swait.ge [sflag:s19], $0x2800  }
0xbe: {  	[sflag:s19] =	ssyncset.done $0x0  }
0xbf: {  	[sflag:s19] =	ssyncadd.s32 $0xFFFFD800  }
0xc0: {  	_ =	sfence.sel $0x180000  }
0xc1: {  	[bflag:$0x0] =	sbarrier.arrive $0xFFFF  }
0xc2: {  	_ =	strace $0x90000047  }
0xc3: {  	s0 =	stileid.u32;
	[bflag:$0x2] =	sbarrier.arrive $0xFFFF  }
0xc4: {  	p0 =	sne.s32 s0, $0x0;
	s0 =	rddreg [dreg:$0x2]  }
0xc5: {  	s0 =	sadd.s32 @!p0 $0x100000, s0  }
0xc6: {  	[sflag:s0] =	ssyncadd.tile.s32 @!p0 $0x1;
	_ =	shalt  }
.Lfunc_end2:
_tile_overlayer_lowered:
.L_overlay_start_2:
0xc7: {  	(tag) =	ssettag $0x2  }
0xc8: {  	s0 =	rddreg [dreg:$0x0];
	s2 =	stileid.u32  }
0xc9: {  	s1 =	rddreg [dreg:$0x1];
	p0 =	sne.s32 s2, $0x0  }
0xca: {  	s3 =	rddreg [dreg:$0x2];
	[bflag:$0x3] =	sbarrier.arrive $0xFFFF;
	s2 =	simm.s32 @!p0 $0x1C0B  }
0xcb: {  	[timem:s3], [sflag:s2] =	dma.local @!p0 [hbm:s0], s1  }
0xcc: {  	s0 =	simm.s32 @!p0 $0xB  }
0xcd: {  	_ =	swait.ge @!p0 [sflag:s0], s1  }
0xce: {  	s1 =	ssub.s32 @!p0 $0x0, s1;
	[sflag:s0] =	ssyncset.done @!p0 $0x0  }
0xcf: {  	[sflag:s0] =	ssyncadd.s32 @!p0 s1  }
0xd0: {  	[bflag:$0x3] =	sbarrier.arrive $0xFFFF  }
0xd1: {  	_ =	shalt  }

</sc_bundles>
